<compile_context>
chip_gen: v7x
topology: tpu7x:2x2x1
jax: 0.10.2.dev20260603
libtpu: 0.0.44.dev20260713+nightly
codegen_flags: <defaults>
</compile_context>

<pallas_src>
import functools

import jax
import jax.numpy as jnp
from jax import lax
from jax.experimental import pallas as pl
from jax.experimental.pallas import tpu as pltpu
from jax.experimental.pallas import tpu_sc as plsc

DIM = 128
NHOUR = 24
NDOW = 7
NCOMB = NHOUR * NDOW

NCORES = 2
NSUBCORES = 16
NW = NCORES * NSUBCORES

TOTAL = 16384 * 200
PER_W = TOTAL // NW
BLK = 2048
CH = 128
N_BLK = PER_W // BLK
N_CH = BLK // CH
R = 4


def _combine_tables_tc(h_ref, d_ref, o_ref):
    o_ref[...] = h_ref[...][:, None, :] + d_ref[...][None, :, :]


_combine_tables = pl.pallas_call(
    _combine_tables_tc,
    out_shape=jax.ShapeDtypeStruct((NHOUR, NDOW, DIM), jnp.float32),
)


def _sc_lookup_body(h_hbm, d_hbm, tab_hbm, out_hbm,
                    h2, d2, c2, rows, tab_sh,
                    isem0, isem1, gsem0, gsem1, gsem2, gsem3,
                    ssem0, ssem1, ssem2, ssem3):
    isems = (isem0, isem1)
    gsems = (gsem0, gsem1, gsem2, gsem3)
    ssems = (ssem0, ssem1, ssem2, ssem3)

    sid = lax.axis_index("s")
    wid = sid * NCORES + lax.axis_index("c")
    base = wid * PER_W

    @pl.when(sid == 0)
    def _():
        pltpu.sync_copy(tab_hbm, tab_sh)

    plsc.subcore_barrier()

    def issue_idx(b, pslot):
        off = base + b * BLK
        pltpu.async_copy(h_hbm.at[pl.ds(off, BLK)], h2.at[pslot], isems[pslot])
        pltpu.async_copy(d_hbm.at[pl.ds(off, BLK)], d2.at[pslot], isems[pslot])

    def wait_idx(pslot):
        pltpu.make_async_copy(
            h_hbm.at[pl.ds(0, BLK)], h2.at[pslot], isems[pslot]).wait()
        pltpu.make_async_copy(
            d_hbm.at[pl.ds(0, BLK)], d2.at[pslot], isems[pslot]).wait()

    def wait_store(slot):
        pltpu.make_async_copy(
            rows.at[slot], out_hbm.at[pl.ds(base, CH)], ssems[slot]).wait()

    def wait_gather(slot, pslot):
        pltpu.make_async_copy(
            tab_sh.at[c2.at[pslot].at[pl.ds(0, CH)]], rows.at[slot],
            gsems[slot]).wait()

    issue_idx(0, 0)

    def pair_body(p, carry):
        for half in range(2):
            b = 2 * p + half
            pslot = half
            nslot = 1 - half

            wait_idx(pslot)

            @pl.when(b + 1 < N_BLK)
            def _():
                issue_idx(b + 1, nslot)

            def cbody(i, carry2):
                s = pl.ds(i * 16, 16)
                c2[pslot, s] = h2[pslot, s] * NDOW + d2[pslot, s]
                return carry2

            lax.fori_loop(0, BLK // 16, cbody, 0, unroll=8)

            def qbody(q, carry2):
                for slot in range(R):
                    j = q * R + slot
                    k = b * N_CH + j

                    @pl.when(k >= R)
                    def _():
                        wait_store(slot)

                    pltpu.async_copy(
                        tab_sh.at[c2.at[pslot].at[pl.ds(j * CH, CH)]],
                        rows.at[slot], gsems[slot])

                    s2 = (slot + 2) % R

                    @pl.when(k >= 2)
                    def _():
                        wait_gather(s2, pslot)
                        pltpu.async_copy(
                            rows.at[s2],
                            out_hbm.at[pl.ds(base + (k - 2) * CH, CH)],
                            ssems[s2])
                return carry2

            lax.fori_loop(0, N_CH // R, qbody, 0, unroll=2)
        return carry

    lax.fori_loop(0, N_BLK // 2, pair_body, 0)

    last = N_BLK * N_CH
    for step in (last - 2, last - 1):
        slot = step % R
        wait_gather(slot, (N_BLK - 1) % 2)
        pltpu.async_copy(
            rows.at[slot], out_hbm.at[pl.ds(base + step * CH, CH)],
            ssems[slot])
    for slot in range(R):
        wait_store(slot)


_sc_lookup = functools.partial(
    pl.kernel,
    mesh=plsc.VectorSubcoreMesh(core_axis_name="c", subcore_axis_name="s"),
    out_type=jax.ShapeDtypeStruct((TOTAL, DIM), jnp.float32),
    scratch_types=[
        pltpu.VMEM((2, BLK), jnp.int32),
        pltpu.VMEM((2, BLK), jnp.int32),
        pltpu.VMEM((2, BLK), jnp.int32),
        pltpu.VMEM((R, CH, DIM), jnp.float32),
        pltpu.VMEM_SHARED((NCOMB, DIM), jnp.float32),
        pltpu.SemaphoreType.DMA,
        pltpu.SemaphoreType.DMA,
        pltpu.SemaphoreType.DMA,
        pltpu.SemaphoreType.DMA,
        pltpu.SemaphoreType.DMA,
        pltpu.SemaphoreType.DMA,
        pltpu.SemaphoreType.DMA,
        pltpu.SemaphoreType.DMA,
        pltpu.SemaphoreType.DMA,
        pltpu.SemaphoreType.DMA,
    ],
)(_sc_lookup_body)


def kernel(hour_idx, dow_idx, hour_table, dow_table):
    shape = hour_idx.shape
    h = hour_idx.reshape(-1).astype(jnp.int32)
    d = dow_idx.reshape(-1).astype(jnp.int32)
    ctable = _combine_tables(
        hour_table.astype(jnp.float32), dow_table.astype(jnp.float32)
    ).reshape(NCOMB, DIM)
    out = _sc_lookup(h, d, ctable)
    return out.reshape(shape + (DIM,))

# --- scband reference (transcript-rebuilt; emitter-appended) ---
"""Pipeline reference for scband-calendar-tokens-78194174591326 (READ-ONLY COPY).

The authoritative reference and input builder live on the scoring server;
editing this copy changes nothing except your own understanding.
"""

import jax, jax.numpy as jnp
import numpy as np

DIM = 128
HOUR = 24
DOW = 7

def setup_inputs(seed: int = 0) -> dict:
    key = jax.random.key(seed)
    k1, k2, k3, k4 = jax.random.split(key, 4)
    hour_idx = jax.random.randint(k1, (16384, 200), 0, HOUR, dtype=jnp.int64 if jax.config.jax_enable_x64 else jnp.int32)
    dow_idx = jax.random.randint(k2, (16384, 200), 0, DOW, dtype=jnp.int64 if jax.config.jax_enable_x64 else jnp.int32)
    hour_table = jax.random.normal(k3, (HOUR, DIM), dtype=jnp.float32)
    dow_table = jax.random.normal(k4, (DOW, DIM), dtype=jnp.float32)
    return {"hour_idx": hour_idx, "dow_idx": dow_idx, "hour_table": hour_table, "dow_table": dow_table}

def reference(hour_idx, dow_idx, hour_table, dow_table):
    hour_token = jnp.take(hour_table, hour_idx, axis=0)
    dow_token = jnp.take(dow_table, dow_idx, axis=0)
    return hour_token + dow_token

if __name__ == "__main__":
    import jax
    _d = setup_inputs()
    print(jax.jit(kernel)(*tuple(_d.values())))

</pallas_src>

<mosaic_0001>
#map = affine_map<(d0, d1) -> (0)>
#map1 = affine_map<(d0, d1) -> (0, 0)>
module attributes {stable_mosaic.version = 14 : i64} {
  func.func @_sc_lookup_body(%arg0: i32, %arg1: i32, %arg2: memref<3276800xi32, #tpu.memory_space<hbm>>, %arg3: memref<3276800xi32, #tpu.memory_space<hbm>>, %arg4: memref<168x128xf32, #tpu.memory_space<hbm>>, %arg5: memref<3276800x128xf32, #tpu.memory_space<hbm>>, %arg6: memref<2x2048xi32, #tpu.memory_space<vmem>>, %arg7: memref<2x2048xi32, #tpu.memory_space<vmem>>, %arg8: memref<2x2048xi32, #tpu.memory_space<vmem>>, %arg9: memref<4x128x128xf32, #tpu.memory_space<vmem>>, %arg10: memref<168x128xf32, #tpu.memory_space<vmem_shared>>, %arg11: memref<!tpu.dma_semaphore, #tpu.memory_space<semaphore_mem>>, %arg12: memref<!tpu.dma_semaphore, #tpu.memory_space<semaphore_mem>>, %arg13: memref<!tpu.dma_semaphore, #tpu.memory_space<semaphore_mem>>, %arg14: memref<!tpu.dma_semaphore, #tpu.memory_space<semaphore_mem>>, %arg15: memref<!tpu.dma_semaphore, #tpu.memory_space<semaphore_mem>>, %arg16: memref<!tpu.dma_semaphore, #tpu.memory_space<semaphore_mem>>, %arg17: memref<!tpu.dma_semaphore, #tpu.memory_space<semaphore_mem>>, %arg18: memref<!tpu.dma_semaphore, #tpu.memory_space<semaphore_mem>>, %arg19: memref<!tpu.dma_semaphore, #tpu.memory_space<semaphore_mem>>, %arg20: memref<!tpu.dma_semaphore, #tpu.memory_space<semaphore_mem>>) attributes {dimension_semantics = [#tpu.dimension_semantics<core_parallel>, #tpu.dimension_semantics<subcore_parallel>], iteration_bounds = array<i64: 2, 16>, scalar_prefetch = 0 : i64, scratch_operands = 15 : i64, tpu.core_type = #tpu.core_type<sc_vector_subcore>, window_params = [{transform_indices = #map}, {transform_indices = #map}, {transform_indices = #map1}, {transform_indices = #map1}]} {
    %mul3A = arith.constant 2 : i32
    %mul3A_0 = arith.muli %arg1, %mul3A : i32
    %add3A = arith.addi %mul3A_0, %arg0 : i32
    %mul3A_1 = arith.constant 102400 : i32
    %mul3A_2 = arith.muli %add3A, %mul3A_1 : i32
    %eq3A = arith.constant 0 : i32
    %eq3A_3 = arith.cmpi eq, %arg1, %eq3A : i32
    %convert_element_type3A = arith.extui %eq3A_3 : i1 to i32
    %cond3A = arith.constant 0 : i32
    %cond3A_4 = arith.cmpi ne, %convert_element_type3A, %cond3A : i32
    scf.if %cond3A_4 {
      "tpu.region"() ({
        %run_scoped3A = tpu.sem_alloc : memref<!tpu.dma_semaphore, #tpu.memory_space<semaphore_mem>>
        tpu.enqueue_dma source(%arg4 : memref<168x128xf32, #tpu.memory_space<hbm>>) target(%arg10 : memref<168x128xf32, #tpu.memory_space<vmem_shared>>) target_semaphore(%run_scoped3A : memref<!tpu.dma_semaphore, #tpu.memory_space<semaphore_mem>>)
        tpu.wait_dma2 semaphore(%run_scoped3A : memref<!tpu.dma_semaphore, #tpu.memory_space<semaphore_mem>>) src(%arg4 : memref<168x128xf32, #tpu.memory_space<hbm>>) dst(%arg10 : memref<168x128xf32, #tpu.memory_space<vmem_shared>>)
        tpu.yield
      }) : () -> ()
    } else {
    }
    %barrier3A = arith.constant 0 : index
    tpu.barrier barrier_id(%barrier3A)
    %add3A_5 = arith.constant 0 : i32
    %add3A_6 = arith.addi %mul3A_2, %add3A_5 : i32
    %dma_start3A = arith.constant 0 : i32
    %dma_start3A_7 = arith.constant 0 : i32
    %dma_start3A_8 = tpu.memref_slice %arg6[%dma_start3A, %dma_start3A_7] : memref<2x2048xi32, #tpu.memory_space<vmem>> -> memref<1x2048xi32, #tpu.memory_space<vmem>>
    %dma_start3A_9 = tpu.memref_squeeze %dma_start3A_8 : memref<1x2048xi32, #tpu.memory_space<vmem>> -> memref<2048xi32, #tpu.memory_space<vmem>>
    %dma_start3A_10 = tpu.memref_slice %arg2[%add3A_6] : memref<3276800xi32, #tpu.memory_space<hbm>> -> memref<2048xi32, #tpu.memory_space<hbm>>
    %dma_start3A_11 = arith.constant 0 : i32
    %dma_start3A_12 = tpu.memref_slice %arg6[%dma_start3A, %dma_start3A_11] : memref<2x2048xi32, #tpu.memory_space<vmem>> -> memref<1x2048xi32, #tpu.memory_space<vmem>>
    %dma_start3A_13 = tpu.memref_squeeze %dma_start3A_12 : memref<1x2048xi32, #tpu.memory_space<vmem>> -> memref<2048xi32, #tpu.memory_space<vmem>>
    %dma_start3A_14 = tpu.memref_slice %arg2[%add3A_6] : memref<3276800xi32, #tpu.memory_space<hbm>> -> memref<2048xi32, #tpu.memory_space<hbm>>
    tpu.enqueue_dma source(%dma_start3A_14 : memref<2048xi32, #tpu.memory_space<hbm>>) target(%dma_start3A_13 : memref<2048xi32, #tpu.memory_space<vmem>>) target_semaphore(%arg11 : memref<!tpu.dma_semaphore, #tpu.memory_space<semaphore_mem>>)
    %dma_start3A_15 = arith.constant 0 : i32
    %dma_start3A_16 = arith.constant 0 : i32
    %dma_start3A_17 = tpu.memref_slice %arg7[%dma_start3A_15, %dma_start3A_16] : memref<2x2048xi32, #tpu.memory_space<vmem>> -> memref<1x2048xi32, #tpu.memory_space<vmem>>
    %dma_start3A_18 = tpu.memref_squeeze %dma_start3A_17 : memref<1x2048xi32, #tpu.memory_space<vmem>> -> memref<2048xi32, #tpu.memory_space<vmem>>
    %dma_start3A_19 = tpu.memref_slice %arg3[%add3A_6] : memref<3276800xi32, #tpu.memory_space<hbm>> -> memref<2048xi32, #tpu.memory_space<hbm>>
    %dma_start3A_20 = arith.constant 0 : i32
    %dma_start3A_21 = tpu.memref_slice %arg7[%dma_start3A_15, %dma_start3A_20] : memref<2x2048xi32, #tpu.memory_space<vmem>> -> memref<1x2048xi32, #tpu.memory_space<vmem>>
    %dma_start3A_22 = tpu.memref_squeeze %dma_start3A_21 : memref<1x2048xi32, #tpu.memory_space<vmem>> -> memref<2048xi32, #tpu.memory_space<vmem>>
    %dma_start3A_23 = tpu.memref_slice %arg3[%add3A_6] : memref<3276800xi32, #tpu.memory_space<hbm>> -> memref<2048xi32, #tpu.memory_space<hbm>>
    tpu.enqueue_dma source(%dma_start3A_23 : memref<2048xi32, #tpu.memory_space<hbm>>) target(%dma_start3A_22 : memref<2048xi32, #tpu.memory_space<vmem>>) target_semaphore(%arg11 : memref<!tpu.dma_semaphore, #tpu.memory_space<semaphore_mem>>)
    %scan3A = arith.constant 0 : i32
    %scan3A_24 = arith.constant 0 : i32
    %scan3A_25 = arith.constant 25 : i32
    %scan3A_26 = arith.addi %scan3A_24, %scan3A_25 : i32
    %scan3A_27 = arith.constant 1 : i32
    scf.for %scan3A_138 = %scan3A_24 to %scan3A_26 step %scan3A_27  : i32 {
      %mul3A_139 = arith.constant 2 : i32
      %mul3A_140 = arith.muli %mul3A_139, %scan3A_138 : i32
      %add3A_141 = arith.constant 0 : i32
      %add3A_142 = arith.addi %mul3A_140, %add3A_141 : i32
      %dma_wait3A_143 = arith.constant 0 : i32
      %dma_wait3A_144 = arith.constant 0 : i32
      %dma_wait3A_145 = tpu.memref_slice %arg6[%dma_wait3A_143, %dma_wait3A_144] : memref<2x2048xi32, #tpu.memory_space<vmem>> -> memref<1x2048xi32, #tpu.memory_space<vmem>>
      %dma_wait3A_146 = tpu.memref_squeeze %dma_wait3A_145 : memref<1x2048xi32, #tpu.memory_space<vmem>> -> memref<2048xi32, #tpu.memory_space<vmem>>
      %dma_wait3A_147 = arith.constant 0 : i32
      %dma_wait3A_148 = tpu.memref_slice %arg2[%dma_wait3A_147] : memref<3276800xi32, #tpu.memory_space<hbm>> -> memref<2048xi32, #tpu.memory_space<hbm>>
      %dma_wait3A_149 = arith.constant 0 : i32
      %dma_wait3A_150 = tpu.memref_slice %arg6[%dma_wait3A_143, %dma_wait3A_149] : memref<2x2048xi32, #tpu.memory_space<vmem>> -> memref<1x2048xi32, #tpu.memory_space<vmem>>
      %dma_wait3A_151 = tpu.memref_squeeze %dma_wait3A_150 : memref<1x2048xi32, #tpu.memory_space<vmem>> -> memref<2048xi32, #tpu.memory_space<vmem>>
      %dma_wait3A_152 = arith.constant 0 : i32
      %dma_wait3A_153 = tpu.memref_slice %arg2[%dma_wait3A_152] : memref<3276800xi32, #tpu.memory_space<hbm>> -> memref<2048xi32, #tpu.memory_space<hbm>>
      tpu.wait_dma2 semaphore(%arg11 : memref<!tpu.dma_semaphore, #tpu.memory_space<semaphore_mem>>) src(%dma_wait3A_153 : memref<2048xi32, #tpu.memory_space<hbm>>) dst(%dma_wait3A_151 : memref<2048xi32, #tpu.memory_space<vmem>>)
      %dma_wait3A_154 = arith.constant 0 : i32
      %dma_wait3A_155 = arith.constant 0 : i32
      %dma_wait3A_156 = tpu.memref_slice %arg7[%dma_wait3A_154, %dma_wait3A_155] : memref<2x2048xi32, #tpu.memory_space<vmem>> -> memref<1x2048xi32, #tpu.memory_space<vmem>>
      %dma_wait3A_157 = tpu.memref_squeeze %dma_wait3A_156 : memref<1x2048xi32, #tpu.memory_space<vmem>> -> memref<2048xi32, #tpu.memory_space<vmem>>
      %dma_wait3A_158 = arith.constant 0 : i32
      %dma_wait3A_159 = tpu.memref_slice %arg3[%dma_wait3A_158] : memref<3276800xi32, #tpu.memory_space<hbm>> -> memref<2048xi32, #tpu.memory_space<hbm>>
      %dma_wait3A_160 = arith.constant 0 : i32
      %dma_wait3A_161 = tpu.memref_slice %arg7[%dma_wait3A_154, %dma_wait3A_160] : memref<2x2048xi32, #tpu.memory_space<vmem>> -> memref<1x2048xi32, #tpu.memory_space<vmem>>
      %dma_wait3A_162 = tpu.memref_squeeze %dma_wait3A_161 : memref<1x2048xi32, #tpu.memory_space<vmem>> -> memref<2048xi32, #tpu.memory_space<vmem>>
      %dma_wait3A_163 = arith.constant 0 : i32
      %dma_wait3A_164 = tpu.memref_slice %arg3[%dma_wait3A_163] : memref<3276800xi32, #tpu.memory_space<hbm>> -> memref<2048xi32, #tpu.memory_space<hbm>>
      tpu.wait_dma2 semaphore(%arg11 : memref<!tpu.dma_semaphore, #tpu.memory_space<semaphore_mem>>) src(%dma_wait3A_164 : memref<2048xi32, #tpu.memory_space<hbm>>) dst(%dma_wait3A_162 : memref<2048xi32, #tpu.memory_space<vmem>>)
      %add3A_165 = arith.constant 1 : i32
      %add3A_166 = arith.addi %add3A_142, %add3A_165 : i32
      %lt3A = arith.constant 50 : i32
      %lt3A_167 = arith.cmpi slt, %add3A_166, %lt3A : i32
      %convert_element_type3A_168 = arith.extui %lt3A_167 : i1 to i32
      %cond3A_169 = arith.constant 0 : i32
      %cond3A_170 = arith.cmpi ne, %convert_element_type3A_168, %cond3A_169 : i32
      scf.if %cond3A_170 {
        %add3A_228 = arith.constant 1 : i32
        %add3A_229 = arith.addi %add3A_142, %add3A_228 : i32
        %mul3A_230 = arith.constant 2048 : i32
        %mul3A_231 = arith.muli %add3A_229, %mul3A_230 : i32
        %add3A_232 = arith.addi %mul3A_2, %mul3A_231 : i32
        %dma_start3A_233 = arith.constant 1 : i32
        %dma_start3A_234 = arith.constant 0 : i32
        %dma_start3A_235 = tpu.memref_slice %arg6[%dma_start3A_233, %dma_start3A_234] : memref<2x2048xi32, #tpu.memory_space<vmem>> -> memref<1x2048xi32, #tpu.memory_space<vmem>>
        %dma_start3A_236 = tpu.memref_squeeze %dma_start3A_235 : memref<1x2048xi32, #tpu.memory_space<vmem>> -> memref<2048xi32, #tpu.memory_space<vmem>>
        %dma_start3A_237 = tpu.memref_slice %arg2[%add3A_232] : memref<3276800xi32, #tpu.memory_space<hbm>> -> memref<2048xi32, #tpu.memory_space<hbm>>
        %dma_start3A_238 = arith.constant 0 : i32
        %dma_start3A_239 = tpu.memref_slice %arg6[%dma_start3A_233, %dma_start3A_238] : memref<2x2048xi32, #tpu.memory_space<vmem>> -> memref<1x2048xi32, #tpu.memory_space<vmem>>
        %dma_start3A_240 = tpu.memref_squeeze %dma_start3A_239 : memref<1x2048xi32, #tpu.memory_space<vmem>> -> memref<2048xi32, #tpu.memory_space<vmem>>
        %dma_start3A_241 = tpu.memref_slice %arg2[%add3A_232] : memref<3276800xi32, #tpu.memory_space<hbm>> -> memref<2048xi32, #tpu.memory_space<hbm>>
        tpu.enqueue_dma source(%dma_start3A_241 : memref<2048xi32, #tpu.memory_space<hbm>>) target(%dma_start3A_240 : memref<2048xi32, #tpu.memory_space<vmem>>) target_semaphore(%arg12 : memref<!tpu.dma_semaphore, #tpu.memory_space<semaphore_mem>>)
        %dma_start3A_242 = arith.constant 1 : i32
        %dma_start3A_243 = arith.constant 0 : i32
        %dma_start3A_244 = tpu.memref_slice %arg7[%dma_start3A_242, %dma_start3A_243] : memref<2x2048xi32, #tpu.memory_space<vmem>> -> memref<1x2048xi32, #tpu.memory_space<vmem>>
        %dma_start3A_245 = tpu.memref_squeeze %dma_start3A_244 : memref<1x2048xi32, #tpu.memory_space<vmem>> -> memref<2048xi32, #tpu.memory_space<vmem>>
        %dma_start3A_246 = tpu.memref_slice %arg3[%add3A_232] : memref<3276800xi32, #tpu.memory_space<hbm>> -> memref<2048xi32, #tpu.memory_space<hbm>>
        %dma_start3A_247 = arith.constant 0 : i32
        %dma_start3A_248 = tpu.memref_slice %arg7[%dma_start3A_242, %dma_start3A_247] : memref<2x2048xi32, #tpu.memory_space<vmem>> -> memref<1x2048xi32, #tpu.memory_space<vmem>>
        %dma_start3A_249 = tpu.memref_squeeze %dma_start3A_248 : memref<1x2048xi32, #tpu.memory_space<vmem>> -> memref<2048xi32, #tpu.memory_space<vmem>>
        %dma_start3A_250 = tpu.memref_slice %arg3[%add3A_232] : memref<3276800xi32, #tpu.memory_space<hbm>> -> memref<2048xi32, #tpu.memory_space<hbm>>
        tpu.enqueue_dma source(%dma_start3A_250 : memref<2048xi32, #tpu.memory_space<hbm>>) target(%dma_start3A_249 : memref<2048xi32, #tpu.memory_space<vmem>>) target_semaphore(%arg12 : memref<!tpu.dma_semaphore, #tpu.memory_space<semaphore_mem>>)
      } else {
      }
      %scan3A_171 = arith.constant 0 : i32
      %scan3A_172 = arith.constant 0 : i32
      %scan3A_173 = arith.constant 128 : i32
      %scan3A_174 = arith.addi %scan3A_172, %scan3A_173 : i32
      %scan3A_175 = arith.constant 8 : i32
      scf.for %scan3A_228 = %scan3A_172 to %scan3A_174 step %scan3A_175  : i32 {
        %mul3A_229 = arith.constant 16 : i32
        %mul3A_230 = arith.muli %scan3A_228, %mul3A_229 : i32
        %get3A = arith.constant 0 : i32
        %get3A_231 = arith.index_cast %get3A : i32 to index
        %get3A_232 = arith.index_cast %mul3A_230 : i32 to index
        %get3A_233 = tpu.vector_load %arg6[%get3A_231, %get3A_232] {strides = array<i32>} : memref<2x2048xi32, #tpu.memory_space<vmem>>, vector<1x16xi32>,
        %get3A_234 = vector.shape_cast %get3A_233 : vector<1x16xi32> to vector<16xi32>
        %mul3A_235 = arith.constant 7 : i32
        %mul3A_236 = vector.broadcast %mul3A_235 : i32 to vector<16xi32>
        %mul3A_237 = arith.muli %get3A_234, %mul3A_236 : vector<16xi32>
        %get3A_238 = arith.constant 0 : i32
        %get3A_239 = arith.index_cast %get3A_238 : i32 to index
        %get3A_240 = arith.index_cast %mul3A_230 : i32 to index
        %get3A_241 = tpu.vector_load %arg7[%get3A_239, %get3A_240] {strides = array<i32>} : memref<2x2048xi32, #tpu.memory_space<vmem>>, vector<1x16xi32>,
        %get3A_242 = vector.shape_cast %get3A_241 : vector<1x16xi32> to vector<16xi32>
        %add3A_243 = arith.addi %mul3A_237, %get3A_242 : vector<16xi32>
        %swap3A = arith.constant 0 : i32
        %swap3A_244 = arith.index_cast %swap3A : i32 to index
        %swap3A_245 = arith.index_cast %mul3A_230 : i32 to index
        %swap3A_246 = tpu.vector_load %arg8[%swap3A_244, %swap3A_245] {strides = array<i32>} : memref<2x2048xi32, #tpu.memory_space<vmem>>, vector<1x16xi32>,
        %swap3A_247 = vector.shape_cast %swap3A_246 : vector<1x16xi32> to vector<16xi32>
        %swap3A_248 = vector.shape_cast %add3A_243 : vector<16xi32> to vector<1x16xi32>
        tpu.vector_store %arg8[%swap3A_244, %swap3A_245], %swap3A_248 {strides = array<i32>} : memref<2x2048xi32, #tpu.memory_space<vmem>>, vector<1x16xi32>,
        %scan3A_249 = arith.constant 1 : i32
        %scan3A_250 = arith.addi %scan3A_228, %scan3A_249 : i32
        %mul3A_251 = arith.constant 16 : i32
        %mul3A_252 = arith.muli %scan3A_250, %mul3A_251 : i32
        %get3A_253 = arith.constant 0 : i32
        %get3A_254 = arith.index_cast %get3A_253 : i32 to index
        %get3A_255 = arith.index_cast %mul3A_252 : i32 to index
        %get3A_256 = tpu.vector_load %arg6[%get3A_254, %get3A_255] {strides = array<i32>} : memref<2x2048xi32, #tpu.memory_space<vmem>>, vector<1x16xi32>,
        %get3A_257 = vector.shape_cast %get3A_256 : vector<1x16xi32> to vector<16xi32>
        %mul3A_258 = arith.constant 7 : i32
        %mul3A_259 = vector.broadcast %mul3A_258 : i32 to vector<16xi32>
        %mul3A_260 = arith.muli %get3A_257, %mul3A_259 : vector<16xi32>
        %get3A_261 = arith.constant 0 : i32
        %get3A_262 = arith.index_cast %get3A_261 : i32 to index
        %get3A_263 = arith.index_cast %mul3A_252 : i32 to index
        %get3A_264 = tpu.vector_load %arg7[%get3A_262, %get3A_263] {strides = array<i32>} : memref<2x2048xi32, #tpu.memory_space<vmem>>, vector<1x16xi32>,
        %get3A_265 = vector.shape_cast %get3A_264 : vector<1x16xi32> to vector<16xi32>
        %add3A_266 = arith.addi %mul3A_260, %get3A_265 : vector<16xi32>
        %swap3A_267 = arith.constant 0 : i32
        %swap3A_268 = arith.index_cast %swap3A_267 : i32 to index
        %swap3A_269 = arith.index_cast %mul3A_252 : i32 to index
        %swap3A_270 = tpu.vector_load %arg8[%swap3A_268, %swap3A_269] {strides = array<i32>} : memref<2x2048xi32, #tpu.memory_space<vmem>>, vector<1x16xi32>,
        %swap3A_271 = vector.shape_cast %swap3A_270 : vector<1x16xi32> to vector<16xi32>
        %swap3A_272 = vector.shape_cast %add3A_266 : vector<16xi32> to vector<1x16xi32>
        tpu.vector_store %arg8[%swap3A_268, %swap3A_269], %swap3A_272 {strides = array<i32>} : memref<2x2048xi32, #tpu.memory_space<vmem>>, vector<1x16xi32>,
        %scan3A_273 = arith.constant 2 : i32
        %scan3A_274 = arith.addi %scan3A_228, %scan3A_273 : i32
        %mul3A_275 = arith.constant 16 : i32
        %mul3A_276 = arith.muli %scan3A_274, %mul3A_275 : i32
        %get3A_277 = arith.constant 0 : i32
        %get3A_278 = arith.index_cast %get3A_277 : i32 to index
        %get3A_279 = arith.index_cast %mul3A_276 : i32 to index
        %get3A_280 = tpu.vector_load %arg6[%get3A_278, %get3A_279] {strides = array<i32>} : memref<2x2048xi32, #tpu.memory_space<vmem>>, vector<1x16xi32>,
        %get3A_281 = vector.shape_cast %get3A_280 : vector<1x16xi32> to vector<16xi32>
        %mul3A_282 = arith.constant 7 : i32
        %mul3A_283 = vector.broadcast %mul3A_282 : i32 to vector<16xi32>
        %mul3A_284 = arith.muli %get3A_281, %mul3A_283 : vector<16xi32>
        %get3A_285 = arith.constant 0 : i32
        %get3A_286 = arith.index_cast %get3A_285 : i32 to index
        %get3A_287 = arith.index_cast %mul3A_276 : i32 to index
        %get3A_288 = tpu.vector_load %arg7[%get3A_286, %get3A_287] {strides = array<i32>} : memref<2x2048xi32, #tpu.memory_space<vmem>>, vector<1x16xi32>,
        %get3A_289 = vector.shape_cast %get3A_288 : vector<1x16xi32> to vector<16xi32>
        %add3A_290 = arith.addi %mul3A_284, %get3A_289 : vector<16xi32>
        %swap3A_291 = arith.constant 0 : i32
        %swap3A_292 = arith.index_cast %swap3A_291 : i32 to index
        %swap3A_293 = arith.index_cast %mul3A_276 : i32 to index
        %swap3A_294 = tpu.vector_load %arg8[%swap3A_292, %swap3A_293] {strides = array<i32>} : memref<2x2048xi32, #tpu.memory_space<vmem>>, vector<1x16xi32>,
        %swap3A_295 = vector.shape_cast %swap3A_294 : vector<1x16xi32> to vector<16xi32>
        %swap3A_296 = vector.shape_cast %add3A_290 : vector<16xi32> to vector<1x16xi32>
        tpu.vector_store %arg8[%swap3A_292, %swap3A_293], %swap3A_296 {strides = array<i32>} : memref<2x2048xi32, #tpu.memory_space<vmem>>, vector<1x16xi32>,
        %scan3A_297 = arith.constant 3 : i32
        %scan3A_298 = arith.addi %scan3A_228, %scan3A_297 : i32
        %mul3A_299 = arith.constant 16 : i32
        %mul3A_300 = arith.muli %scan3A_298, %mul3A_299 : i32
        %get3A_301 = arith.constant 0 : i32
        %get3A_302 = arith.index_cast %get3A_301 : i32 to index
        %get3A_303 = arith.index_cast %mul3A_300 : i32 to index
        %get3A_304 = tpu.vector_load %arg6[%get3A_302, %get3A_303] {strides = array<i32>} : memref<2x2048xi32, #tpu.memory_space<vmem>>, vector<1x16xi32>,
        %get3A_305 = vector.shape_cast %get3A_304 : vector<1x16xi32> to vector<16xi32>
        %mul3A_306 = arith.constant 7 : i32
        %mul3A_307 = vector.broadcast %mul3A_306 : i32 to vector<16xi32>
        %mul3A_308 = arith.muli %get3A_305, %mul3A_307 : vector<16xi32>
        %get3A_309 = arith.constant 0 : i32
        %get3A_310 = arith.index_cast %get3A_309 : i32 to index
        %get3A_311 = arith.index_cast %mul3A_300 : i32 to index
        %get3A_312 = tpu.vector_load %arg7[%get3A_310, %get3A_311] {strides = array<i32>} : memref<2x2048xi32, #tpu.memory_space<vmem>>, vector<1x16xi32>,
        %get3A_313 = vector.shape_cast %get3A_312 : vector<1x16xi32> to vector<16xi32>
        %add3A_314 = arith.addi %mul3A_308, %get3A_313 : vector<16xi32>
        %swap3A_315 = arith.constant 0 : i32
        %swap3A_316 = arith.index_cast %swap3A_315 : i32 to index
        %swap3A_317 = arith.index_cast %mul3A_300 : i32 to index
        %swap3A_318 = tpu.vector_load %arg8[%swap3A_316, %swap3A_317] {strides = array<i32>} : memref<2x2048xi32, #tpu.memory_space<vmem>>, vector<1x16xi32>,
        %swap3A_319 = vector.shape_cast %swap3A_318 : vector<1x16xi32> to vector<16xi32>
        %swap3A_320 = vector.shape_cast %add3A_314 : vector<16xi32> to vector<1x16xi32>
        tpu.vector_store %arg8[%swap3A_316, %swap3A_317], %swap3A_320 {strides = array<i32>} : memref<2x2048xi32, #tpu.memory_space<vmem>>, vector<1x16xi32>,
        %scan3A_321 = arith.constant 4 : i32
        %scan3A_322 = arith.addi %scan3A_228, %scan3A_321 : i32
        %mul3A_323 = arith.constant 16 : i32
        %mul3A_324 = arith.muli %scan3A_322, %mul3A_323 : i32
        %get3A_325 = arith.constant 0 : i32
        %get3A_326 = arith.index_cast %get3A_325 : i32 to index
        %get3A_327 = arith.index_cast %mul3A_324 : i32 to index
        %get3A_328 = tpu.vector_load %arg6[%get3A_326, %get3A_327] {strides = array<i32>} : memref<2x2048xi32, #tpu.memory_space<vmem>>, vector<1x16xi32>,
        %get3A_329 = vector.shape_cast %get3A_328 : vector<1x16xi32> to vector<16xi32>
        %mul3A_330 = arith.constant 7 : i32
        %mul3A_331 = vector.broadcast %mul3A_330 : i32 to vector<16xi32>
        %mul3A_332 = arith.muli %get3A_329, %mul3A_331 : vector<16xi32>
        %get3A_333 = arith.constant 0 : i32
        %get3A_334 = arith.index_cast %get3A_333 : i32 to index
        %get3A_335 = arith.index_cast %mul3A_324 : i32 to index
        %get3A_336 = tpu.vector_load %arg7[%get3A_334, %get3A_335] {strides = array<i32>} : memref<2x2048xi32, #tpu.memory_space<vmem>>, vector<1x16xi32>,
        %get3A_337 = vector.shape_cast %get3A_336 : vector<1x16xi32> to vector<16xi32>
        %add3A_338 = arith.addi %mul3A_332, %get3A_337 : vector<16xi32>
        %swap3A_339 = arith.constant 0 : i32
        %swap3A_340 = arith.index_cast %swap3A_339 : i32 to index
        %swap3A_341 = arith.index_cast %mul3A_324 : i32 to index
        %swap3A_342 = tpu.vector_load %arg8[%swap3A_340, %swap3A_341] {strides = array<i32>} : memref<2x2048xi32, #tpu.memory_space<vmem>>, vector<1x16xi32>,
        %swap3A_343 = vector.shape_cast %swap3A_342 : vector<1x16xi32> to vector<16xi32>
        %swap3A_344 = vector.shape_cast %add3A_338 : vector<16xi32> to vector<1x16xi32>
        tpu.vector_store %arg8[%swap3A_340, %swap3A_341], %swap3A_344 {strides = array<i32>} : memref<2x2048xi32, #tpu.memory_space<vmem>>, vector<1x16xi32>,
        %scan3A_345 = arith.constant 5 : i32
        %scan3A_346 = arith.addi %scan3A_228, %scan3A_345 : i32
        %mul3A_347 = arith.constant 16 : i32
        %mul3A_348 = arith.muli %scan3A_346, %mul3A_347 : i32
        %get3A_349 = arith.constant 0 : i32
        %get3A_350 = arith.index_cast %get3A_349 : i32 to index
        %get3A_351 = arith.index_cast %mul3A_348 : i32 to index
        %get3A_352 = tpu.vector_load %arg6[%get3A_350, %get3A_351] {strides = array<i32>} : memref<2x2048xi32, #tpu.memory_space<vmem>>, vector<1x16xi32>,
        %get3A_353 = vector.shape_cast %get3A_352 : vector<1x16xi32> to vector<16xi32>
        %mul3A_354 = arith.constant 7 : i32
        %mul3A_355 = vector.broadcast %mul3A_354 : i32 to vector<16xi32>
        %mul3A_356 = arith.muli %get3A_353, %mul3A_355 : vector<16xi32>
        %get3A_357 = arith.constant 0 : i32
        %get3A_358 = arith.index_cast %get3A_357 : i32 to index
        %get3A_359 = arith.index_cast %mul3A_348 : i32 to index
        %get3A_360 = tpu.vector_load %arg7[%get3A_358, %get3A_359] {strides = array<i32>} : memref<2x2048xi32, #tpu.memory_space<vmem>>, vector<1x16xi32>,
        %get3A_361 = vector.shape_cast %get3A_360 : vector<1x16xi32> to vector<16xi32>
        %add3A_362 = arith.addi %mul3A_356, %get3A_361 : vector<16xi32>
        %swap3A_363 = arith.constant 0 : i32
        %swap3A_364 = arith.index_cast %swap3A_363 : i32 to index
        %swap3A_365 = arith.index_cast %mul3A_348 : i32 to index
        %swap3A_366 = tpu.vector_load %arg8[%swap3A_364, %swap3A_365] {strides = array<i32>} : memref<2x2048xi32, #tpu.memory_space<vmem>>, vector<1x16xi32>,
        %swap3A_367 = vector.shape_cast %swap3A_366 : vector<1x16xi32> to vector<16xi32>
        %swap3A_368 = vector.shape_cast %add3A_362 : vector<16xi32> to vector<1x16xi32>
        tpu.vector_store %arg8[%swap3A_364, %swap3A_365], %swap3A_368 {strides = array<i32>} : memref<2x2048xi32, #tpu.memory_space<vmem>>, vector<1x16xi32>,
        %scan3A_369 = arith.constant 6 : i32
        %scan3A_370 = arith.addi %scan3A_228, %scan3A_369 : i32
        %mul3A_371 = arith.constant 16 : i32
        %mul3A_372 = arith.muli %scan3A_370, %mul3A_371 : i32
        %get3A_373 = arith.constant 0 : i32
        %get3A_374 = arith.index_cast %get3A_373 : i32 to index
        %get3A_375 = arith.index_cast %mul3A_372 : i32 to index
        %get3A_376 = tpu.vector_load %arg6[%get3A_374, %get3A_375] {strides = array<i32>} : memref<2x2048xi32, #tpu.memory_space<vmem>>, vector<1x16xi32>,
        %get3A_377 = vector.shape_cast %get3A_376 : vector<1x16xi32> to vector<16xi32>
        %mul3A_378 = arith.constant 7 : i32
        %mul3A_379 = vector.broadcast %mul3A_378 : i32 to vector<16xi32>
        %mul3A_380 = arith.muli %get3A_377, %mul3A_379 : vector<16xi32>
        %get3A_381 = arith.constant 0 : i32
        %get3A_382 = arith.index_cast %get3A_381 : i32 to index
        %get3A_383 = arith.index_cast %mul3A_372 : i32 to index
        %get3A_384 = tpu.vector_load %arg7[%get3A_382, %get3A_383] {strides = array<i32>} : memref<2x2048xi32, #tpu.memory_space<vmem>>, vector<1x16xi32>,
        %get3A_385 = vector.shape_cast %get3A_384 : vector<1x16xi32> to vector<16xi32>
        %add3A_386 = arith.addi %mul3A_380, %get3A_385 : vector<16xi32>
        %swap3A_387 = arith.constant 0 : i32
        %swap3A_388 = arith.index_cast %swap3A_387 : i32 to index
        %swap3A_389 = arith.index_cast %mul3A_372 : i32 to index
        %swap3A_390 = tpu.vector_load %arg8[%swap3A_388, %swap3A_389] {strides = array<i32>} : memref<2x2048xi32, #tpu.memory_space<vmem>>, vector<1x16xi32>,
        %swap3A_391 = vector.shape_cast %swap3A_390 : vector<1x16xi32> to vector<16xi32>
        %swap3A_392 = vector.shape_cast %add3A_386 : vector<16xi32> to vector<1x16xi32>
        tpu.vector_store %arg8[%swap3A_388, %swap3A_389], %swap3A_392 {strides = array<i32>} : memref<2x2048xi32, #tpu.memory_space<vmem>>, vector<1x16xi32>,
        %scan3A_393 = arith.constant 7 : i32
        %scan3A_394 = arith.addi %scan3A_228, %scan3A_393 : i32
        %mul3A_395 = arith.constant 16 : i32
        %mul3A_396 = arith.muli %scan3A_394, %mul3A_395 : i32
        %get3A_397 = arith.constant 0 : i32
        %get3A_398 = arith.index_cast %get3A_397 : i32 to index
        %get3A_399 = arith.index_cast %mul3A_396 : i32 to index
        %get3A_400 = tpu.vector_load %arg6[%get3A_398, %get3A_399] {strides = array<i32>} : memref<2x2048xi32, #tpu.memory_space<vmem>>, vector<1x16xi32>,
        %get3A_401 = vector.shape_cast %get3A_400 : vector<1x16xi32> to vector<16xi32>
        %mul3A_402 = arith.constant 7 : i32
        %mul3A_403 = vector.broadcast %mul3A_402 : i32 to vector<16xi32>
        %mul3A_404 = arith.muli %get3A_401, %mul3A_403 : vector<16xi32>
        %get3A_405 = arith.constant 0 : i32
        %get3A_406 = arith.index_cast %get3A_405 : i32 to index
        %get3A_407 = arith.index_cast %mul3A_396 : i32 to index
        %get3A_408 = tpu.vector_load %arg7[%get3A_406, %get3A_407] {strides = array<i32>} : memref<2x2048xi32, #tpu.memory_space<vmem>>, vector<1x16xi32>,
        %get3A_409 = vector.shape_cast %get3A_408 : vector<1x16xi32> to vector<16xi32>
        %add3A_410 = arith.addi %mul3A_404, %get3A_409 : vector<16xi32>
        %swap3A_411 = arith.constant 0 : i32
        %swap3A_412 = arith.index_cast %swap3A_411 : i32 to index
        %swap3A_413 = arith.index_cast %mul3A_396 : i32 to index
        %swap3A_414 = tpu.vector_load %arg8[%swap3A_412, %swap3A_413] {strides = array<i32>} : memref<2x2048xi32, #tpu.memory_space<vmem>>, vector<1x16xi32>,
        %swap3A_415 = vector.shape_cast %swap3A_414 : vector<1x16xi32> to vector<16xi32>
        %swap3A_416 = vector.shape_cast %add3A_410 : vector<16xi32> to vector<1x16xi32>
        tpu.vector_store %arg8[%swap3A_412, %swap3A_413], %swap3A_416 {strides = array<i32>} : memref<2x2048xi32, #tpu.memory_space<vmem>>, vector<1x16xi32>,
      }
      %scan3A_176 = arith.constant 128 : i32
      %scan3A_177 = arith.constant 0 : i32
      %scan3A_178 = arith.constant 0 : i32
      %scan3A_179 = arith.constant 4 : i32
      %scan3A_180 = arith.addi %scan3A_178, %scan3A_179 : i32
      %scan3A_181 = arith.constant 2 : i32
      scf.for %scan3A_228 = %scan3A_178 to %scan3A_180 step %scan3A_181  : i32 {
        %mul3A_229 = arith.constant 4 : i32
        %mul3A_230 = arith.muli %scan3A_228, %mul3A_229 : i32
        %add3A_231 = arith.constant 0 : i32
        %add3A_232 = arith.addi %mul3A_230, %add3A_231 : i32
        %mul3A_233 = arith.constant 16 : i32
        %mul3A_234 = arith.muli %add3A_142, %mul3A_233 : i32
        %add3A_235 = arith.addi %mul3A_234, %add3A_232 : i32
        %ge3A = arith.constant 4 : i32
        %ge3A_236 = arith.cmpi sge, %add3A_235, %ge3A : i32
        %convert_element_type3A_237 = arith.extui %ge3A_236 : i1 to i32
        %cond3A_238 = arith.constant 0 : i32
        %cond3A_239 = arith.cmpi ne, %convert_element_type3A_237, %cond3A_238 : i32
        scf.if %cond3A_239 {
          %dma_wait3A_486 = arith.constant 0 : i32
          %dma_wait3A_487 = arith.constant 0 : i32
          %dma_wait3A_488 = arith.constant 0 : i32
          %dma_wait3A_489 = tpu.memref_slice %arg9[%dma_wait3A_486, %dma_wait3A_487, %dma_wait3A_488] : memref<4x128x128xf32, #tpu.memory_space<vmem>> -> memref<1x128x128xf32, #tpu.memory_space<vmem>>
          %dma_wait3A_490 = tpu.memref_squeeze %dma_wait3A_489 : memref<1x128x128xf32, #tpu.memory_space<vmem>> -> memref<128x128xf32, #tpu.memory_space<vmem>>
          %dma_wait3A_491 = arith.constant 0 : i32
          %dma_wait3A_492 = tpu.memref_slice %arg5[%mul3A_2, %dma_wait3A_491] : memref<3276800x128xf32, #tpu.memory_space<hbm>> -> memref<128x128xf32, #tpu.memory_space<hbm>>
          %dma_wait3A_493 = arith.constant 0 : i32
          %dma_wait3A_494 = tpu.memref_slice %arg5[%mul3A_2, %dma_wait3A_493] : memref<3276800x128xf32, #tpu.memory_space<hbm>> -> memref<128x128xf32, #tpu.memory_space<hbm>>
          %dma_wait3A_495 = arith.constant 0 : i32
          %dma_wait3A_496 = arith.constant 0 : i32
          %dma_wait3A_497 = tpu.memref_slice %arg9[%dma_wait3A_486, %dma_wait3A_495, %dma_wait3A_496] : memref<4x128x128xf32, #tpu.memory_space<vmem>> -> memref<1x128x128xf32, #tpu.memory_space<vmem>>
          %dma_wait3A_498 = tpu.memref_squeeze %dma_wait3A_497 : memref<1x128x128xf32, #tpu.memory_space<vmem>> -> memref<128x128xf32, #tpu.memory_space<vmem>>
          tpu.wait_dma2 semaphore(%arg17 : memref<!tpu.dma_semaphore, #tpu.memory_space<semaphore_mem>>) src(%dma_wait3A_498 : memref<128x128xf32, #tpu.memory_space<vmem>>) dst(%dma_wait3A_494 : memref<128x128xf32, #tpu.memory_space<hbm>>)
        } else {
        }
        %mul3A_240 = arith.constant 128 : i32
        %mul3A_241 = arith.muli %add3A_232, %mul3A_240 : i32
        %dma_start3A_242 = arith.constant 0 : i32
        %dma_start3A_243 = arith.constant 0 : i32
        %dma_start3A_244 = arith.constant 0 : i32
        %dma_start3A_245 = arith.constant 0 : i32
        %dma_start3A_246 = tpu.memref_slice %arg9[%dma_start3A_243, %dma_start3A_244, %dma_start3A_245] : memref<4x128x128xf32, #tpu.memory_space<vmem>> -> memref<1x128x128xf32, #tpu.memory_space<vmem>>
        %dma_start3A_247 = tpu.memref_squeeze %dma_start3A_246 : memref<1x128x128xf32, #tpu.memory_space<vmem>> -> memref<128x128xf32, #tpu.memory_space<vmem>>
        %dma_start3A_248 = arith.constant 0 : i32
        %dma_start3A_249 = tpu.memref_slice %arg8[%dma_start3A_242, %dma_start3A_248] : memref<2x2048xi32, #tpu.memory_space<vmem>> -> memref<1x2048xi32, #tpu.memory_space<vmem>>
        %dma_start3A_250 = tpu.memref_squeeze %dma_start3A_249 : memref<1x2048xi32, #tpu.memory_space<vmem>> -> memref<2048xi32, #tpu.memory_space<vmem>>
        %dma_start3A_251 = tpu.memref_slice %dma_start3A_250[%mul3A_241] : memref<2048xi32, #tpu.memory_space<vmem>> -> memref<128xi32, #tpu.memory_space<vmem>>
        %dma_start3A_252 = arith.constant 0 : i32
        %dma_start3A_253 = arith.constant 0 : i32
        %dma_start3A_254 = tpu.memref_slice %arg10[%dma_start3A_252, %dma_start3A_253] : memref<168x128xf32, #tpu.memory_space<vmem_shared>> -> memref<168x128xf32, #tpu.memory_space<vmem_shared>>
        tpu.enqueue_indirect_dma source(%dma_start3A_254 : memref<168x128xf32, #tpu.memory_space<vmem_shared>>) target(%dma_start3A_247 : memref<128x128xf32, #tpu.memory_space<vmem>>) offsets(%dma_start3A_251 : memref<128xi32, #tpu.memory_space<vmem>>) semaphore(%arg13 : memref<!tpu.dma_semaphore, #tpu.memory_space<semaphore_mem>>)
        %ge3A_255 = arith.constant 2 : i32
        %ge3A_256 = arith.cmpi sge, %add3A_235, %ge3A_255 : i32
        %convert_element_type3A_257 = arith.extui %ge3A_256 : i1 to i32
        %cond3A_258 = arith.constant 0 : i32
        %cond3A_259 = arith.cmpi ne, %convert_element_type3A_257, %cond3A_258 : i32
        scf.if %cond3A_259 {
          %dma_wait3A_486 = arith.constant 0 : i32
          %dma_wait3A_487 = arith.constant 2 : i32
          %dma_wait3A_488 = arith.constant 0 : i32
          %dma_wait3A_489 = arith.constant 0 : i32
          %dma_wait3A_490 = tpu.memref_slice %arg9[%dma_wait3A_487, %dma_wait3A_488, %dma_wait3A_489] : memref<4x128x128xf32, #tpu.memory_space<vmem>> -> memref<1x128x128xf32, #tpu.memory_space<vmem>>
          %dma_wait3A_491 = tpu.memref_squeeze %dma_wait3A_490 : memref<1x128x128xf32, #tpu.memory_space<vmem>> -> memref<128x128xf32, #tpu.memory_space<vmem>>
          %dma_wait3A_492 = arith.constant 0 : i32
          %dma_wait3A_493 = tpu.memref_slice %arg8[%dma_wait3A_486, %dma_wait3A_492] : memref<2x2048xi32, #tpu.memory_space<vmem>> -> memref<1x2048xi32, #tpu.memory_space<vmem>>
          %dma_wait3A_494 = tpu.memref_squeeze %dma_wait3A_493 : memref<1x2048xi32, #tpu.memory_space<vmem>> -> memref<2048xi32, #tpu.memory_space<vmem>>
          %dma_wait3A_495 = arith.constant 0 : i32
          %dma_wait3A_496 = tpu.memref_slice %dma_wait3A_494[%dma_wait3A_495] : memref<2048xi32, #tpu.memory_space<vmem>> -> memref<128xi32, #tpu.memory_space<vmem>>
          %dma_wait3A_497 = arith.constant 0 : i32
          %dma_wait3A_498 = arith.constant 0 : i32
          %dma_wait3A_499 = tpu.memref_slice %arg10[%dma_wait3A_497, %dma_wait3A_498] : memref<168x128xf32, #tpu.memory_space<vmem_shared>> -> memref<168x128xf32, #tpu.memory_space<vmem_shared>>
          tpu.wait_indirect_dma semaphore(%arg15 : memref<!tpu.dma_semaphore, #tpu.memory_space<semaphore_mem>>) src(%dma_wait3A_499 : memref<168x128xf32, #tpu.memory_space<vmem_shared>>) dst(%dma_wait3A_491 : memref<128x128xf32, #tpu.memory_space<vmem>>)
          %sub3A = arith.constant 2 : i32
          %sub3A_500 = arith.subi %add3A_235, %sub3A : i32
          %mul3A_501 = arith.constant 128 : i32
          %mul3A_502 = arith.muli %sub3A_500, %mul3A_501 : i32
          %add3A_503 = arith.addi %mul3A_2, %mul3A_502 : i32
          %dma_start3A_504 = arith.constant 2 : i32
          %dma_start3A_505 = arith.constant 0 : i32
          %dma_start3A_506 = arith.constant 0 : i32
          %dma_start3A_507 = tpu.memref_slice %arg9[%dma_start3A_504, %dma_start3A_505, %dma_start3A_506] : memref<4x128x128xf32, #tpu.memory_space<vmem>> -> memref<1x128x128xf32, #tpu.memory_space<vmem>>
          %dma_start3A_508 = tpu.memref_squeeze %dma_start3A_507 : memref<1x128x128xf32, #tpu.memory_space<vmem>> -> memref<128x128xf32, #tpu.memory_space<vmem>>
          %dma_start3A_509 = arith.constant 0 : i32
          %dma_start3A_510 = tpu.memref_slice %arg5[%add3A_503, %dma_start3A_509] : memref<3276800x128xf32, #tpu.memory_space<hbm>> -> memref<128x128xf32, #tpu.memory_space<hbm>>
          %dma_start3A_511 = arith.constant 0 : i32
          %dma_start3A_512 = tpu.memref_slice %arg5[%add3A_503, %dma_start3A_511] : memref<3276800x128xf32, #tpu.memory_space<hbm>> -> memref<128x128xf32, #tpu.memory_space<hbm>>
          %dma_start3A_513 = arith.constant 0 : i32
          %dma_start3A_514 = arith.constant 0 : i32
          %dma_start3A_515 = tpu.memref_slice %arg9[%dma_start3A_504, %dma_start3A_513, %dma_start3A_514] : memref<4x128x128xf32, #tpu.memory_space<vmem>> -> memref<1x128x128xf32, #tpu.memory_space<vmem>>
          %dma_start3A_516 = tpu.memref_squeeze %dma_start3A_515 : memref<1x128x128xf32, #tpu.memory_space<vmem>> -> memref<128x128xf32, #tpu.memory_space<vmem>>
          tpu.enqueue_dma source(%dma_start3A_516 : memref<128x128xf32, #tpu.memory_space<vmem>>) target(%dma_start3A_512 : memref<128x128xf32, #tpu.memory_space<hbm>>) target_semaphore(%arg19 : memref<!tpu.dma_semaphore, #tpu.memory_space<semaphore_mem>>)
        } else {
        }
        %mul3A_260 = arith.constant 4 : i32
        %mul3A_261 = arith.muli %scan3A_228, %mul3A_260 : i32
        %add3A_262 = arith.constant 1 : i32
        %add3A_263 = arith.addi %mul3A_261, %add3A_262 : i32
        %mul3A_264 = arith.constant 16 : i32
        %mul3A_265 = arith.muli %add3A_142, %mul3A_264 : i32
        %add3A_266 = arith.addi %mul3A_265, %add3A_263 : i32
        %ge3A_267 = arith.constant 4 : i32
        %ge3A_268 = arith.cmpi sge, %add3A_266, %ge3A_267 : i32
        %convert_element_type3A_269 = arith.extui %ge3A_268 : i1 to i32
        %cond3A_270 = arith.constant 0 : i32
        %cond3A_271 = arith.cmpi ne, %convert_element_type3A_269, %cond3A_270 : i32
        scf.if %cond3A_271 {
          %dma_wait3A_486 = arith.constant 1 : i32
          %dma_wait3A_487 = arith.constant 0 : i32
          %dma_wait3A_488 = arith.constant 0 : i32
          %dma_wait3A_489 = tpu.memref_slice %arg9[%dma_wait3A_486, %dma_wait3A_487, %dma_wait3A_488] : memref<4x128x128xf32, #tpu.memory_space<vmem>> -> memref<1x128x128xf32, #tpu.memory_space<vmem>>
          %dma_wait3A_490 = tpu.memref_squeeze %dma_wait3A_489 : memref<1x128x128xf32, #tpu.memory_space<vmem>> -> memref<128x128xf32, #tpu.memory_space<vmem>>
          %dma_wait3A_491 = arith.constant 0 : i32
          %dma_wait3A_492 = tpu.memref_slice %arg5[%mul3A_2, %dma_wait3A_491] : memref<3276800x128xf32, #tpu.memory_space<hbm>> -> memref<128x128xf32, #tpu.memory_space<hbm>>
          %dma_wait3A_493 = arith.constant 0 : i32
          %dma_wait3A_494 = tpu.memref_slice %arg5[%mul3A_2, %dma_wait3A_493] : memref<3276800x128xf32, #tpu.memory_space<hbm>> -> memref<128x128xf32, #tpu.memory_space<hbm>>
          %dma_wait3A_495 = arith.constant 0 : i32
          %dma_wait3A_496 = arith.constant 0 : i32
          %dma_wait3A_497 = tpu.memref_slice %arg9[%dma_wait3A_486, %dma_wait3A_495, %dma_wait3A_496] : memref<4x128x128xf32, #tpu.memory_space<vmem>> -> memref<1x128x128xf32, #tpu.memory_space<vmem>>
          %dma_wait3A_498 = tpu.memref_squeeze %dma_wait3A_497 : memref<1x128x128xf32, #tpu.memory_space<vmem>> -> memref<128x128xf32, #tpu.memory_space<vmem>>
          tpu.wait_dma2 semaphore(%arg18 : memref<!tpu.dma_semaphore, #tpu.memory_space<semaphore_mem>>) src(%dma_wait3A_498 : memref<128x128xf32, #tpu.memory_space<vmem>>) dst(%dma_wait3A_494 : memref<128x128xf32, #tpu.memory_space<hbm>>)
        } else {
        }
        %mul3A_272 = arith.constant 128 : i32
        %mul3A_273 = arith.muli %add3A_263, %mul3A_272 : i32
        %dma_start3A_274 = arith.constant 0 : i32
        %dma_start3A_275 = arith.constant 1 : i32
        %dma_start3A_276 = arith.constant 0 : i32
        %dma_start3A_277 = arith.constant 0 : i32
        %dma_start3A_278 = tpu.memref_slice %arg9[%dma_start3A_275, %dma_start3A_276, %dma_start3A_277] : memref<4x128x128xf32, #tpu.memory_space<vmem>> -> memref<1x128x128xf32, #tpu.memory_space<vmem>>
        %dma_start3A_279 = tpu.memref_squeeze %dma_start3A_278 : memref<1x128x128xf32, #tpu.memory_space<vmem>> -> memref<128x128xf32, #tpu.memory_space<vmem>>
        %dma_start3A_280 = arith.constant 0 : i32
        %dma_start3A_281 = tpu.memref_slice %arg8[%dma_start3A_274, %dma_start3A_280] : memref<2x2048xi32, #tpu.memory_space<vmem>> -> memref<1x2048xi32, #tpu.memory_space<vmem>>
        %dma_start3A_282 = tpu.memref_squeeze %dma_start3A_281 : memref<1x2048xi32, #tpu.memory_space<vmem>> -> memref<2048xi32, #tpu.memory_space<vmem>>
        %dma_start3A_283 = tpu.memref_slice %dma_start3A_282[%mul3A_273] : memref<2048xi32, #tpu.memory_space<vmem>> -> memref<128xi32, #tpu.memory_space<vmem>>
        %dma_start3A_284 = arith.constant 0 : i32
        %dma_start3A_285 = arith.constant 0 : i32
        %dma_start3A_286 = tpu.memref_slice %arg10[%dma_start3A_284, %dma_start3A_285] : memref<168x128xf32, #tpu.memory_space<vmem_shared>> -> memref<168x128xf32, #tpu.memory_space<vmem_shared>>
        tpu.enqueue_indirect_dma source(%dma_start3A_286 : memref<168x128xf32, #tpu.memory_space<vmem_shared>>) target(%dma_start3A_279 : memref<128x128xf32, #tpu.memory_space<vmem>>) offsets(%dma_start3A_283 : memref<128xi32, #tpu.memory_space<vmem>>) semaphore(%arg14 : memref<!tpu.dma_semaphore, #tpu.memory_space<semaphore_mem>>)
        %ge3A_287 = arith.constant 2 : i32
        %ge3A_288 = arith.cmpi sge, %add3A_266, %ge3A_287 : i32
        %convert_element_type3A_289 = arith.extui %ge3A_288 : i1 to i32
        %cond3A_290 = arith.constant 0 : i32
        %cond3A_291 = arith.cmpi ne, %convert_element_type3A_289, %cond3A_290 : i32
        scf.if %cond3A_291 {
          %dma_wait3A_486 = arith.constant 0 : i32
          %dma_wait3A_487 = arith.constant 3 : i32
          %dma_wait3A_488 = arith.constant 0 : i32
          %dma_wait3A_489 = arith.constant 0 : i32
          %dma_wait3A_490 = tpu.memref_slice %arg9[%dma_wait3A_487, %dma_wait3A_488, %dma_wait3A_489] : memref<4x128x128xf32, #tpu.memory_space<vmem>> -> memref<1x128x128xf32, #tpu.memory_space<vmem>>
          %dma_wait3A_491 = tpu.memref_squeeze %dma_wait3A_490 : memref<1x128x128xf32, #tpu.memory_space<vmem>> -> memref<128x128xf32, #tpu.memory_space<vmem>>
          %dma_wait3A_492 = arith.constant 0 : i32
          %dma_wait3A_493 = tpu.memref_slice %arg8[%dma_wait3A_486, %dma_wait3A_492] : memref<2x2048xi32, #tpu.memory_space<vmem>> -> memref<1x2048xi32, #tpu.memory_space<vmem>>
          %dma_wait3A_494 = tpu.memref_squeeze %dma_wait3A_493 : memref<1x2048xi32, #tpu.memory_space<vmem>> -> memref<2048xi32, #tpu.memory_space<vmem>>
          %dma_wait3A_495 = arith.constant 0 : i32
          %dma_wait3A_496 = tpu.memref_slice %dma_wait3A_494[%dma_wait3A_495] : memref<2048xi32, #tpu.memory_space<vmem>> -> memref<128xi32, #tpu.memory_space<vmem>>
          %dma_wait3A_497 = arith.constant 0 : i32
          %dma_wait3A_498 = arith.constant 0 : i32
          %dma_wait3A_499 = tpu.memref_slice %arg10[%dma_wait3A_497, %dma_wait3A_498] : memref<168x128xf32, #tpu.memory_space<vmem_shared>> -> memref<168x128xf32, #tpu.memory_space<vmem_shared>>
          tpu.wait_indirect_dma semaphore(%arg16 : memref<!tpu.dma_semaphore, #tpu.memory_space<semaphore_mem>>) src(%dma_wait3A_499 : memref<168x128xf32, #tpu.memory_space<vmem_shared>>) dst(%dma_wait3A_491 : memref<128x128xf32, #tpu.memory_space<vmem>>)
          %sub3A = arith.constant 2 : i32
          %sub3A_500 = arith.subi %add3A_266, %sub3A : i32
          %mul3A_501 = arith.constant 128 : i32
          %mul3A_502 = arith.muli %sub3A_500, %mul3A_501 : i32
          %add3A_503 = arith.addi %mul3A_2, %mul3A_502 : i32
          %dma_start3A_504 = arith.constant 3 : i32
          %dma_start3A_505 = arith.constant 0 : i32
          %dma_start3A_506 = arith.constant 0 : i32
          %dma_start3A_507 = tpu.memref_slice %arg9[%dma_start3A_504, %dma_start3A_505, %dma_start3A_506] : memref<4x128x128xf32, #tpu.memory_space<vmem>> -> memref<1x128x128xf32, #tpu.memory_space<vmem>>
          %dma_start3A_508 = tpu.memref_squeeze %dma_start3A_507 : memref<1x128x128xf32, #tpu.memory_space<vmem>> -> memref<128x128xf32, #tpu.memory_space<vmem>>
          %dma_start3A_509 = arith.constant 0 : i32
          %dma_start3A_510 = tpu.memref_slice %arg5[%add3A_503, %dma_start3A_509] : memref<3276800x128xf32, #tpu.memory_space<hbm>> -> memref<128x128xf32, #tpu.memory_space<hbm>>
          %dma_start3A_511 = arith.constant 0 : i32
          %dma_start3A_512 = tpu.memref_slice %arg5[%add3A_503, %dma_start3A_511] : memref<3276800x128xf32, #tpu.memory_space<hbm>> -> memref<128x128xf32, #tpu.memory_space<hbm>>
          %dma_start3A_513 = arith.constant 0 : i32
          %dma_start3A_514 = arith.constant 0 : i32
          %dma_start3A_515 = tpu.memref_slice %arg9[%dma_start3A_504, %dma_start3A_513, %dma_start3A_514] : memref<4x128x128xf32, #tpu.memory_space<vmem>> -> memref<1x128x128xf32, #tpu.memory_space<vmem>>
          %dma_start3A_516 = tpu.memref_squeeze %dma_start3A_515 : memref<1x128x128xf32, #tpu.memory_space<vmem>> -> memref<128x128xf32, #tpu.memory_space<vmem>>
          tpu.enqueue_dma source(%dma_start3A_516 : memref<128x128xf32, #tpu.memory_space<vmem>>) target(%dma_start3A_512 : memref<128x128xf32, #tpu.memory_space<hbm>>) target_semaphore(%arg20 : memref<!tpu.dma_semaphore, #tpu.memory_space<semaphore_mem>>)
        } else {
        }
        %mul3A_292 = arith.constant 4 : i32
        %mul3A_293 = arith.muli %scan3A_228, %mul3A_292 : i32
        %add3A_294 = arith.constant 2 : i32
        %add3A_295 = arith.addi %mul3A_293, %add3A_294 : i32
        %mul3A_296 = arith.constant 16 : i32
        %mul3A_297 = arith.muli %add3A_142, %mul3A_296 : i32
        %add3A_298 = arith.addi %mul3A_297, %add3A_295 : i32
        %ge3A_299 = arith.constant 4 : i32
        %ge3A_300 = arith.cmpi sge, %add3A_298, %ge3A_299 : i32
        %convert_element_type3A_301 = arith.extui %ge3A_300 : i1 to i32
        %cond3A_302 = arith.constant 0 : i32
        %cond3A_303 = arith.cmpi ne, %convert_element_type3A_301, %cond3A_302 : i32
        scf.if %cond3A_303 {
          %dma_wait3A_486 = arith.constant 2 : i32
          %dma_wait3A_487 = arith.constant 0 : i32
          %dma_wait3A_488 = arith.constant 0 : i32
          %dma_wait3A_489 = tpu.memref_slice %arg9[%dma_wait3A_486, %dma_wait3A_487, %dma_wait3A_488] : memref<4x128x128xf32, #tpu.memory_space<vmem>> -> memref<1x128x128xf32, #tpu.memory_space<vmem>>
          %dma_wait3A_490 = tpu.memref_squeeze %dma_wait3A_489 : memref<1x128x128xf32, #tpu.memory_space<vmem>> -> memref<128x128xf32, #tpu.memory_space<vmem>>
          %dma_wait3A_491 = arith.constant 0 : i32
          %dma_wait3A_492 = tpu.memref_slice %arg5[%mul3A_2, %dma_wait3A_491] : memref<3276800x128xf32, #tpu.memory_space<hbm>> -> memref<128x128xf32, #tpu.memory_space<hbm>>
          %dma_wait3A_493 = arith.constant 0 : i32
          %dma_wait3A_494 = tpu.memref_slice %arg5[%mul3A_2, %dma_wait3A_493] : memref<3276800x128xf32, #tpu.memory_space<hbm>> -> memref<128x128xf32, #tpu.memory_space<hbm>>
          %dma_wait3A_495 = arith.constant 0 : i32
          %dma_wait3A_496 = arith.constant 0 : i32
          %dma_wait3A_497 = tpu.memref_slice %arg9[%dma_wait3A_486, %dma_wait3A_495, %dma_wait3A_496] : memref<4x128x128xf32, #tpu.memory_space<vmem>> -> memref<1x128x128xf32, #tpu.memory_space<vmem>>
          %dma_wait3A_498 = tpu.memref_squeeze %dma_wait3A_497 : memref<1x128x128xf32, #tpu.memory_space<vmem>> -> memref<128x128xf32, #tpu.memory_space<vmem>>
          tpu.wait_dma2 semaphore(%arg19 : memref<!tpu.dma_semaphore, #tpu.memory_space<semaphore_mem>>) src(%dma_wait3A_498 : memref<128x128xf32, #tpu.memory_space<vmem>>) dst(%dma_wait3A_494 : memref<128x128xf32, #tpu.memory_space<hbm>>)
        } else {
        }
        %mul3A_304 = arith.constant 128 : i32
        %mul3A_305 = arith.muli %add3A_295, %mul3A_304 : i32
        %dma_start3A_306 = arith.constant 0 : i32
        %dma_start3A_307 = arith.constant 2 : i32
        %dma_start3A_308 = arith.constant 0 : i32
        %dma_start3A_309 = arith.constant 0 : i32
        %dma_start3A_310 = tpu.memref_slice %arg9[%dma_start3A_307, %dma_start3A_308, %dma_start3A_309] : memref<4x128x128xf32, #tpu.memory_space<vmem>> -> memref<1x128x128xf32, #tpu.memory_space<vmem>>
        %dma_start3A_311 = tpu.memref_squeeze %dma_start3A_310 : memref<1x128x128xf32, #tpu.memory_space<vmem>> -> memref<128x128xf32, #tpu.memory_space<vmem>>
        %dma_start3A_312 = arith.constant 0 : i32
        %dma_start3A_313 = tpu.memref_slice %arg8[%dma_start3A_306, %dma_start3A_312] : memref<2x2048xi32, #tpu.memory_space<vmem>> -> memref<1x2048xi32, #tpu.memory_space<vmem>>
        %dma_start3A_314 = tpu.memref_squeeze %dma_start3A_313 : memref<1x2048xi32, #tpu.memory_space<vmem>> -> memref<2048xi32, #tpu.memory_space<vmem>>
        %dma_start3A_315 = tpu.memref_slice %dma_start3A_314[%mul3A_305] : memref<2048xi32, #tpu.memory_space<vmem>> -> memref<128xi32, #tpu.memory_space<vmem>>
        %dma_start3A_316 = arith.constant 0 : i32
        %dma_start3A_317 = arith.constant 0 : i32
        %dma_start3A_318 = tpu.memref_slice %arg10[%dma_start3A_316, %dma_start3A_317] : memref<168x128xf32, #tpu.memory_space<vmem_shared>> -> memref<168x128xf32, #tpu.memory_space<vmem_shared>>
        tpu.enqueue_indirect_dma source(%dma_start3A_318 : memref<168x128xf32, #tpu.memory_space<vmem_shared>>) target(%dma_start3A_311 : memref<128x128xf32, #tpu.memory_space<vmem>>) offsets(%dma_start3A_315 : memref<128xi32, #tpu.memory_space<vmem>>) semaphore(%arg15 : memref<!tpu.dma_semaphore, #tpu.memory_space<semaphore_mem>>)
        %ge3A_319 = arith.constant 2 : i32
        %ge3A_320 = arith.cmpi sge, %add3A_298, %ge3A_319 : i32
        %convert_element_type3A_321 = arith.extui %ge3A_320 : i1 to i32
        %cond3A_322 = arith.constant 0 : i32
        %cond3A_323 = arith.cmpi ne, %convert_element_type3A_321, %cond3A_322 : i32
        scf.if %cond3A_323 {
          %dma_wait3A_486 = arith.constant 0 : i32
          %dma_wait3A_487 = arith.constant 0 : i32
          %dma_wait3A_488 = arith.constant 0 : i32
          %dma_wait3A_489 = arith.constant 0 : i32
          %dma_wait3A_490 = tpu.memref_slice %arg9[%dma_wait3A_487, %dma_wait3A_488, %dma_wait3A_489] : memref<4x128x128xf32, #tpu.memory_space<vmem>> -> memref<1x128x128xf32, #tpu.memory_space<vmem>>
          %dma_wait3A_491 = tpu.memref_squeeze %dma_wait3A_490 : memref<1x128x128xf32, #tpu.memory_space<vmem>> -> memref<128x128xf32, #tpu.memory_space<vmem>>
          %dma_wait3A_492 = arith.constant 0 : i32
          %dma_wait3A_493 = tpu.memref_slice %arg8[%dma_wait3A_486, %dma_wait3A_492] : memref<2x2048xi32, #tpu.memory_space<vmem>> -> memref<1x2048xi32, #tpu.memory_space<vmem>>
          %dma_wait3A_494 = tpu.memref_squeeze %dma_wait3A_493 : memref<1x2048xi32, #tpu.memory_space<vmem>> -> memref<2048xi32, #tpu.memory_space<vmem>>
          %dma_wait3A_495 = arith.constant 0 : i32
          %dma_wait3A_496 = tpu.memref_slice %dma_wait3A_494[%dma_wait3A_495] : memref<2048xi32, #tpu.memory_space<vmem>> -> memref<128xi32, #tpu.memory_space<vmem>>
          %dma_wait3A_497 = arith.constant 0 : i32
          %dma_wait3A_498 = arith.constant 0 : i32
          %dma_wait3A_499 = tpu.memref_slice %arg10[%dma_wait3A_497, %dma_wait3A_498] : memref<168x128xf32, #tpu.memory_space<vmem_shared>> -> memref<168x128xf32, #tpu.memory_space<vmem_shared>>
          tpu.wait_indirect_dma semaphore(%arg13 : memref<!tpu.dma_semaphore, #tpu.memory_space<semaphore_mem>>) src(%dma_wait3A_499 : memref<168x128xf32, #tpu.memory_space<vmem_shared>>) dst(%dma_wait3A_491 : memref<128x128xf32, #tpu.memory_space<vmem>>)
          %sub3A = arith.constant 2 : i32
          %sub3A_500 = arith.subi %add3A_298, %sub3A : i32
          %mul3A_501 = arith.constant 128 : i32
          %mul3A_502 = arith.muli %sub3A_500, %mul3A_501 : i32
          %add3A_503 = arith.addi %mul3A_2, %mul3A_502 : i32
          %dma_start3A_504 = arith.constant 0 : i32
          %dma_start3A_505 = arith.constant 0 : i32
          %dma_start3A_506 = arith.constant 0 : i32
          %dma_start3A_507 = tpu.memref_slice %arg9[%dma_start3A_504, %dma_start3A_505, %dma_start3A_506] : memref<4x128x128xf32, #tpu.memory_space<vmem>> -> memref<1x128x128xf32, #tpu.memory_space<vmem>>
          %dma_start3A_508 = tpu.memref_squeeze %dma_start3A_507 : memref<1x128x128xf32, #tpu.memory_space<vmem>> -> memref<128x128xf32, #tpu.memory_space<vmem>>
          %dma_start3A_509 = arith.constant 0 : i32
          %dma_start3A_510 = tpu.memref_slice %arg5[%add3A_503, %dma_start3A_509] : memref<3276800x128xf32, #tpu.memory_space<hbm>> -> memref<128x128xf32, #tpu.memory_space<hbm>>
          %dma_start3A_511 = arith.constant 0 : i32
          %dma_start3A_512 = tpu.memref_slice %arg5[%add3A_503, %dma_start3A_511] : memref<3276800x128xf32, #tpu.memory_space<hbm>> -> memref<128x128xf32, #tpu.memory_space<hbm>>
          %dma_start3A_513 = arith.constant 0 : i32
          %dma_start3A_514 = arith.constant 0 : i32
          %dma_start3A_515 = tpu.memref_slice %arg9[%dma_start3A_504, %dma_start3A_513, %dma_start3A_514] : memref<4x128x128xf32, #tpu.memory_space<vmem>> -> memref<1x128x128xf32, #tpu.memory_space<vmem>>
          %dma_start3A_516 = tpu.memref_squeeze %dma_start3A_515 : memref<1x128x128xf32, #tpu.memory_space<vmem>> -> memref<128x128xf32, #tpu.memory_space<vmem>>
          tpu.enqueue_dma source(%dma_start3A_516 : memref<128x128xf32, #tpu.memory_space<vmem>>) target(%dma_start3A_512 : memref<128x128xf32, #tpu.memory_space<hbm>>) target_semaphore(%arg17 : memref<!tpu.dma_semaphore, #tpu.memory_space<semaphore_mem>>)
        } else {
        }
        %mul3A_324 = arith.constant 4 : i32
        %mul3A_325 = arith.muli %scan3A_228, %mul3A_324 : i32
        %add3A_326 = arith.constant 3 : i32
        %add3A_327 = arith.addi %mul3A_325, %add3A_326 : i32
        %mul3A_328 = arith.constant 16 : i32
        %mul3A_329 = arith.muli %add3A_142, %mul3A_328 : i32
        %add3A_330 = arith.addi %mul3A_329, %add3A_327 : i32
        %ge3A_331 = arith.constant 4 : i32
        %ge3A_332 = arith.cmpi sge, %add3A_330, %ge3A_331 : i32
        %convert_element_type3A_333 = arith.extui %ge3A_332 : i1 to i32
        %cond3A_334 = arith.constant 0 : i32
        %cond3A_335 = arith.cmpi ne, %convert_element_type3A_333, %cond3A_334 : i32
        scf.if %cond3A_335 {
          %dma_wait3A_486 = arith.constant 3 : i32
          %dma_wait3A_487 = arith.constant 0 : i32
          %dma_wait3A_488 = arith.constant 0 : i32
          %dma_wait3A_489 = tpu.memref_slice %arg9[%dma_wait3A_486, %dma_wait3A_487, %dma_wait3A_488] : memref<4x128x128xf32, #tpu.memory_space<vmem>> -> memref<1x128x128xf32, #tpu.memory_space<vmem>>
          %dma_wait3A_490 = tpu.memref_squeeze %dma_wait3A_489 : memref<1x128x128xf32, #tpu.memory_space<vmem>> -> memref<128x128xf32, #tpu.memory_space<vmem>>
          %dma_wait3A_491 = arith.constant 0 : i32
          %dma_wait3A_492 = tpu.memref_slice %arg5[%mul3A_2, %dma_wait3A_491] : memref<3276800x128xf32, #tpu.memory_space<hbm>> -> memref<128x128xf32, #tpu.memory_space<hbm>>
          %dma_wait3A_493 = arith.constant 0 : i32
          %dma_wait3A_494 = tpu.memref_slice %arg5[%mul3A_2, %dma_wait3A_493] : memref<3276800x128xf32, #tpu.memory_space<hbm>> -> memref<128x128xf32, #tpu.memory_space<hbm>>
          %dma_wait3A_495 = arith.constant 0 : i32
          %dma_wait3A_496 = arith.constant 0 : i32
          %dma_wait3A_497 = tpu.memref_slice %arg9[%dma_wait3A_486, %dma_wait3A_495, %dma_wait3A_496] : memref<4x128x128xf32, #tpu.memory_space<vmem>> -> memref<1x128x128xf32, #tpu.memory_space<vmem>>
          %dma_wait3A_498 = tpu.memref_squeeze %dma_wait3A_497 : memref<1x128x128xf32, #tpu.memory_space<vmem>> -> memref<128x128xf32, #tpu.memory_space<vmem>>
          tpu.wait_dma2 semaphore(%arg20 : memref<!tpu.dma_semaphore, #tpu.memory_space<semaphore_mem>>) src(%dma_wait3A_498 : memref<128x128xf32, #tpu.memory_space<vmem>>) dst(%dma_wait3A_494 : memref<128x128xf32, #tpu.memory_space<hbm>>)
        } else {
        }
        %mul3A_336 = arith.constant 128 : i32
        %mul3A_337 = arith.muli %add3A_327, %mul3A_336 : i32
        %dma_start3A_338 = arith.constant 0 : i32
        %dma_start3A_339 = arith.constant 3 : i32
        %dma_start3A_340 = arith.constant 0 : i32
        %dma_start3A_341 = arith.constant 0 : i32
        %dma_start3A_342 = tpu.memref_slice %arg9[%dma_start3A_339, %dma_start3A_340, %dma_start3A_341] : memref<4x128x128xf32, #tpu.memory_space<vmem>> -> memref<1x128x128xf32, #tpu.memory_space<vmem>>
        %dma_start3A_343 = tpu.memref_squeeze %dma_start3A_342 : memref<1x128x128xf32, #tpu.memory_space<vmem>> -> memref<128x128xf32, #tpu.memory_space<vmem>>
        %dma_start3A_344 = arith.constant 0 : i32
        %dma_start3A_345 = tpu.memref_slice %arg8[%dma_start3A_338, %dma_start3A_344] : memref<2x2048xi32, #tpu.memory_space<vmem>> -> memref<1x2048xi32, #tpu.memory_space<vmem>>
        %dma_start3A_346 = tpu.memref_squeeze %dma_start3A_345 : memref<1x2048xi32, #tpu.memory_space<vmem>> -> memref<2048xi32, #tpu.memory_space<vmem>>
        %dma_start3A_347 = tpu.memref_slice %dma_start3A_346[%mul3A_337] : memref<2048xi32, #tpu.memory_space<vmem>> -> memref<128xi32, #tpu.memory_space<vmem>>
        %dma_start3A_348 = arith.constant 0 : i32
        %dma_start3A_349 = arith.constant 0 : i32
        %dma_start3A_350 = tpu.memref_slice %arg10[%dma_start3A_348, %dma_start3A_349] : memref<168x128xf32, #tpu.memory_space<vmem_shared>> -> memref<168x128xf32, #tpu.memory_space<vmem_shared>>
        tpu.enqueue_indirect_dma source(%dma_start3A_350 : memref<168x128xf32, #tpu.memory_space<vmem_shared>>) target(%dma_start3A_343 : memref<128x128xf32, #tpu.memory_space<vmem>>) offsets(%dma_start3A_347 : memref<128xi32, #tpu.memory_space<vmem>>) semaphore(%arg16 : memref<!tpu.dma_semaphore, #tpu.memory_space<semaphore_mem>>)
        %ge3A_351 = arith.constant 2 : i32
        %ge3A_352 = arith.cmpi sge, %add3A_330, %ge3A_351 : i32
        %convert_element_type3A_353 = arith.extui %ge3A_352 : i1 to i32
        %cond3A_354 = arith.constant 0 : i32
        %cond3A_355 = arith.cmpi ne, %convert_element_type3A_353, %cond3A_354 : i32
        scf.if %cond3A_355 {
          %dma_wait3A_486 = arith.constant 0 : i32
          %dma_wait3A_487 = arith.constant 1 : i32
          %dma_wait3A_488 = arith.constant 0 : i32
          %dma_wait3A_489 = arith.constant 0 : i32
          %dma_wait3A_490 = tpu.memref_slice %arg9[%dma_wait3A_487, %dma_wait3A_488, %dma_wait3A_489] : memref<4x128x128xf32, #tpu.memory_space<vmem>> -> memref<1x128x128xf32, #tpu.memory_space<vmem>>
          %dma_wait3A_491 = tpu.memref_squeeze %dma_wait3A_490 : memref<1x128x128xf32, #tpu.memory_space<vmem>> -> memref<128x128xf32, #tpu.memory_space<vmem>>
          %dma_wait3A_492 = arith.constant 0 : i32
          %dma_wait3A_493 = tpu.memref_slice %arg8[%dma_wait3A_486, %dma_wait3A_492] : memref<2x2048xi32, #tpu.memory_space<vmem>> -> memref<1x2048xi32, #tpu.memory_space<vmem>>
          %dma_wait3A_494 = tpu.memref_squeeze %dma_wait3A_493 : memref<1x2048xi32, #tpu.memory_space<vmem>> -> memref<2048xi32, #tpu.memory_space<vmem>>
          %dma_wait3A_495 = arith.constant 0 : i32
          %dma_wait3A_496 = tpu.memref_slice %dma_wait3A_494[%dma_wait3A_495] : memref<2048xi32, #tpu.memory_space<vmem>> -> memref<128xi32, #tpu.memory_space<vmem>>
          %dma_wait3A_497 = arith.constant 0 : i32
          %dma_wait3A_498 = arith.constant 0 : i32
          %dma_wait3A_499 = tpu.memref_slice %arg10[%dma_wait3A_497, %dma_wait3A_498] : memref<168x128xf32, #tpu.memory_space<vmem_shared>> -> memref<168x128xf32, #tpu.memory_space<vmem_shared>>
          tpu.wait_indirect_dma semaphore(%arg14 : memref<!tpu.dma_semaphore, #tpu.memory_space<semaphore_mem>>) src(%dma_wait3A_499 : memref<168x128xf32, #tpu.memory_space<vmem_shared>>) dst(%dma_wait3A_491 : memref<128x128xf32, #tpu.memory_space<vmem>>)
          %sub3A = arith.constant 2 : i32
          %sub3A_500 = arith.subi %add3A_330, %sub3A : i32
          %mul3A_501 = arith.constant 128 : i32
          %mul3A_502 = arith.muli %sub3A_500, %mul3A_501 : i32
          %add3A_503 = arith.addi %mul3A_2, %mul3A_502 : i32
          %dma_start3A_504 = arith.constant 1 : i32
          %dma_start3A_505 = arith.constant 0 : i32
          %dma_start3A_506 = arith.constant 0 : i32
          %dma_start3A_507 = tpu.memref_slice %arg9[%dma_start3A_504, %dma_start3A_505, %dma_start3A_506] : memref<4x128x128xf32, #tpu.memory_space<vmem>> -> memref<1x128x128xf32, #tpu.memory_space<vmem>>
          %dma_start3A_508 = tpu.memref_squeeze %dma_start3A_507 : memref<1x128x128xf32, #tpu.memory_space<vmem>> -> memref<128x128xf32, #tpu.memory_space<vmem>>
          %dma_start3A_509 = arith.constant 0 : i32
          %dma_start3A_510 = tpu.memref_slice %arg5[%add3A_503, %dma_start3A_509] : memref<3276800x128xf32, #tpu.memory_space<hbm>> -> memref<128x128xf32, #tpu.memory_space<hbm>>
          %dma_start3A_511 = arith.constant 0 : i32
          %dma_start3A_512 = tpu.memref_slice %arg5[%add3A_503, %dma_start3A_511] : memref<3276800x128xf32, #tpu.memory_space<hbm>> -> memref<128x128xf32, #tpu.memory_space<hbm>>
          %dma_start3A_513 = arith.constant 0 : i32
          %dma_start3A_514 = arith.constant 0 : i32
          %dma_start3A_515 = tpu.memref_slice %arg9[%dma_start3A_504, %dma_start3A_513, %dma_start3A_514] : memref<4x128x128xf32, #tpu.memory_space<vmem>> -> memref<1x128x128xf32, #tpu.memory_space<vmem>>
          %dma_start3A_516 = tpu.memref_squeeze %dma_start3A_515 : memref<1x128x128xf32, #tpu.memory_space<vmem>> -> memref<128x128xf32, #tpu.memory_space<vmem>>
          tpu.enqueue_dma source(%dma_start3A_516 : memref<128x128xf32, #tpu.memory_space<vmem>>) target(%dma_start3A_512 : memref<128x128xf32, #tpu.memory_space<hbm>>) target_semaphore(%arg18 : memref<!tpu.dma_semaphore, #tpu.memory_space<semaphore_mem>>)
        } else {
        }
        %scan3A_356 = arith.constant 1 : i32
        %scan3A_357 = arith.addi %scan3A_228, %scan3A_356 : i32
        %mul3A_358 = arith.constant 4 : i32
        %mul3A_359 = arith.muli %scan3A_357, %mul3A_358 : i32
        %add3A_360 = arith.constant 0 : i32
        %add3A_361 = arith.addi %mul3A_359, %add3A_360 : i32
        %mul3A_362 = arith.constant 16 : i32
        %mul3A_363 = arith.muli %add3A_142, %mul3A_362 : i32
        %add3A_364 = arith.addi %mul3A_363, %add3A_361 : i32
        %ge3A_365 = arith.constant 4 : i32
        %ge3A_366 = arith.cmpi sge, %add3A_364, %ge3A_365 : i32
        %convert_element_type3A_367 = arith.extui %ge3A_366 : i1 to i32
        %cond3A_368 = arith.constant 0 : i32
        %cond3A_369 = arith.cmpi ne, %convert_element_type3A_367, %cond3A_368 : i32
        scf.if %cond3A_369 {
          %dma_wait3A_486 = arith.constant 0 : i32
          %dma_wait3A_487 = arith.constant 0 : i32
          %dma_wait3A_488 = arith.constant 0 : i32
          %dma_wait3A_489 = tpu.memref_slice %arg9[%dma_wait3A_486, %dma_wait3A_487, %dma_wait3A_488] : memref<4x128x128xf32, #tpu.memory_space<vmem>> -> memref<1x128x128xf32, #tpu.memory_space<vmem>>
          %dma_wait3A_490 = tpu.memref_squeeze %dma_wait3A_489 : memref<1x128x128xf32, #tpu.memory_space<vmem>> -> memref<128x128xf32, #tpu.memory_space<vmem>>
          %dma_wait3A_491 = arith.constant 0 : i32
          %dma_wait3A_492 = tpu.memref_slice %arg5[%mul3A_2, %dma_wait3A_491] : memref<3276800x128xf32, #tpu.memory_space<hbm>> -> memref<128x128xf32, #tpu.memory_space<hbm>>
          %dma_wait3A_493 = arith.constant 0 : i32
          %dma_wait3A_494 = tpu.memref_slice %arg5[%mul3A_2, %dma_wait3A_493] : memref<3276800x128xf32, #tpu.memory_space<hbm>> -> memref<128x128xf32, #tpu.memory_space<hbm>>
          %dma_wait3A_495 = arith.constant 0 : i32
          %dma_wait3A_496 = arith.constant 0 : i32
          %dma_wait3A_497 = tpu.memref_slice %arg9[%dma_wait3A_486, %dma_wait3A_495, %dma_wait3A_496] : memref<4x128x128xf32, #tpu.memory_space<vmem>> -> memref<1x128x128xf32, #tpu.memory_space<vmem>>
          %dma_wait3A_498 = tpu.memref_squeeze %dma_wait3A_497 : memref<1x128x128xf32, #tpu.memory_space<vmem>> -> memref<128x128xf32, #tpu.memory_space<vmem>>
          tpu.wait_dma2 semaphore(%arg17 : memref<!tpu.dma_semaphore, #tpu.memory_space<semaphore_mem>>) src(%dma_wait3A_498 : memref<128x128xf32, #tpu.memory_space<vmem>>) dst(%dma_wait3A_494 : memref<128x128xf32, #tpu.memory_space<hbm>>)
        } else {
        }
        %mul3A_370 = arith.constant 128 : i32
        %mul3A_371 = arith.muli %add3A_361, %mul3A_370 : i32
        %dma_start3A_372 = arith.constant 0 : i32
        %dma_start3A_373 = arith.constant 0 : i32
        %dma_start3A_374 = arith.constant 0 : i32
        %dma_start3A_375 = arith.constant 0 : i32
        %dma_start3A_376 = tpu.memref_slice %arg9[%dma_start3A_373, %dma_start3A_374, %dma_start3A_375] : memref<4x128x128xf32, #tpu.memory_space<vmem>> -> memref<1x128x128xf32, #tpu.memory_space<vmem>>
        %dma_start3A_377 = tpu.memref_squeeze %dma_start3A_376 : memref<1x128x128xf32, #tpu.memory_space<vmem>> -> memref<128x128xf32, #tpu.memory_space<vmem>>
        %dma_start3A_378 = arith.constant 0 : i32
        %dma_start3A_379 = tpu.memref_slice %arg8[%dma_start3A_372, %dma_start3A_378] : memref<2x2048xi32, #tpu.memory_space<vmem>> -> memref<1x2048xi32, #tpu.memory_space<vmem>>
        %dma_start3A_380 = tpu.memref_squeeze %dma_start3A_379 : memref<1x2048xi32, #tpu.memory_space<vmem>> -> memref<2048xi32, #tpu.memory_space<vmem>>
        %dma_start3A_381 = tpu.memref_slice %dma_start3A_380[%mul3A_371] : memref<2048xi32, #tpu.memory_space<vmem>> -> memref<128xi32, #tpu.memory_space<vmem>>
        %dma_start3A_382 = arith.constant 0 : i32
        %dma_start3A_383 = arith.constant 0 : i32
        %dma_start3A_384 = tpu.memref_slice %arg10[%dma_start3A_382, %dma_start3A_383] : memref<168x128xf32, #tpu.memory_space<vmem_shared>> -> memref<168x128xf32, #tpu.memory_space<vmem_shared>>
        tpu.enqueue_indirect_dma source(%dma_start3A_384 : memref<168x128xf32, #tpu.memory_space<vmem_shared>>) target(%dma_start3A_377 : memref<128x128xf32, #tpu.memory_space<vmem>>) offsets(%dma_start3A_381 : memref<128xi32, #tpu.memory_space<vmem>>) semaphore(%arg13 : memref<!tpu.dma_semaphore, #tpu.memory_space<semaphore_mem>>)
        %ge3A_385 = arith.constant 2 : i32
        %ge3A_386 = arith.cmpi sge, %add3A_364, %ge3A_385 : i32
        %convert_element_type3A_387 = arith.extui %ge3A_386 : i1 to i32
        %cond3A_388 = arith.constant 0 : i32
        %cond3A_389 = arith.cmpi ne, %convert_element_type3A_387, %cond3A_388 : i32
        scf.if %cond3A_389 {
          %dma_wait3A_486 = arith.constant 0 : i32
          %dma_wait3A_487 = arith.constant 2 : i32
          %dma_wait3A_488 = arith.constant 0 : i32
          %dma_wait3A_489 = arith.constant 0 : i32
          %dma_wait3A_490 = tpu.memref_slice %arg9[%dma_wait3A_487, %dma_wait3A_488, %dma_wait3A_489] : memref<4x128x128xf32, #tpu.memory_space<vmem>> -> memref<1x128x128xf32, #tpu.memory_space<vmem>>
          %dma_wait3A_491 = tpu.memref_squeeze %dma_wait3A_490 : memref<1x128x128xf32, #tpu.memory_space<vmem>> -> memref<128x128xf32, #tpu.memory_space<vmem>>
          %dma_wait3A_492 = arith.constant 0 : i32
          %dma_wait3A_493 = tpu.memref_slice %arg8[%dma_wait3A_486, %dma_wait3A_492] : memref<2x2048xi32, #tpu.memory_space<vmem>> -> memref<1x2048xi32, #tpu.memory_space<vmem>>
          %dma_wait3A_494 = tpu.memref_squeeze %dma_wait3A_493 : memref<1x2048xi32, #tpu.memory_space<vmem>> -> memref<2048xi32, #tpu.memory_space<vmem>>
          %dma_wait3A_495 = arith.constant 0 : i32
          %dma_wait3A_496 = tpu.memref_slice %dma_wait3A_494[%dma_wait3A_495] : memref<2048xi32, #tpu.memory_space<vmem>> -> memref<128xi32, #tpu.memory_space<vmem>>
          %dma_wait3A_497 = arith.constant 0 : i32
          %dma_wait3A_498 = arith.constant 0 : i32
          %dma_wait3A_499 = tpu.memref_slice %arg10[%dma_wait3A_497, %dma_wait3A_498] : memref<168x128xf32, #tpu.memory_space<vmem_shared>> -> memref<168x128xf32, #tpu.memory_space<vmem_shared>>
          tpu.wait_indirect_dma semaphore(%arg15 : memref<!tpu.dma_semaphore, #tpu.memory_space<semaphore_mem>>) src(%dma_wait3A_499 : memref<168x128xf32, #tpu.memory_space<vmem_shared>>) dst(%dma_wait3A_491 : memref<128x128xf32, #tpu.memory_space<vmem>>)
          %sub3A = arith.constant 2 : i32
          %sub3A_500 = arith.subi %add3A_364, %sub3A : i32
          %mul3A_501 = arith.constant 128 : i32
          %mul3A_502 = arith.muli %sub3A_500, %mul3A_501 : i32
          %add3A_503 = arith.addi %mul3A_2, %mul3A_502 : i32
          %dma_start3A_504 = arith.constant 2 : i32
          %dma_start3A_505 = arith.constant 0 : i32
          %dma_start3A_506 = arith.constant 0 : i32
          %dma_start3A_507 = tpu.memref_slice %arg9[%dma_start3A_504, %dma_start3A_505, %dma_start3A_506] : memref<4x128x128xf32, #tpu.memory_space<vmem>> -> memref<1x128x128xf32, #tpu.memory_space<vmem>>
          %dma_start3A_508 = tpu.memref_squeeze %dma_start3A_507 : memref<1x128x128xf32, #tpu.memory_space<vmem>> -> memref<128x128xf32, #tpu.memory_space<vmem>>
          %dma_start3A_509 = arith.constant 0 : i32
          %dma_start3A_510 = tpu.memref_slice %arg5[%add3A_503, %dma_start3A_509] : memref<3276800x128xf32, #tpu.memory_space<hbm>> -> memref<128x128xf32, #tpu.memory_space<hbm>>
          %dma_start3A_511 = arith.constant 0 : i32
          %dma_start3A_512 = tpu.memref_slice %arg5[%add3A_503, %dma_start3A_511] : memref<3276800x128xf32, #tpu.memory_space<hbm>> -> memref<128x128xf32, #tpu.memory_space<hbm>>
          %dma_start3A_513 = arith.constant 0 : i32
          %dma_start3A_514 = arith.constant 0 : i32
          %dma_start3A_515 = tpu.memref_slice %arg9[%dma_start3A_504, %dma_start3A_513, %dma_start3A_514] : memref<4x128x128xf32, #tpu.memory_space<vmem>> -> memref<1x128x128xf32, #tpu.memory_space<vmem>>
          %dma_start3A_516 = tpu.memref_squeeze %dma_start3A_515 : memref<1x128x128xf32, #tpu.memory_space<vmem>> -> memref<128x128xf32, #tpu.memory_space<vmem>>
          tpu.enqueue_dma source(%dma_start3A_516 : memref<128x128xf32, #tpu.memory_space<vmem>>) target(%dma_start3A_512 : memref<128x128xf32, #tpu.memory_space<hbm>>) target_semaphore(%arg19 : memref<!tpu.dma_semaphore, #tpu.memory_space<semaphore_mem>>)
        } else {
        }
        %mul3A_390 = arith.constant 4 : i32
        %mul3A_391 = arith.muli %scan3A_357, %mul3A_390 : i32
        %add3A_392 = arith.constant 1 : i32
        %add3A_393 = arith.addi %mul3A_391, %add3A_392 : i32
        %mul3A_394 = arith.constant 16 : i32
        %mul3A_395 = arith.muli %add3A_142, %mul3A_394 : i32
        %add3A_396 = arith.addi %mul3A_395, %add3A_393 : i32
        %ge3A_397 = arith.constant 4 : i32
        %ge3A_398 = arith.cmpi sge, %add3A_396, %ge3A_397 : i32
        %convert_element_type3A_399 = arith.extui %ge3A_398 : i1 to i32
        %cond3A_400 = arith.constant 0 : i32
        %cond3A_401 = arith.cmpi ne, %convert_element_type3A_399, %cond3A_400 : i32
        scf.if %cond3A_401 {
          %dma_wait3A_486 = arith.constant 1 : i32
          %dma_wait3A_487 = arith.constant 0 : i32
          %dma_wait3A_488 = arith.constant 0 : i32
          %dma_wait3A_489 = tpu.memref_slice %arg9[%dma_wait3A_486, %dma_wait3A_487, %dma_wait3A_488] : memref<4x128x128xf32, #tpu.memory_space<vmem>> -> memref<1x128x128xf32, #tpu.memory_space<vmem>>
          %dma_wait3A_490 = tpu.memref_squeeze %dma_wait3A_489 : memref<1x128x128xf32, #tpu.memory_space<vmem>> -> memref<128x128xf32, #tpu.memory_space<vmem>>
          %dma_wait3A_491 = arith.constant 0 : i32
          %dma_wait3A_492 = tpu.memref_slice %arg5[%mul3A_2, %dma_wait3A_491] : memref<3276800x128xf32, #tpu.memory_space<hbm>> -> memref<128x128xf32, #tpu.memory_space<hbm>>
          %dma_wait3A_493 = arith.constant 0 : i32
          %dma_wait3A_494 = tpu.memref_slice %arg5[%mul3A_2, %dma_wait3A_493] : memref<3276800x128xf32, #tpu.memory_space<hbm>> -> memref<128x128xf32, #tpu.memory_space<hbm>>
          %dma_wait3A_495 = arith.constant 0 : i32
          %dma_wait3A_496 = arith.constant 0 : i32
          %dma_wait3A_497 = tpu.memref_slice %arg9[%dma_wait3A_486, %dma_wait3A_495, %dma_wait3A_496] : memref<4x128x128xf32, #tpu.memory_space<vmem>> -> memref<1x128x128xf32, #tpu.memory_space<vmem>>
          %dma_wait3A_498 = tpu.memref_squeeze %dma_wait3A_497 : memref<1x128x128xf32, #tpu.memory_space<vmem>> -> memref<128x128xf32, #tpu.memory_space<vmem>>
          tpu.wait_dma2 semaphore(%arg18 : memref<!tpu.dma_semaphore, #tpu.memory_space<semaphore_mem>>) src(%dma_wait3A_498 : memref<128x128xf32, #tpu.memory_space<vmem>>) dst(%dma_wait3A_494 : memref<128x128xf32, #tpu.memory_space<hbm>>)
        } else {
        }
        %mul3A_402 = arith.constant 128 : i32
        %mul3A_403 = arith.muli %add3A_393, %mul3A_402 : i32
        %dma_start3A_404 = arith.constant 0 : i32
        %dma_start3A_405 = arith.constant 1 : i32
        %dma_start3A_406 = arith.constant 0 : i32
        %dma_start3A_407 = arith.constant 0 : i32
        %dma_start3A_408 = tpu.memref_slice %arg9[%dma_start3A_405, %dma_start3A_406, %dma_start3A_407] : memref<4x128x128xf32, #tpu.memory_space<vmem>> -> memref<1x128x128xf32, #tpu.memory_space<vmem>>
        %dma_start3A_409 = tpu.memref_squeeze %dma_start3A_408 : memref<1x128x128xf32, #tpu.memory_space<vmem>> -> memref<128x128xf32, #tpu.memory_space<vmem>>
        %dma_start3A_410 = arith.constant 0 : i32
        %dma_start3A_411 = tpu.memref_slice %arg8[%dma_start3A_404, %dma_start3A_410] : memref<2x2048xi32, #tpu.memory_space<vmem>> -> memref<1x2048xi32, #tpu.memory_space<vmem>>
        %dma_start3A_412 = tpu.memref_squeeze %dma_start3A_411 : memref<1x2048xi32, #tpu.memory_space<vmem>> -> memref<2048xi32, #tpu.memory_space<vmem>>
        %dma_start3A_413 = tpu.memref_slice %dma_start3A_412[%mul3A_403] : memref<2048xi32, #tpu.memory_space<vmem>> -> memref<128xi32, #tpu.memory_space<vmem>>
        %dma_start3A_414 = arith.constant 0 : i32
        %dma_start3A_415 = arith.constant 0 : i32
        %dma_start3A_416 = tpu.memref_slice %arg10[%dma_start3A_414, %dma_start3A_415] : memref<168x128xf32, #tpu.memory_space<vmem_shared>> -> memref<168x128xf32, #tpu.memory_space<vmem_shared>>
        tpu.enqueue_indirect_dma source(%dma_start3A_416 : memref<168x128xf32, #tpu.memory_space<vmem_shared>>) target(%dma_start3A_409 : memref<128x128xf32, #tpu.memory_space<vmem>>) offsets(%dma_start3A_413 : memref<128xi32, #tpu.memory_space<vmem>>) semaphore(%arg14 : memref<!tpu.dma_semaphore, #tpu.memory_space<semaphore_mem>>)
        %ge3A_417 = arith.constant 2 : i32
        %ge3A_418 = arith.cmpi sge, %add3A_396, %ge3A_417 : i32
        %convert_element_type3A_419 = arith.extui %ge3A_418 : i1 to i32
        %cond3A_420 = arith.constant 0 : i32
        %cond3A_421 = arith.cmpi ne, %convert_element_type3A_419, %cond3A_420 : i32
        scf.if %cond3A_421 {
          %dma_wait3A_486 = arith.constant 0 : i32
          %dma_wait3A_487 = arith.constant 3 : i32
          %dma_wait3A_488 = arith.constant 0 : i32
          %dma_wait3A_489 = arith.constant 0 : i32
          %dma_wait3A_490 = tpu.memref_slice %arg9[%dma_wait3A_487, %dma_wait3A_488, %dma_wait3A_489] : memref<4x128x128xf32, #tpu.memory_space<vmem>> -> memref<1x128x128xf32, #tpu.memory_space<vmem>>
          %dma_wait3A_491 = tpu.memref_squeeze %dma_wait3A_490 : memref<1x128x128xf32, #tpu.memory_space<vmem>> -> memref<128x128xf32, #tpu.memory_space<vmem>>
          %dma_wait3A_492 = arith.constant 0 : i32
          %dma_wait3A_493 = tpu.memref_slice %arg8[%dma_wait3A_486, %dma_wait3A_492] : memref<2x2048xi32, #tpu.memory_space<vmem>> -> memref<1x2048xi32, #tpu.memory_space<vmem>>
          %dma_wait3A_494 = tpu.memref_squeeze %dma_wait3A_493 : memref<1x2048xi32, #tpu.memory_space<vmem>> -> memref<2048xi32, #tpu.memory_space<vmem>>
          %dma_wait3A_495 = arith.constant 0 : i32
          %dma_wait3A_496 = tpu.memref_slice %dma_wait3A_494[%dma_wait3A_495] : memref<2048xi32, #tpu.memory_space<vmem>> -> memref<128xi32, #tpu.memory_space<vmem>>
          %dma_wait3A_497 = arith.constant 0 : i32
          %dma_wait3A_498 = arith.constant 0 : i32
          %dma_wait3A_499 = tpu.memref_slice %arg10[%dma_wait3A_497, %dma_wait3A_498] : memref<168x128xf32, #tpu.memory_space<vmem_shared>> -> memref<168x128xf32, #tpu.memory_space<vmem_shared>>
          tpu.wait_indirect_dma semaphore(%arg16 : memref<!tpu.dma_semaphore, #tpu.memory_space<semaphore_mem>>) src(%dma_wait3A_499 : memref<168x128xf32, #tpu.memory_space<vmem_shared>>) dst(%dma_wait3A_491 : memref<128x128xf32, #tpu.memory_space<vmem>>)
          %sub3A = arith.constant 2 : i32
          %sub3A_500 = arith.subi %add3A_396, %sub3A : i32
          %mul3A_501 = arith.constant 128 : i32
          %mul3A_502 = arith.muli %sub3A_500, %mul3A_501 : i32
          %add3A_503 = arith.addi %mul3A_2, %mul3A_502 : i32
          %dma_start3A_504 = arith.constant 3 : i32
          %dma_start3A_505 = arith.constant 0 : i32
          %dma_start3A_506 = arith.constant 0 : i32
          %dma_start3A_507 = tpu.memref_slice %arg9[%dma_start3A_504, %dma_start3A_505, %dma_start3A_506] : memref<4x128x128xf32, #tpu.memory_space<vmem>> -> memref<1x128x128xf32, #tpu.memory_space<vmem>>
          %dma_start3A_508 = tpu.memref_squeeze %dma_start3A_507 : memref<1x128x128xf32, #tpu.memory_space<vmem>> -> memref<128x128xf32, #tpu.memory_space<vmem>>
          %dma_start3A_509 = arith.constant 0 : i32
          %dma_start3A_510 = tpu.memref_slice %arg5[%add3A_503, %dma_start3A_509] : memref<3276800x128xf32, #tpu.memory_space<hbm>> -> memref<128x128xf32, #tpu.memory_space<hbm>>
          %dma_start3A_511 = arith.constant 0 : i32
          %dma_start3A_512 = tpu.memref_slice %arg5[%add3A_503, %dma_start3A_511] : memref<3276800x128xf32, #tpu.memory_space<hbm>> -> memref<128x128xf32, #tpu.memory_space<hbm>>
          %dma_start3A_513 = arith.constant 0 : i32
          %dma_start3A_514 = arith.constant 0 : i32
          %dma_start3A_515 = tpu.memref_slice %arg9[%dma_start3A_504, %dma_start3A_513, %dma_start3A_514] : memref<4x128x128xf32, #tpu.memory_space<vmem>> -> memref<1x128x128xf32, #tpu.memory_space<vmem>>
          %dma_start3A_516 = tpu.memref_squeeze %dma_start3A_515 : memref<1x128x128xf32, #tpu.memory_space<vmem>> -> memref<128x128xf32, #tpu.memory_space<vmem>>
          tpu.enqueue_dma source(%dma_start3A_516 : memref<128x128xf32, #tpu.memory_space<vmem>>) target(%dma_start3A_512 : memref<128x128xf32, #tpu.memory_space<hbm>>) target_semaphore(%arg20 : memref<!tpu.dma_semaphore, #tpu.memory_space<semaphore_mem>>)
        } else {
        }
        %mul3A_422 = arith.constant 4 : i32
        %mul3A_423 = arith.muli %scan3A_357, %mul3A_422 : i32
        %add3A_424 = arith.constant 2 : i32
        %add3A_425 = arith.addi %mul3A_423, %add3A_424 : i32
        %mul3A_426 = arith.constant 16 : i32
        %mul3A_427 = arith.muli %add3A_142, %mul3A_426 : i32
        %add3A_428 = arith.addi %mul3A_427, %add3A_425 : i32
        %ge3A_429 = arith.constant 4 : i32
        %ge3A_430 = arith.cmpi sge, %add3A_428, %ge3A_429 : i32
        %convert_element_type3A_431 = arith.extui %ge3A_430 : i1 to i32
        %cond3A_432 = arith.constant 0 : i32
        %cond3A_433 = arith.cmpi ne, %convert_element_type3A_431, %cond3A_432 : i32
        scf.if %cond3A_433 {
          %dma_wait3A_486 = arith.constant 2 : i32
          %dma_wait3A_487 = arith.constant 0 : i32
          %dma_wait3A_488 = arith.constant 0 : i32
          %dma_wait3A_489 = tpu.memref_slice %arg9[%dma_wait3A_486, %dma_wait3A_487, %dma_wait3A_488] : memref<4x128x128xf32, #tpu.memory_space<vmem>> -> memref<1x128x128xf32, #tpu.memory_space<vmem>>
          %dma_wait3A_490 = tpu.memref_squeeze %dma_wait3A_489 : memref<1x128x128xf32, #tpu.memory_space<vmem>> -> memref<128x128xf32, #tpu.memory_space<vmem>>
          %dma_wait3A_491 = arith.constant 0 : i32
          %dma_wait3A_492 = tpu.memref_slice %arg5[%mul3A_2, %dma_wait3A_491] : memref<3276800x128xf32, #tpu.memory_space<hbm>> -> memref<128x128xf32, #tpu.memory_space<hbm>>
          %dma_wait3A_493 = arith.constant 0 : i32
          %dma_wait3A_494 = tpu.memref_slice %arg5[%mul3A_2, %dma_wait3A_493] : memref<3276800x128xf32, #tpu.memory_space<hbm>> -> memref<128x128xf32, #tpu.memory_space<hbm>>
          %dma_wait3A_495 = arith.constant 0 : i32
          %dma_wait3A_496 = arith.constant 0 : i32
          %dma_wait3A_497 = tpu.memref_slice %arg9[%dma_wait3A_486, %dma_wait3A_495, %dma_wait3A_496] : memref<4x128x128xf32, #tpu.memory_space<vmem>> -> memref<1x128x128xf32, #tpu.memory_space<vmem>>
          %dma_wait3A_498 = tpu.memref_squeeze %dma_wait3A_497 : memref<1x128x128xf32, #tpu.memory_space<vmem>> -> memref<128x128xf32, #tpu.memory_space<vmem>>
          tpu.wait_dma2 semaphore(%arg19 : memref<!tpu.dma_semaphore, #tpu.memory_space<semaphore_mem>>) src(%dma_wait3A_498 : memref<128x128xf32, #tpu.memory_space<vmem>>) dst(%dma_wait3A_494 : memref<128x128xf32, #tpu.memory_space<hbm>>)
        } else {
        }
        %mul3A_434 = arith.constant 128 : i32
        %mul3A_435 = arith.muli %add3A_425, %mul3A_434 : i32
        %dma_start3A_436 = arith.constant 0 : i32
        %dma_start3A_437 = arith.constant 2 : i32
        %dma_start3A_438 = arith.constant 0 : i32
        %dma_start3A_439 = arith.constant 0 : i32
        %dma_start3A_440 = tpu.memref_slice %arg9[%dma_start3A_437, %dma_start3A_438, %dma_start3A_439] : memref<4x128x128xf32, #tpu.memory_space<vmem>> -> memref<1x128x128xf32, #tpu.memory_space<vmem>>
        %dma_start3A_441 = tpu.memref_squeeze %dma_start3A_440 : memref<1x128x128xf32, #tpu.memory_space<vmem>> -> memref<128x128xf32, #tpu.memory_space<vmem>>
        %dma_start3A_442 = arith.constant 0 : i32
        %dma_start3A_443 = tpu.memref_slice %arg8[%dma_start3A_436, %dma_start3A_442] : memref<2x2048xi32, #tpu.memory_space<vmem>> -> memref<1x2048xi32, #tpu.memory_space<vmem>>
        %dma_start3A_444 = tpu.memref_squeeze %dma_start3A_443 : memref<1x2048xi32, #tpu.memory_space<vmem>> -> memref<2048xi32, #tpu.memory_space<vmem>>
        %dma_start3A_445 = tpu.memref_slice %dma_start3A_444[%mul3A_435] : memref<2048xi32, #tpu.memory_space<vmem>> -> memref<128xi32, #tpu.memory_space<vmem>>
        %dma_start3A_446 = arith.constant 0 : i32
        %dma_start3A_447 = arith.constant 0 : i32
        %dma_start3A_448 = tpu.memref_slice %arg10[%dma_start3A_446, %dma_start3A_447] : memref<168x128xf32, #tpu.memory_space<vmem_shared>> -> memref<168x128xf32, #tpu.memory_space<vmem_shared>>
        tpu.enqueue_indirect_dma source(%dma_start3A_448 : memref<168x128xf32, #tpu.memory_space<vmem_shared>>) target(%dma_start3A_441 : memref<128x128xf32, #tpu.memory_space<vmem>>) offsets(%dma_start3A_445 : memref<128xi32, #tpu.memory_space<vmem>>) semaphore(%arg15 : memref<!tpu.dma_semaphore, #tpu.memory_space<semaphore_mem>>)
        %ge3A_449 = arith.constant 2 : i32
        %ge3A_450 = arith.cmpi sge, %add3A_428, %ge3A_449 : i32
        %convert_element_type3A_451 = arith.extui %ge3A_450 : i1 to i32
        %cond3A_452 = arith.constant 0 : i32
        %cond3A_453 = arith.cmpi ne, %convert_element_type3A_451, %cond3A_452 : i32
        scf.if %cond3A_453 {
          %dma_wait3A_486 = arith.constant 0 : i32
          %dma_wait3A_487 = arith.constant 0 : i32
          %dma_wait3A_488 = arith.constant 0 : i32
          %dma_wait3A_489 = arith.constant 0 : i32
          %dma_wait3A_490 = tpu.memref_slice %arg9[%dma_wait3A_487, %dma_wait3A_488, %dma_wait3A_489] : memref<4x128x128xf32, #tpu.memory_space<vmem>> -> memref<1x128x128xf32, #tpu.memory_space<vmem>>
          %dma_wait3A_491 = tpu.memref_squeeze %dma_wait3A_490 : memref<1x128x128xf32, #tpu.memory_space<vmem>> -> memref<128x128xf32, #tpu.memory_space<vmem>>
          %dma_wait3A_492 = arith.constant 0 : i32
          %dma_wait3A_493 = tpu.memref_slice %arg8[%dma_wait3A_486, %dma_wait3A_492] : memref<2x2048xi32, #tpu.memory_space<vmem>> -> memref<1x2048xi32, #tpu.memory_space<vmem>>
          %dma_wait3A_494 = tpu.memref_squeeze %dma_wait3A_493 : memref<1x2048xi32, #tpu.memory_space<vmem>> -> memref<2048xi32, #tpu.memory_space<vmem>>
          %dma_wait3A_495 = arith.constant 0 : i32
          %dma_wait3A_496 = tpu.memref_slice %dma_wait3A_494[%dma_wait3A_495] : memref<2048xi32, #tpu.memory_space<vmem>> -> memref<128xi32, #tpu.memory_space<vmem>>
          %dma_wait3A_497 = arith.constant 0 : i32
          %dma_wait3A_498 = arith.constant 0 : i32
          %dma_wait3A_499 = tpu.memref_slice %arg10[%dma_wait3A_497, %dma_wait3A_498] : memref<168x128xf32, #tpu.memory_space<vmem_shared>> -> memref<168x128xf32, #tpu.memory_space<vmem_shared>>
          tpu.wait_indirect_dma semaphore(%arg13 : memref<!tpu.dma_semaphore, #tpu.memory_space<semaphore_mem>>) src(%dma_wait3A_499 : memref<168x128xf32, #tpu.memory_space<vmem_shared>>) dst(%dma_wait3A_491 : memref<128x128xf32, #tpu.memory_space<vmem>>)
          %sub3A = arith.constant 2 : i32
          %sub3A_500 = arith.subi %add3A_428, %sub3A : i32
          %mul3A_501 = arith.constant 128 : i32
          %mul3A_502 = arith.muli %sub3A_500, %mul3A_501 : i32
          %add3A_503 = arith.addi %mul3A_2, %mul3A_502 : i32
          %dma_start3A_504 = arith.constant 0 : i32
          %dma_start3A_505 = arith.constant 0 : i32
          %dma_start3A_506 = arith.constant 0 : i32
          %dma_start3A_507 = tpu.memref_slice %arg9[%dma_start3A_504, %dma_start3A_505, %dma_start3A_506] : memref<4x128x128xf32, #tpu.memory_space<vmem>> -> memref<1x128x128xf32, #tpu.memory_space<vmem>>
          %dma_start3A_508 = tpu.memref_squeeze %dma_start3A_507 : memref<1x128x128xf32, #tpu.memory_space<vmem>> -> memref<128x128xf32, #tpu.memory_space<vmem>>
          %dma_start3A_509 = arith.constant 0 : i32
          %dma_start3A_510 = tpu.memref_slice %arg5[%add3A_503, %dma_start3A_509] : memref<3276800x128xf32, #tpu.memory_space<hbm>> -> memref<128x128xf32, #tpu.memory_space<hbm>>
          %dma_start3A_511 = arith.constant 0 : i32
          %dma_start3A_512 = tpu.memref_slice %arg5[%add3A_503, %dma_start3A_511] : memref<3276800x128xf32, #tpu.memory_space<hbm>> -> memref<128x128xf32, #tpu.memory_space<hbm>>
          %dma_start3A_513 = arith.constant 0 : i32
          %dma_start3A_514 = arith.constant 0 : i32
          %dma_start3A_515 = tpu.memref_slice %arg9[%dma_start3A_504, %dma_start3A_513, %dma_start3A_514] : memref<4x128x128xf32, #tpu.memory_space<vmem>> -> memref<1x128x128xf32, #tpu.memory_space<vmem>>
          %dma_start3A_516 = tpu.memref_squeeze %dma_start3A_515 : memref<1x128x128xf32, #tpu.memory_space<vmem>> -> memref<128x128xf32, #tpu.memory_space<vmem>>
          tpu.enqueue_dma source(%dma_start3A_516 : memref<128x128xf32, #tpu.memory_space<vmem>>) target(%dma_start3A_512 : memref<128x128xf32, #tpu.memory_space<hbm>>) target_semaphore(%arg17 : memref<!tpu.dma_semaphore, #tpu.memory_space<semaphore_mem>>)
        } else {
        }
        %mul3A_454 = arith.constant 4 : i32
        %mul3A_455 = arith.muli %scan3A_357, %mul3A_454 : i32
        %add3A_456 = arith.constant 3 : i32
        %add3A_457 = arith.addi %mul3A_455, %add3A_456 : i32
        %mul3A_458 = arith.constant 16 : i32
        %mul3A_459 = arith.muli %add3A_142, %mul3A_458 : i32
        %add3A_460 = arith.addi %mul3A_459, %add3A_457 : i32
        %ge3A_461 = arith.constant 4 : i32
        %ge3A_462 = arith.cmpi sge, %add3A_460, %ge3A_461 : i32
        %convert_element_type3A_463 = arith.extui %ge3A_462 : i1 to i32
        %cond3A_464 = arith.constant 0 : i32
        %cond3A_465 = arith.cmpi ne, %convert_element_type3A_463, %cond3A_464 : i32
        scf.if %cond3A_465 {
          %dma_wait3A_486 = arith.constant 3 : i32
          %dma_wait3A_487 = arith.constant 0 : i32
          %dma_wait3A_488 = arith.constant 0 : i32
          %dma_wait3A_489 = tpu.memref_slice %arg9[%dma_wait3A_486, %dma_wait3A_487, %dma_wait3A_488] : memref<4x128x128xf32, #tpu.memory_space<vmem>> -> memref<1x128x128xf32, #tpu.memory_space<vmem>>
          %dma_wait3A_490 = tpu.memref_squeeze %dma_wait3A_489 : memref<1x128x128xf32, #tpu.memory_space<vmem>> -> memref<128x128xf32, #tpu.memory_space<vmem>>
          %dma_wait3A_491 = arith.constant 0 : i32
          %dma_wait3A_492 = tpu.memref_slice %arg5[%mul3A_2, %dma_wait3A_491] : memref<3276800x128xf32, #tpu.memory_space<hbm>> -> memref<128x128xf32, #tpu.memory_space<hbm>>
          %dma_wait3A_493 = arith.constant 0 : i32
          %dma_wait3A_494 = tpu.memref_slice %arg5[%mul3A_2, %dma_wait3A_493] : memref<3276800x128xf32, #tpu.memory_space<hbm>> -> memref<128x128xf32, #tpu.memory_space<hbm>>
          %dma_wait3A_495 = arith.constant 0 : i32
          %dma_wait3A_496 = arith.constant 0 : i32
          %dma_wait3A_497 = tpu.memref_slice %arg9[%dma_wait3A_486, %dma_wait3A_495, %dma_wait3A_496] : memref<4x128x128xf32, #tpu.memory_space<vmem>> -> memref<1x128x128xf32, #tpu.memory_space<vmem>>
          %dma_wait3A_498 = tpu.memref_squeeze %dma_wait3A_497 : memref<1x128x128xf32, #tpu.memory_space<vmem>> -> memref<128x128xf32, #tpu.memory_space<vmem>>
          tpu.wait_dma2 semaphore(%arg20 : memref<!tpu.dma_semaphore, #tpu.memory_space<semaphore_mem>>) src(%dma_wait3A_498 : memref<128x128xf32, #tpu.memory_space<vmem>>) dst(%dma_wait3A_494 : memref<128x128xf32, #tpu.memory_space<hbm>>)
        } else {
        }
        %mul3A_466 = arith.constant 128 : i32
        %mul3A_467 = arith.muli %add3A_457, %mul3A_466 : i32
        %dma_start3A_468 = arith.constant 0 : i32
        %dma_start3A_469 = arith.constant 3 : i32
        %dma_start3A_470 = arith.constant 0 : i32
        %dma_start3A_471 = arith.constant 0 : i32
        %dma_start3A_472 = tpu.memref_slice %arg9[%dma_start3A_469, %dma_start3A_470, %dma_start3A_471] : memref<4x128x128xf32, #tpu.memory_space<vmem>> -> memref<1x128x128xf32, #tpu.memory_space<vmem>>
        %dma_start3A_473 = tpu.memref_squeeze %dma_start3A_472 : memref<1x128x128xf32, #tpu.memory_space<vmem>> -> memref<128x128xf32, #tpu.memory_space<vmem>>
        %dma_start3A_474 = arith.constant 0 : i32
        %dma_start3A_475 = tpu.memref_slice %arg8[%dma_start3A_468, %dma_start3A_474] : memref<2x2048xi32, #tpu.memory_space<vmem>> -> memref<1x2048xi32, #tpu.memory_space<vmem>>
        %dma_start3A_476 = tpu.memref_squeeze %dma_start3A_475 : memref<1x2048xi32, #tpu.memory_space<vmem>> -> memref<2048xi32, #tpu.memory_space<vmem>>
        %dma_start3A_477 = tpu.memref_slice %dma_start3A_476[%mul3A_467] : memref<2048xi32, #tpu.memory_space<vmem>> -> memref<128xi32, #tpu.memory_space<vmem>>
        %dma_start3A_478 = arith.constant 0 : i32
        %dma_start3A_479 = arith.constant 0 : i32
        %dma_start3A_480 = tpu.memref_slice %arg10[%dma_start3A_478, %dma_start3A_479] : memref<168x128xf32, #tpu.memory_space<vmem_shared>> -> memref<168x128xf32, #tpu.memory_space<vmem_shared>>
        tpu.enqueue_indirect_dma source(%dma_start3A_480 : memref<168x128xf32, #tpu.memory_space<vmem_shared>>) target(%dma_start3A_473 : memref<128x128xf32, #tpu.memory_space<vmem>>) offsets(%dma_start3A_477 : memref<128xi32, #tpu.memory_space<vmem>>) semaphore(%arg16 : memref<!tpu.dma_semaphore, #tpu.memory_space<semaphore_mem>>)
        %ge3A_481 = arith.constant 2 : i32
        %ge3A_482 = arith.cmpi sge, %add3A_460, %ge3A_481 : i32
        %convert_element_type3A_483 = arith.extui %ge3A_482 : i1 to i32
        %cond3A_484 = arith.constant 0 : i32
        %cond3A_485 = arith.cmpi ne, %convert_element_type3A_483, %cond3A_484 : i32
        scf.if %cond3A_485 {
          %dma_wait3A_486 = arith.constant 0 : i32
          %dma_wait3A_487 = arith.constant 1 : i32
          %dma_wait3A_488 = arith.constant 0 : i32
          %dma_wait3A_489 = arith.constant 0 : i32
          %dma_wait3A_490 = tpu.memref_slice %arg9[%dma_wait3A_487, %dma_wait3A_488, %dma_wait3A_489] : memref<4x128x128xf32, #tpu.memory_space<vmem>> -> memref<1x128x128xf32, #tpu.memory_space<vmem>>
          %dma_wait3A_491 = tpu.memref_squeeze %dma_wait3A_490 : memref<1x128x128xf32, #tpu.memory_space<vmem>> -> memref<128x128xf32, #tpu.memory_space<vmem>>
          %dma_wait3A_492 = arith.constant 0 : i32
          %dma_wait3A_493 = tpu.memref_slice %arg8[%dma_wait3A_486, %dma_wait3A_492] : memref<2x2048xi32, #tpu.memory_space<vmem>> -> memref<1x2048xi32, #tpu.memory_space<vmem>>
          %dma_wait3A_494 = tpu.memref_squeeze %dma_wait3A_493 : memref<1x2048xi32, #tpu.memory_space<vmem>> -> memref<2048xi32, #tpu.memory_space<vmem>>
          %dma_wait3A_495 = arith.constant 0 : i32
          %dma_wait3A_496 = tpu.memref_slice %dma_wait3A_494[%dma_wait3A_495] : memref<2048xi32, #tpu.memory_space<vmem>> -> memref<128xi32, #tpu.memory_space<vmem>>
          %dma_wait3A_497 = arith.constant 0 : i32
          %dma_wait3A_498 = arith.constant 0 : i32
          %dma_wait3A_499 = tpu.memref_slice %arg10[%dma_wait3A_497, %dma_wait3A_498] : memref<168x128xf32, #tpu.memory_space<vmem_shared>> -> memref<168x128xf32, #tpu.memory_space<vmem_shared>>
          tpu.wait_indirect_dma semaphore(%arg14 : memref<!tpu.dma_semaphore, #tpu.memory_space<semaphore_mem>>) src(%dma_wait3A_499 : memref<168x128xf32, #tpu.memory_space<vmem_shared>>) dst(%dma_wait3A_491 : memref<128x128xf32, #tpu.memory_space<vmem>>)
          %sub3A = arith.constant 2 : i32
          %sub3A_500 = arith.subi %add3A_460, %sub3A : i32
          %mul3A_501 = arith.constant 128 : i32
          %mul3A_502 = arith.muli %sub3A_500, %mul3A_501 : i32
          %add3A_503 = arith.addi %mul3A_2, %mul3A_502 : i32
          %dma_start3A_504 = arith.constant 1 : i32
          %dma_start3A_505 = arith.constant 0 : i32
          %dma_start3A_506 = arith.constant 0 : i32
          %dma_start3A_507 = tpu.memref_slice %arg9[%dma_start3A_504, %dma_start3A_505, %dma_start3A_506] : memref<4x128x128xf32, #tpu.memory_space<vmem>> -> memref<1x128x128xf32, #tpu.memory_space<vmem>>
          %dma_start3A_508 = tpu.memref_squeeze %dma_start3A_507 : memref<1x128x128xf32, #tpu.memory_space<vmem>> -> memref<128x128xf32, #tpu.memory_space<vmem>>
          %dma_start3A_509 = arith.constant 0 : i32
          %dma_start3A_510 = tpu.memref_slice %arg5[%add3A_503, %dma_start3A_509] : memref<3276800x128xf32, #tpu.memory_space<hbm>> -> memref<128x128xf32, #tpu.memory_space<hbm>>
          %dma_start3A_511 = arith.constant 0 : i32
          %dma_start3A_512 = tpu.memref_slice %arg5[%add3A_503, %dma_start3A_511] : memref<3276800x128xf32, #tpu.memory_space<hbm>> -> memref<128x128xf32, #tpu.memory_space<hbm>>
          %dma_start3A_513 = arith.constant 0 : i32
          %dma_start3A_514 = arith.constant 0 : i32
          %dma_start3A_515 = tpu.memref_slice %arg9[%dma_start3A_504, %dma_start3A_513, %dma_start3A_514] : memref<4x128x128xf32, #tpu.memory_space<vmem>> -> memref<1x128x128xf32, #tpu.memory_space<vmem>>
          %dma_start3A_516 = tpu.memref_squeeze %dma_start3A_515 : memref<1x128x128xf32, #tpu.memory_space<vmem>> -> memref<128x128xf32, #tpu.memory_space<vmem>>
          tpu.enqueue_dma source(%dma_start3A_516 : memref<128x128xf32, #tpu.memory_space<vmem>>) target(%dma_start3A_512 : memref<128x128xf32, #tpu.memory_space<hbm>>) target_semaphore(%arg18 : memref<!tpu.dma_semaphore, #tpu.memory_space<semaphore_mem>>)
        } else {
        }
      }
      %scan3A_182 = arith.constant 4 : i32
      %mul3A_183 = arith.constant 2 : i32
      %mul3A_184 = arith.muli %mul3A_183, %scan3A_138 : i32
      %add3A_185 = arith.constant 1 : i32
      %add3A_186 = arith.addi %mul3A_184, %add3A_185 : i32
      %dma_wait3A_187 = arith.constant 1 : i32
      %dma_wait3A_188 = arith.constant 0 : i32
      %dma_wait3A_189 = tpu.memref_slice %arg6[%dma_wait3A_187, %dma_wait3A_188] : memref<2x2048xi32, #tpu.memory_space<vmem>> -> memref<1x2048xi32, #tpu.memory_space<vmem>>
      %dma_wait3A_190 = tpu.memref_squeeze %dma_wait3A_189 : memref<1x2048xi32, #tpu.memory_space<vmem>> -> memref<2048xi32, #tpu.memory_space<vmem>>
      %dma_wait3A_191 = arith.constant 0 : i32
      %dma_wait3A_192 = tpu.memref_slice %arg2[%dma_wait3A_191] : memref<3276800xi32, #tpu.memory_space<hbm>> -> memref<2048xi32, #tpu.memory_space<hbm>>
      %dma_wait3A_193 = arith.constant 0 : i32
      %dma_wait3A_194 = tpu.memref_slice %arg6[%dma_wait3A_187, %dma_wait3A_193] : memref<2x2048xi32, #tpu.memory_space<vmem>> -> memref<1x2048xi32, #tpu.memory_space<vmem>>
      %dma_wait3A_195 = tpu.memref_squeeze %dma_wait3A_194 : memref<1x2048xi32, #tpu.memory_space<vmem>> -> memref<2048xi32, #tpu.memory_space<vmem>>
      %dma_wait3A_196 = arith.constant 0 : i32
      %dma_wait3A_197 = tpu.memref_slice %arg2[%dma_wait3A_196] : memref<3276800xi32, #tpu.memory_space<hbm>> -> memref<2048xi32, #tpu.memory_space<hbm>>
      tpu.wait_dma2 semaphore(%arg12 : memref<!tpu.dma_semaphore, #tpu.memory_space<semaphore_mem>>) src(%dma_wait3A_197 : memref<2048xi32, #tpu.memory_space<hbm>>) dst(%dma_wait3A_195 : memref<2048xi32, #tpu.memory_space<vmem>>)
      %dma_wait3A_198 = arith.constant 1 : i32
      %dma_wait3A_199 = arith.constant 0 : i32
      %dma_wait3A_200 = tpu.memref_slice %arg7[%dma_wait3A_198, %dma_wait3A_199] : memref<2x2048xi32, #tpu.memory_space<vmem>> -> memref<1x2048xi32, #tpu.memory_space<vmem>>
      %dma_wait3A_201 = tpu.memref_squeeze %dma_wait3A_200 : memref<1x2048xi32, #tpu.memory_space<vmem>> -> memref<2048xi32, #tpu.memory_space<vmem>>
      %dma_wait3A_202 = arith.constant 0 : i32
      %dma_wait3A_203 = tpu.memref_slice %arg3[%dma_wait3A_202] : memref<3276800xi32, #tpu.memory_space<hbm>> -> memref<2048xi32, #tpu.memory_space<hbm>>
      %dma_wait3A_204 = arith.constant 0 : i32
      %dma_wait3A_205 = tpu.memref_slice %arg7[%dma_wait3A_198, %dma_wait3A_204] : memref<2x2048xi32, #tpu.memory_space<vmem>> -> memref<1x2048xi32, #tpu.memory_space<vmem>>
      %dma_wait3A_206 = tpu.memref_squeeze %dma_wait3A_205 : memref<1x2048xi32, #tpu.memory_space<vmem>> -> memref<2048xi32, #tpu.memory_space<vmem>>
      %dma_wait3A_207 = arith.constant 0 : i32
      %dma_wait3A_208 = tpu.memref_slice %arg3[%dma_wait3A_207] : memref<3276800xi32, #tpu.memory_space<hbm>> -> memref<2048xi32, #tpu.memory_space<hbm>>
      tpu.wait_dma2 semaphore(%arg12 : memref<!tpu.dma_semaphore, #tpu.memory_space<semaphore_mem>>) src(%dma_wait3A_208 : memref<2048xi32, #tpu.memory_space<hbm>>) dst(%dma_wait3A_206 : memref<2048xi32, #tpu.memory_space<vmem>>)
      %add3A_209 = arith.constant 1 : i32
      %add3A_210 = arith.addi %add3A_186, %add3A_209 : i32
      %lt3A_211 = arith.constant 50 : i32
      %lt3A_212 = arith.cmpi slt, %add3A_210, %lt3A_211 : i32
      %convert_element_type3A_213 = arith.extui %lt3A_212 : i1 to i32
      %cond3A_214 = arith.constant 0 : i32
      %cond3A_215 = arith.cmpi ne, %convert_element_type3A_213, %cond3A_214 : i32
      scf.if %cond3A_215 {
        %add3A_228 = arith.constant 1 : i32
        %add3A_229 = arith.addi %add3A_186, %add3A_228 : i32
        %mul3A_230 = arith.constant 2048 : i32
        %mul3A_231 = arith.muli %add3A_229, %mul3A_230 : i32
        %add3A_232 = arith.addi %mul3A_2, %mul3A_231 : i32
        %dma_start3A_233 = arith.constant 0 : i32
        %dma_start3A_234 = arith.constant 0 : i32
        %dma_start3A_235 = tpu.memref_slice %arg6[%dma_start3A_233, %dma_start3A_234] : memref<2x2048xi32, #tpu.memory_space<vmem>> -> memref<1x2048xi32, #tpu.memory_space<vmem>>
        %dma_start3A_236 = tpu.memref_squeeze %dma_start3A_235 : memref<1x2048xi32, #tpu.memory_space<vmem>> -> memref<2048xi32, #tpu.memory_space<vmem>>
        %dma_start3A_237 = tpu.memref_slice %arg2[%add3A_232] : memref<3276800xi32, #tpu.memory_space<hbm>> -> memref<2048xi32, #tpu.memory_space<hbm>>
        %dma_start3A_238 = arith.constant 0 : i32
        %dma_start3A_239 = tpu.memref_slice %arg6[%dma_start3A_233, %dma_start3A_238] : memref<2x2048xi32, #tpu.memory_space<vmem>> -> memref<1x2048xi32, #tpu.memory_space<vmem>>
        %dma_start3A_240 = tpu.memref_squeeze %dma_start3A_239 : memref<1x2048xi32, #tpu.memory_space<vmem>> -> memref<2048xi32, #tpu.memory_space<vmem>>
        %dma_start3A_241 = tpu.memref_slice %arg2[%add3A_232] : memref<3276800xi32, #tpu.memory_space<hbm>> -> memref<2048xi32, #tpu.memory_space<hbm>>
        tpu.enqueue_dma source(%dma_start3A_241 : memref<2048xi32, #tpu.memory_space<hbm>>) target(%dma_start3A_240 : memref<2048xi32, #tpu.memory_space<vmem>>) target_semaphore(%arg11 : memref<!tpu.dma_semaphore, #tpu.memory_space<semaphore_mem>>)
        %dma_start3A_242 = arith.constant 0 : i32
        %dma_start3A_243 = arith.constant 0 : i32
        %dma_start3A_244 = tpu.memref_slice %arg7[%dma_start3A_242, %dma_start3A_243] : memref<2x2048xi32, #tpu.memory_space<vmem>> -> memref<1x2048xi32, #tpu.memory_space<vmem>>
        %dma_start3A_245 = tpu.memref_squeeze %dma_start3A_244 : memref<1x2048xi32, #tpu.memory_space<vmem>> -> memref<2048xi32, #tpu.memory_space<vmem>>
        %dma_start3A_246 = tpu.memref_slice %arg3[%add3A_232] : memref<3276800xi32, #tpu.memory_space<hbm>> -> memref<2048xi32, #tpu.memory_space<hbm>>
        %dma_start3A_247 = arith.constant 0 : i32
        %dma_start3A_248 = tpu.memref_slice %arg7[%dma_start3A_242, %dma_start3A_247] : memref<2x2048xi32, #tpu.memory_space<vmem>> -> memref<1x2048xi32, #tpu.memory_space<vmem>>
        %dma_start3A_249 = tpu.memref_squeeze %dma_start3A_248 : memref<1x2048xi32, #tpu.memory_space<vmem>> -> memref<2048xi32, #tpu.memory_space<vmem>>
        %dma_start3A_250 = tpu.memref_slice %arg3[%add3A_232] : memref<3276800xi32, #tpu.memory_space<hbm>> -> memref<2048xi32, #tpu.memory_space<hbm>>
        tpu.enqueue_dma source(%dma_start3A_250 : memref<2048xi32, #tpu.memory_space<hbm>>) target(%dma_start3A_249 : memref<2048xi32, #tpu.memory_space<vmem>>) target_semaphore(%arg11 : memref<!tpu.dma_semaphore, #tpu.memory_space<semaphore_mem>>)
      } else {
      }
      %scan3A_216 = arith.constant 0 : i32
      %scan3A_217 = arith.constant 0 : i32
      %scan3A_218 = arith.constant 128 : i32
      %scan3A_219 = arith.addi %scan3A_217, %scan3A_218 : i32
      %scan3A_220 = arith.constant 8 : i32
      scf.for %scan3A_228 = %scan3A_217 to %scan3A_219 step %scan3A_220  : i32 {
        %mul3A_229 = arith.constant 16 : i32
        %mul3A_230 = arith.muli %scan3A_228, %mul3A_229 : i32
        %get3A = arith.constant 1 : i32
        %get3A_231 = arith.index_cast %get3A : i32 to index
        %get3A_232 = arith.index_cast %mul3A_230 : i32 to index
        %get3A_233 = tpu.vector_load %arg6[%get3A_231, %get3A_232] {strides = array<i32>} : memref<2x2048xi32, #tpu.memory_space<vmem>>, vector<1x16xi32>,
        %get3A_234 = vector.shape_cast %get3A_233 : vector<1x16xi32> to vector<16xi32>
        %mul3A_235 = arith.constant 7 : i32
        %mul3A_236 = vector.broadcast %mul3A_235 : i32 to vector<16xi32>
        %mul3A_237 = arith.muli %get3A_234, %mul3A_236 : vector<16xi32>
        %get3A_238 = arith.constant 1 : i32
        %get3A_239 = arith.index_cast %get3A_238 : i32 to index
        %get3A_240 = arith.index_cast %mul3A_230 : i32 to index
        %get3A_241 = tpu.vector_load %arg7[%get3A_239, %get3A_240] {strides = array<i32>} : memref<2x2048xi32, #tpu.memory_space<vmem>>, vector<1x16xi32>,
        %get3A_242 = vector.shape_cast %get3A_241 : vector<1x16xi32> to vector<16xi32>
        %add3A_243 = arith.addi %mul3A_237, %get3A_242 : vector<16xi32>
        %swap3A = arith.constant 1 : i32
        %swap3A_244 = arith.index_cast %swap3A : i32 to index
        %swap3A_245 = arith.index_cast %mul3A_230 : i32 to index
        %swap3A_246 = tpu.vector_load %arg8[%swap3A_244, %swap3A_245] {strides = array<i32>} : memref<2x2048xi32, #tpu.memory_space<vmem>>, vector<1x16xi32>,
        %swap3A_247 = vector.shape_cast %swap3A_246 : vector<1x16xi32> to vector<16xi32>
        %swap3A_248 = vector.shape_cast %add3A_243 : vector<16xi32> to vector<1x16xi32>
        tpu.vector_store %arg8[%swap3A_244, %swap3A_245], %swap3A_248 {strides = array<i32>} : memref<2x2048xi32, #tpu.memory_space<vmem>>, vector<1x16xi32>,
        %scan3A_249 = arith.constant 1 : i32
        %scan3A_250 = arith.addi %scan3A_228, %scan3A_249 : i32
        %mul3A_251 = arith.constant 16 : i32
        %mul3A_252 = arith.muli %scan3A_250, %mul3A_251 : i32
        %get3A_253 = arith.constant 1 : i32
        %get3A_254 = arith.index_cast %get3A_253 : i32 to index
        %get3A_255 = arith.index_cast %mul3A_252 : i32 to index
        %get3A_256 = tpu.vector_load %arg6[%get3A_254, %get3A_255] {strides = array<i32>} : memref<2x2048xi32, #tpu.memory_space<vmem>>, vector<1x16xi32>,
        %get3A_257 = vector.shape_cast %get3A_256 : vector<1x16xi32> to vector<16xi32>
        %mul3A_258 = arith.constant 7 : i32
        %mul3A_259 = vector.broadcast %mul3A_258 : i32 to vector<16xi32>
        %mul3A_260 = arith.muli %get3A_257, %mul3A_259 : vector<16xi32>
        %get3A_261 = arith.constant 1 : i32
        %get3A_262 = arith.index_cast %get3A_261 : i32 to index
        %get3A_263 = arith.index_cast %mul3A_252 : i32 to index
        %get3A_264 = tpu.vector_load %arg7[%get3A_262, %get3A_263] {strides = array<i32>} : memref<2x2048xi32, #tpu.memory_space<vmem>>, vector<1x16xi32>,
        %get3A_265 = vector.shape_cast %get3A_264 : vector<1x16xi32> to vector<16xi32>
        %add3A_266 = arith.addi %mul3A_260, %get3A_265 : vector<16xi32>
        %swap3A_267 = arith.constant 1 : i32
        %swap3A_268 = arith.index_cast %swap3A_267 : i32 to index
        %swap3A_269 = arith.index_cast %mul3A_252 : i32 to index
        %swap3A_270 = tpu.vector_load %arg8[%swap3A_268, %swap3A_269] {strides = array<i32>} : memref<2x2048xi32, #tpu.memory_space<vmem>>, vector<1x16xi32>,
        %swap3A_271 = vector.shape_cast %swap3A_270 : vector<1x16xi32> to vector<16xi32>
        %swap3A_272 = vector.shape_cast %add3A_266 : vector<16xi32> to vector<1x16xi32>
        tpu.vector_store %arg8[%swap3A_268, %swap3A_269], %swap3A_272 {strides = array<i32>} : memref<2x2048xi32, #tpu.memory_space<vmem>>, vector<1x16xi32>,
        %scan3A_273 = arith.constant 2 : i32
        %scan3A_274 = arith.addi %scan3A_228, %scan3A_273 : i32
        %mul3A_275 = arith.constant 16 : i32
        %mul3A_276 = arith.muli %scan3A_274, %mul3A_275 : i32
        %get3A_277 = arith.constant 1 : i32
        %get3A_278 = arith.index_cast %get3A_277 : i32 to index
        %get3A_279 = arith.index_cast %mul3A_276 : i32 to index
        %get3A_280 = tpu.vector_load %arg6[%get3A_278, %get3A_279] {strides = array<i32>} : memref<2x2048xi32, #tpu.memory_space<vmem>>, vector<1x16xi32>,
        %get3A_281 = vector.shape_cast %get3A_280 : vector<1x16xi32> to vector<16xi32>
        %mul3A_282 = arith.constant 7 : i32
        %mul3A_283 = vector.broadcast %mul3A_282 : i32 to vector<16xi32>
        %mul3A_284 = arith.muli %get3A_281, %mul3A_283 : vector<16xi32>
        %get3A_285 = arith.constant 1 : i32
        %get3A_286 = arith.index_cast %get3A_285 : i32 to index
        %get3A_287 = arith.index_cast %mul3A_276 : i32 to index
        %get3A_288 = tpu.vector_load %arg7[%get3A_286, %get3A_287] {strides = array<i32>} : memref<2x2048xi32, #tpu.memory_space<vmem>>, vector<1x16xi32>,
        %get3A_289 = vector.shape_cast %get3A_288 : vector<1x16xi32> to vector<16xi32>
        %add3A_290 = arith.addi %mul3A_284, %get3A_289 : vector<16xi32>
        %swap3A_291 = arith.constant 1 : i32
        %swap3A_292 = arith.index_cast %swap3A_291 : i32 to index
        %swap3A_293 = arith.index_cast %mul3A_276 : i32 to index
        %swap3A_294 = tpu.vector_load %arg8[%swap3A_292, %swap3A_293] {strides = array<i32>} : memref<2x2048xi32, #tpu.memory_space<vmem>>, vector<1x16xi32>,
        %swap3A_295 = vector.shape_cast %swap3A_294 : vector<1x16xi32> to vector<16xi32>
        %swap3A_296 = vector.shape_cast %add3A_290 : vector<16xi32> to vector<1x16xi32>
        tpu.vector_store %arg8[%swap3A_292, %swap3A_293], %swap3A_296 {strides = array<i32>} : memref<2x2048xi32, #tpu.memory_space<vmem>>, vector<1x16xi32>,
        %scan3A_297 = arith.constant 3 : i32
        %scan3A_298 = arith.addi %scan3A_228, %scan3A_297 : i32
        %mul3A_299 = arith.constant 16 : i32
        %mul3A_300 = arith.muli %scan3A_298, %mul3A_299 : i32
        %get3A_301 = arith.constant 1 : i32
        %get3A_302 = arith.index_cast %get3A_301 : i32 to index
        %get3A_303 = arith.index_cast %mul3A_300 : i32 to index
        %get3A_304 = tpu.vector_load %arg6[%get3A_302, %get3A_303] {strides = array<i32>} : memref<2x2048xi32, #tpu.memory_space<vmem>>, vector<1x16xi32>,
        %get3A_305 = vector.shape_cast %get3A_304 : vector<1x16xi32> to vector<16xi32>
        %mul3A_306 = arith.constant 7 : i32
        %mul3A_307 = vector.broadcast %mul3A_306 : i32 to vector<16xi32>
        %mul3A_308 = arith.muli %get3A_305, %mul3A_307 : vector<16xi32>
        %get3A_309 = arith.constant 1 : i32
        %get3A_310 = arith.index_cast %get3A_309 : i32 to index
        %get3A_311 = arith.index_cast %mul3A_300 : i32 to index
        %get3A_312 = tpu.vector_load %arg7[%get3A_310, %get3A_311] {strides = array<i32>} : memref<2x2048xi32, #tpu.memory_space<vmem>>, vector<1x16xi32>,
        %get3A_313 = vector.shape_cast %get3A_312 : vector<1x16xi32> to vector<16xi32>
        %add3A_314 = arith.addi %mul3A_308, %get3A_313 : vector<16xi32>
        %swap3A_315 = arith.constant 1 : i32
        %swap3A_316 = arith.index_cast %swap3A_315 : i32 to index
        %swap3A_317 = arith.index_cast %mul3A_300 : i32 to index
        %swap3A_318 = tpu.vector_load %arg8[%swap3A_316, %swap3A_317] {strides = array<i32>} : memref<2x2048xi32, #tpu.memory_space<vmem>>, vector<1x16xi32>,
        %swap3A_319 = vector.shape_cast %swap3A_318 : vector<1x16xi32> to vector<16xi32>
        %swap3A_320 = vector.shape_cast %add3A_314 : vector<16xi32> to vector<1x16xi32>
        tpu.vector_store %arg8[%swap3A_316, %swap3A_317], %swap3A_320 {strides = array<i32>} : memref<2x2048xi32, #tpu.memory_space<vmem>>, vector<1x16xi32>,
        %scan3A_321 = arith.constant 4 : i32
        %scan3A_322 = arith.addi %scan3A_228, %scan3A_321 : i32
        %mul3A_323 = arith.constant 16 : i32
        %mul3A_324 = arith.muli %scan3A_322, %mul3A_323 : i32
        %get3A_325 = arith.constant 1 : i32
        %get3A_326 = arith.index_cast %get3A_325 : i32 to index
        %get3A_327 = arith.index_cast %mul3A_324 : i32 to index
        %get3A_328 = tpu.vector_load %arg6[%get3A_326, %get3A_327] {strides = array<i32>} : memref<2x2048xi32, #tpu.memory_space<vmem>>, vector<1x16xi32>,
        %get3A_329 = vector.shape_cast %get3A_328 : vector<1x16xi32> to vector<16xi32>
        %mul3A_330 = arith.constant 7 : i32
        %mul3A_331 = vector.broadcast %mul3A_330 : i32 to vector<16xi32>
        %mul3A_332 = arith.muli %get3A_329, %mul3A_331 : vector<16xi32>
        %get3A_333 = arith.constant 1 : i32
        %get3A_334 = arith.index_cast %get3A_333 : i32 to index
        %get3A_335 = arith.index_cast %mul3A_324 : i32 to index
        %get3A_336 = tpu.vector_load %arg7[%get3A_334, %get3A_335] {strides = array<i32>} : memref<2x2048xi32, #tpu.memory_space<vmem>>, vector<1x16xi32>,
        %get3A_337 = vector.shape_cast %get3A_336 : vector<1x16xi32> to vector<16xi32>
        %add3A_338 = arith.addi %mul3A_332, %get3A_337 : vector<16xi32>
        %swap3A_339 = arith.constant 1 : i32
        %swap3A_340 = arith.index_cast %swap3A_339 : i32 to index
        %swap3A_341 = arith.index_cast %mul3A_324 : i32 to index
        %swap3A_342 = tpu.vector_load %arg8[%swap3A_340, %swap3A_341] {strides = array<i32>} : memref<2x2048xi32, #tpu.memory_space<vmem>>, vector<1x16xi32>,
        %swap3A_343 = vector.shape_cast %swap3A_342 : vector<1x16xi32> to vector<16xi32>
        %swap3A_344 = vector.shape_cast %add3A_338 : vector<16xi32> to vector<1x16xi32>
        tpu.vector_store %arg8[%swap3A_340, %swap3A_341], %swap3A_344 {strides = array<i32>} : memref<2x2048xi32, #tpu.memory_space<vmem>>, vector<1x16xi32>,
        %scan3A_345 = arith.constant 5 : i32
        %scan3A_346 = arith.addi %scan3A_228, %scan3A_345 : i32
        %mul3A_347 = arith.constant 16 : i32
        %mul3A_348 = arith.muli %scan3A_346, %mul3A_347 : i32
        %get3A_349 = arith.constant 1 : i32
        %get3A_350 = arith.index_cast %get3A_349 : i32 to index
        %get3A_351 = arith.index_cast %mul3A_348 : i32 to index
        %get3A_352 = tpu.vector_load %arg6[%get3A_350, %get3A_351] {strides = array<i32>} : memref<2x2048xi32, #tpu.memory_space<vmem>>, vector<1x16xi32>,
        %get3A_353 = vector.shape_cast %get3A_352 : vector<1x16xi32> to vector<16xi32>
        %mul3A_354 = arith.constant 7 : i32
        %mul3A_355 = vector.broadcast %mul3A_354 : i32 to vector<16xi32>
        %mul3A_356 = arith.muli %get3A_353, %mul3A_355 : vector<16xi32>
        %get3A_357 = arith.constant 1 : i32
        %get3A_358 = arith.index_cast %get3A_357 : i32 to index
        %get3A_359 = arith.index_cast %mul3A_348 : i32 to index
        %get3A_360 = tpu.vector_load %arg7[%get3A_358, %get3A_359] {strides = array<i32>} : memref<2x2048xi32, #tpu.memory_space<vmem>>, vector<1x16xi32>,
        %get3A_361 = vector.shape_cast %get3A_360 : vector<1x16xi32> to vector<16xi32>
        %add3A_362 = arith.addi %mul3A_356, %get3A_361 : vector<16xi32>
        %swap3A_363 = arith.constant 1 : i32
        %swap3A_364 = arith.index_cast %swap3A_363 : i32 to index
        %swap3A_365 = arith.index_cast %mul3A_348 : i32 to index
        %swap3A_366 = tpu.vector_load %arg8[%swap3A_364, %swap3A_365] {strides = array<i32>} : memref<2x2048xi32, #tpu.memory_space<vmem>>, vector<1x16xi32>,
        %swap3A_367 = vector.shape_cast %swap3A_366 : vector<1x16xi32> to vector<16xi32>
        %swap3A_368 = vector.shape_cast %add3A_362 : vector<16xi32> to vector<1x16xi32>
        tpu.vector_store %arg8[%swap3A_364, %swap3A_365], %swap3A_368 {strides = array<i32>} : memref<2x2048xi32, #tpu.memory_space<vmem>>, vector<1x16xi32>,
        %scan3A_369 = arith.constant 6 : i32
        %scan3A_370 = arith.addi %scan3A_228, %scan3A_369 : i32
        %mul3A_371 = arith.constant 16 : i32
        %mul3A_372 = arith.muli %scan3A_370, %mul3A_371 : i32
        %get3A_373 = arith.constant 1 : i32
        %get3A_374 = arith.index_cast %get3A_373 : i32 to index
        %get3A_375 = arith.index_cast %mul3A_372 : i32 to index
        %get3A_376 = tpu.vector_load %arg6[%get3A_374, %get3A_375] {strides = array<i32>} : memref<2x2048xi32, #tpu.memory_space<vmem>>, vector<1x16xi32>,
        %get3A_377 = vector.shape_cast %get3A_376 : vector<1x16xi32> to vector<16xi32>
        %mul3A_378 = arith.constant 7 : i32
        %mul3A_379 = vector.broadcast %mul3A_378 : i32 to vector<16xi32>
        %mul3A_380 = arith.muli %get3A_377, %mul3A_379 : vector<16xi32>
        %get3A_381 = arith.constant 1 : i32
        %get3A_382 = arith.index_cast %get3A_381 : i32 to index
        %get3A_383 = arith.index_cast %mul3A_372 : i32 to index
        %get3A_384 = tpu.vector_load %arg7[%get3A_382, %get3A_383] {strides = array<i32>} : memref<2x2048xi32, #tpu.memory_space<vmem>>, vector<1x16xi32>,
        %get3A_385 = vector.shape_cast %get3A_384 : vector<1x16xi32> to vector<16xi32>
        %add3A_386 = arith.addi %mul3A_380, %get3A_385 : vector<16xi32>
        %swap3A_387 = arith.constant 1 : i32
        %swap3A_388 = arith.index_cast %swap3A_387 : i32 to index
        %swap3A_389 = arith.index_cast %mul3A_372 : i32 to index
        %swap3A_390 = tpu.vector_load %arg8[%swap3A_388, %swap3A_389] {strides = array<i32>} : memref<2x2048xi32, #tpu.memory_space<vmem>>, vector<1x16xi32>,
        %swap3A_391 = vector.shape_cast %swap3A_390 : vector<1x16xi32> to vector<16xi32>
        %swap3A_392 = vector.shape_cast %add3A_386 : vector<16xi32> to vector<1x16xi32>
        tpu.vector_store %arg8[%swap3A_388, %swap3A_389], %swap3A_392 {strides = array<i32>} : memref<2x2048xi32, #tpu.memory_space<vmem>>, vector<1x16xi32>,
        %scan3A_393 = arith.constant 7 : i32
        %scan3A_394 = arith.addi %scan3A_228, %scan3A_393 : i32
        %mul3A_395 = arith.constant 16 : i32
        %mul3A_396 = arith.muli %scan3A_394, %mul3A_395 : i32
        %get3A_397 = arith.constant 1 : i32
        %get3A_398 = arith.index_cast %get3A_397 : i32 to index
        %get3A_399 = arith.index_cast %mul3A_396 : i32 to index
        %get3A_400 = tpu.vector_load %arg6[%get3A_398, %get3A_399] {strides = array<i32>} : memref<2x2048xi32, #tpu.memory_space<vmem>>, vector<1x16xi32>,
        %get3A_401 = vector.shape_cast %get3A_400 : vector<1x16xi32> to vector<16xi32>
        %mul3A_402 = arith.constant 7 : i32
        %mul3A_403 = vector.broadcast %mul3A_402 : i32 to vector<16xi32>
        %mul3A_404 = arith.muli %get3A_401, %mul3A_403 : vector<16xi32>
        %get3A_405 = arith.constant 1 : i32
        %get3A_406 = arith.index_cast %get3A_405 : i32 to index
        %get3A_407 = arith.index_cast %mul3A_396 : i32 to index
        %get3A_408 = tpu.vector_load %arg7[%get3A_406, %get3A_407] {strides = array<i32>} : memref<2x2048xi32, #tpu.memory_space<vmem>>, vector<1x16xi32>,
        %get3A_409 = vector.shape_cast %get3A_408 : vector<1x16xi32> to vector<16xi32>
        %add3A_410 = arith.addi %mul3A_404, %get3A_409 : vector<16xi32>
        %swap3A_411 = arith.constant 1 : i32
        %swap3A_412 = arith.index_cast %swap3A_411 : i32 to index
        %swap3A_413 = arith.index_cast %mul3A_396 : i32 to index
        %swap3A_414 = tpu.vector_load %arg8[%swap3A_412, %swap3A_413] {strides = array<i32>} : memref<2x2048xi32, #tpu.memory_space<vmem>>, vector<1x16xi32>,
        %swap3A_415 = vector.shape_cast %swap3A_414 : vector<1x16xi32> to vector<16xi32>
        %swap3A_416 = vector.shape_cast %add3A_410 : vector<16xi32> to vector<1x16xi32>
        tpu.vector_store %arg8[%swap3A_412, %swap3A_413], %swap3A_416 {strides = array<i32>} : memref<2x2048xi32, #tpu.memory_space<vmem>>, vector<1x16xi32>,
      }
      %scan3A_221 = arith.constant 128 : i32
      %scan3A_222 = arith.constant 0 : i32
      %scan3A_223 = arith.constant 0 : i32
      %scan3A_224 = arith.constant 4 : i32
      %scan3A_225 = arith.addi %scan3A_223, %scan3A_224 : i32
      %scan3A_226 = arith.constant 2 : i32
      scf.for %scan3A_228 = %scan3A_223 to %scan3A_225 step %scan3A_226  : i32 {
        %mul3A_229 = arith.constant 4 : i32
        %mul3A_230 = arith.muli %scan3A_228, %mul3A_229 : i32
        %add3A_231 = arith.constant 0 : i32
        %add3A_232 = arith.addi %mul3A_230, %add3A_231 : i32
        %mul3A_233 = arith.constant 16 : i32
        %mul3A_234 = arith.muli %add3A_186, %mul3A_233 : i32
        %add3A_235 = arith.addi %mul3A_234, %add3A_232 : i32
        %ge3A = arith.constant 4 : i32
        %ge3A_236 = arith.cmpi sge, %add3A_235, %ge3A : i32
        %convert_element_type3A_237 = arith.extui %ge3A_236 : i1 to i32
        %cond3A_238 = arith.constant 0 : i32
        %cond3A_239 = arith.cmpi ne, %convert_element_type3A_237, %cond3A_238 : i32
        scf.if %cond3A_239 {
          %dma_wait3A_486 = arith.constant 0 : i32
          %dma_wait3A_487 = arith.constant 0 : i32
          %dma_wait3A_488 = arith.constant 0 : i32
          %dma_wait3A_489 = tpu.memref_slice %arg9[%dma_wait3A_486, %dma_wait3A_487, %dma_wait3A_488] : memref<4x128x128xf32, #tpu.memory_space<vmem>> -> memref<1x128x128xf32, #tpu.memory_space<vmem>>
          %dma_wait3A_490 = tpu.memref_squeeze %dma_wait3A_489 : memref<1x128x128xf32, #tpu.memory_space<vmem>> -> memref<128x128xf32, #tpu.memory_space<vmem>>
          %dma_wait3A_491 = arith.constant 0 : i32
          %dma_wait3A_492 = tpu.memref_slice %arg5[%mul3A_2, %dma_wait3A_491] : memref<3276800x128xf32, #tpu.memory_space<hbm>> -> memref<128x128xf32, #tpu.memory_space<hbm>>
          %dma_wait3A_493 = arith.constant 0 : i32
          %dma_wait3A_494 = tpu.memref_slice %arg5[%mul3A_2, %dma_wait3A_493] : memref<3276800x128xf32, #tpu.memory_space<hbm>> -> memref<128x128xf32, #tpu.memory_space<hbm>>
          %dma_wait3A_495 = arith.constant 0 : i32
          %dma_wait3A_496 = arith.constant 0 : i32
          %dma_wait3A_497 = tpu.memref_slice %arg9[%dma_wait3A_486, %dma_wait3A_495, %dma_wait3A_496] : memref<4x128x128xf32, #tpu.memory_space<vmem>> -> memref<1x128x128xf32, #tpu.memory_space<vmem>>
          %dma_wait3A_498 = tpu.memref_squeeze %dma_wait3A_497 : memref<1x128x128xf32, #tpu.memory_space<vmem>> -> memref<128x128xf32, #tpu.memory_space<vmem>>
          tpu.wait_dma2 semaphore(%arg17 : memref<!tpu.dma_semaphore, #tpu.memory_space<semaphore_mem>>) src(%dma_wait3A_498 : memref<128x128xf32, #tpu.memory_space<vmem>>) dst(%dma_wait3A_494 : memref<128x128xf32, #tpu.memory_space<hbm>>)
        } else {
        }
        %mul3A_240 = arith.constant 128 : i32
        %mul3A_241 = arith.muli %add3A_232, %mul3A_240 : i32
        %dma_start3A_242 = arith.constant 1 : i32
        %dma_start3A_243 = arith.constant 0 : i32
        %dma_start3A_244 = arith.constant 0 : i32
        %dma_start3A_245 = arith.constant 0 : i32
        %dma_start3A_246 = tpu.memref_slice %arg9[%dma_start3A_243, %dma_start3A_244, %dma_start3A_245] : memref<4x128x128xf32, #tpu.memory_space<vmem>> -> memref<1x128x128xf32, #tpu.memory_space<vmem>>
        %dma_start3A_247 = tpu.memref_squeeze %dma_start3A_246 : memref<1x128x128xf32, #tpu.memory_space<vmem>> -> memref<128x128xf32, #tpu.memory_space<vmem>>
        %dma_start3A_248 = arith.constant 0 : i32
        %dma_start3A_249 = tpu.memref_slice %arg8[%dma_start3A_242, %dma_start3A_248] : memref<2x2048xi32, #tpu.memory_space<vmem>> -> memref<1x2048xi32, #tpu.memory_space<vmem>>
        %dma_start3A_250 = tpu.memref_squeeze %dma_start3A_249 : memref<1x2048xi32, #tpu.memory_space<vmem>> -> memref<2048xi32, #tpu.memory_space<vmem>>
        %dma_start3A_251 = tpu.memref_slice %dma_start3A_250[%mul3A_241] : memref<2048xi32, #tpu.memory_space<vmem>> -> memref<128xi32, #tpu.memory_space<vmem>>
        %dma_start3A_252 = arith.constant 0 : i32
        %dma_start3A_253 = arith.constant 0 : i32
        %dma_start3A_254 = tpu.memref_slice %arg10[%dma_start3A_252, %dma_start3A_253] : memref<168x128xf32, #tpu.memory_space<vmem_shared>> -> memref<168x128xf32, #tpu.memory_space<vmem_shared>>
        tpu.enqueue_indirect_dma source(%dma_start3A_254 : memref<168x128xf32, #tpu.memory_space<vmem_shared>>) target(%dma_start3A_247 : memref<128x128xf32, #tpu.memory_space<vmem>>) offsets(%dma_start3A_251 : memref<128xi32, #tpu.memory_space<vmem>>) semaphore(%arg13 : memref<!tpu.dma_semaphore, #tpu.memory_space<semaphore_mem>>)
        %ge3A_255 = arith.constant 2 : i32
        %ge3A_256 = arith.cmpi sge, %add3A_235, %ge3A_255 : i32
        %convert_element_type3A_257 = arith.extui %ge3A_256 : i1 to i32
        %cond3A_258 = arith.constant 0 : i32
        %cond3A_259 = arith.cmpi ne, %convert_element_type3A_257, %cond3A_258 : i32
        scf.if %cond3A_259 {
          %dma_wait3A_486 = arith.constant 1 : i32
          %dma_wait3A_487 = arith.constant 2 : i32
          %dma_wait3A_488 = arith.constant 0 : i32
          %dma_wait3A_489 = arith.constant 0 : i32
          %dma_wait3A_490 = tpu.memref_slice %arg9[%dma_wait3A_487, %dma_wait3A_488, %dma_wait3A_489] : memref<4x128x128xf32, #tpu.memory_space<vmem>> -> memref<1x128x128xf32, #tpu.memory_space<vmem>>
          %dma_wait3A_491 = tpu.memref_squeeze %dma_wait3A_490 : memref<1x128x128xf32, #tpu.memory_space<vmem>> -> memref<128x128xf32, #tpu.memory_space<vmem>>
          %dma_wait3A_492 = arith.constant 0 : i32
          %dma_wait3A_493 = tpu.memref_slice %arg8[%dma_wait3A_486, %dma_wait3A_492] : memref<2x2048xi32, #tpu.memory_space<vmem>> -> memref<1x2048xi32, #tpu.memory_space<vmem>>
          %dma_wait3A_494 = tpu.memref_squeeze %dma_wait3A_493 : memref<1x2048xi32, #tpu.memory_space<vmem>> -> memref<2048xi32, #tpu.memory_space<vmem>>
          %dma_wait3A_495 = arith.constant 0 : i32
          %dma_wait3A_496 = tpu.memref_slice %dma_wait3A_494[%dma_wait3A_495] : memref<2048xi32, #tpu.memory_space<vmem>> -> memref<128xi32, #tpu.memory_space<vmem>>
          %dma_wait3A_497 = arith.constant 0 : i32
          %dma_wait3A_498 = arith.constant 0 : i32
          %dma_wait3A_499 = tpu.memref_slice %arg10[%dma_wait3A_497, %dma_wait3A_498] : memref<168x128xf32, #tpu.memory_space<vmem_shared>> -> memref<168x128xf32, #tpu.memory_space<vmem_shared>>
          tpu.wait_indirect_dma semaphore(%arg15 : memref<!tpu.dma_semaphore, #tpu.memory_space<semaphore_mem>>) src(%dma_wait3A_499 : memref<168x128xf32, #tpu.memory_space<vmem_shared>>) dst(%dma_wait3A_491 : memref<128x128xf32, #tpu.memory_space<vmem>>)
          %sub3A = arith.constant 2 : i32
          %sub3A_500 = arith.subi %add3A_235, %sub3A : i32
          %mul3A_501 = arith.constant 128 : i32
          %mul3A_502 = arith.muli %sub3A_500, %mul3A_501 : i32
          %add3A_503 = arith.addi %mul3A_2, %mul3A_502 : i32
          %dma_start3A_504 = arith.constant 2 : i32
          %dma_start3A_505 = arith.constant 0 : i32
          %dma_start3A_506 = arith.constant 0 : i32
          %dma_start3A_507 = tpu.memref_slice %arg9[%dma_start3A_504, %dma_start3A_505, %dma_start3A_506] : memref<4x128x128xf32, #tpu.memory_space<vmem>> -> memref<1x128x128xf32, #tpu.memory_space<vmem>>
          %dma_start3A_508 = tpu.memref_squeeze %dma_start3A_507 : memref<1x128x128xf32, #tpu.memory_space<vmem>> -> memref<128x128xf32, #tpu.memory_space<vmem>>
          %dma_start3A_509 = arith.constant 0 : i32
          %dma_start3A_510 = tpu.memref_slice %arg5[%add3A_503, %dma_start3A_509] : memref<3276800x128xf32, #tpu.memory_space<hbm>> -> memref<128x128xf32, #tpu.memory_space<hbm>>
          %dma_start3A_511 = arith.constant 0 : i32
          %dma_start3A_512 = tpu.memref_slice %arg5[%add3A_503, %dma_start3A_511] : memref<3276800x128xf32, #tpu.memory_space<hbm>> -> memref<128x128xf32, #tpu.memory_space<hbm>>
          %dma_start3A_513 = arith.constant 0 : i32
          %dma_start3A_514 = arith.constant 0 : i32
          %dma_start3A_515 = tpu.memref_slice %arg9[%dma_start3A_504, %dma_start3A_513, %dma_start3A_514] : memref<4x128x128xf32, #tpu.memory_space<vmem>> -> memref<1x128x128xf32, #tpu.memory_space<vmem>>
          %dma_start3A_516 = tpu.memref_squeeze %dma_start3A_515 : memref<1x128x128xf32, #tpu.memory_space<vmem>> -> memref<128x128xf32, #tpu.memory_space<vmem>>
          tpu.enqueue_dma source(%dma_start3A_516 : memref<128x128xf32, #tpu.memory_space<vmem>>) target(%dma_start3A_512 : memref<128x128xf32, #tpu.memory_space<hbm>>) target_semaphore(%arg19 : memref<!tpu.dma_semaphore, #tpu.memory_space<semaphore_mem>>)
        } else {
        }
        %mul3A_260 = arith.constant 4 : i32
        %mul3A_261 = arith.muli %scan3A_228, %mul3A_260 : i32
        %add3A_262 = arith.constant 1 : i32
        %add3A_263 = arith.addi %mul3A_261, %add3A_262 : i32
        %mul3A_264 = arith.constant 16 : i32
        %mul3A_265 = arith.muli %add3A_186, %mul3A_264 : i32
        %add3A_266 = arith.addi %mul3A_265, %add3A_263 : i32
        %ge3A_267 = arith.constant 4 : i32
        %ge3A_268 = arith.cmpi sge, %add3A_266, %ge3A_267 : i32
        %convert_element_type3A_269 = arith.extui %ge3A_268 : i1 to i32
        %cond3A_270 = arith.constant 0 : i32
        %cond3A_271 = arith.cmpi ne, %convert_element_type3A_269, %cond3A_270 : i32
        scf.if %cond3A_271 {
          %dma_wait3A_486 = arith.constant 1 : i32
          %dma_wait3A_487 = arith.constant 0 : i32
          %dma_wait3A_488 = arith.constant 0 : i32
          %dma_wait3A_489 = tpu.memref_slice %arg9[%dma_wait3A_486, %dma_wait3A_487, %dma_wait3A_488] : memref<4x128x128xf32, #tpu.memory_space<vmem>> -> memref<1x128x128xf32, #tpu.memory_space<vmem>>
          %dma_wait3A_490 = tpu.memref_squeeze %dma_wait3A_489 : memref<1x128x128xf32, #tpu.memory_space<vmem>> -> memref<128x128xf32, #tpu.memory_space<vmem>>
          %dma_wait3A_491 = arith.constant 0 : i32
          %dma_wait3A_492 = tpu.memref_slice %arg5[%mul3A_2, %dma_wait3A_491] : memref<3276800x128xf32, #tpu.memory_space<hbm>> -> memref<128x128xf32, #tpu.memory_space<hbm>>
          %dma_wait3A_493 = arith.constant 0 : i32
          %dma_wait3A_494 = tpu.memref_slice %arg5[%mul3A_2, %dma_wait3A_493] : memref<3276800x128xf32, #tpu.memory_space<hbm>> -> memref<128x128xf32, #tpu.memory_space<hbm>>
          %dma_wait3A_495 = arith.constant 0 : i32
          %dma_wait3A_496 = arith.constant 0 : i32
          %dma_wait3A_497 = tpu.memref_slice %arg9[%dma_wait3A_486, %dma_wait3A_495, %dma_wait3A_496] : memref<4x128x128xf32, #tpu.memory_space<vmem>> -> memref<1x128x128xf32, #tpu.memory_space<vmem>>
          %dma_wait3A_498 = tpu.memref_squeeze %dma_wait3A_497 : memref<1x128x128xf32, #tpu.memory_space<vmem>> -> memref<128x128xf32, #tpu.memory_space<vmem>>
          tpu.wait_dma2 semaphore(%arg18 : memref<!tpu.dma_semaphore, #tpu.memory_space<semaphore_mem>>) src(%dma_wait3A_498 : memref<128x128xf32, #tpu.memory_space<vmem>>) dst(%dma_wait3A_494 : memref<128x128xf32, #tpu.memory_space<hbm>>)
        } else {
        }
        %mul3A_272 = arith.constant 128 : i32
        %mul3A_273 = arith.muli %add3A_263, %mul3A_272 : i32
        %dma_start3A_274 = arith.constant 1 : i32
        %dma_start3A_275 = arith.constant 1 : i32
        %dma_start3A_276 = arith.constant 0 : i32
        %dma_start3A_277 = arith.constant 0 : i32
        %dma_start3A_278 = tpu.memref_slice %arg9[%dma_start3A_275, %dma_start3A_276, %dma_start3A_277] : memref<4x128x128xf32, #tpu.memory_space<vmem>> -> memref<1x128x128xf32, #tpu.memory_space<vmem>>
        %dma_start3A_279 = tpu.memref_squeeze %dma_start3A_278 : memref<1x128x128xf32, #tpu.memory_space<vmem>> -> memref<128x128xf32, #tpu.memory_space<vmem>>
        %dma_start3A_280 = arith.constant 0 : i32
        %dma_start3A_281 = tpu.memref_slice %arg8[%dma_start3A_274, %dma_start3A_280] : memref<2x2048xi32, #tpu.memory_space<vmem>> -> memref<1x2048xi32, #tpu.memory_space<vmem>>
        %dma_start3A_282 = tpu.memref_squeeze %dma_start3A_281 : memref<1x2048xi32, #tpu.memory_space<vmem>> -> memref<2048xi32, #tpu.memory_space<vmem>>
        %dma_start3A_283 = tpu.memref_slice %dma_start3A_282[%mul3A_273] : memref<2048xi32, #tpu.memory_space<vmem>> -> memref<128xi32, #tpu.memory_space<vmem>>
        %dma_start3A_284 = arith.constant 0 : i32
        %dma_start3A_285 = arith.constant 0 : i32
        %dma_start3A_286 = tpu.memref_slice %arg10[%dma_start3A_284, %dma_start3A_285] : memref<168x128xf32, #tpu.memory_space<vmem_shared>> -> memref<168x128xf32, #tpu.memory_space<vmem_shared>>
        tpu.enqueue_indirect_dma source(%dma_start3A_286 : memref<168x128xf32, #tpu.memory_space<vmem_shared>>) target(%dma_start3A_279 : memref<128x128xf32, #tpu.memory_space<vmem>>) offsets(%dma_start3A_283 : memref<128xi32, #tpu.memory_space<vmem>>) semaphore(%arg14 : memref<!tpu.dma_semaphore, #tpu.memory_space<semaphore_mem>>)
        %ge3A_287 = arith.constant 2 : i32
        %ge3A_288 = arith.cmpi sge, %add3A_266, %ge3A_287 : i32
        %convert_element_type3A_289 = arith.extui %ge3A_288 : i1 to i32
        %cond3A_290 = arith.constant 0 : i32
        %cond3A_291 = arith.cmpi ne, %convert_element_type3A_289, %cond3A_290 : i32
        scf.if %cond3A_291 {
          %dma_wait3A_486 = arith.constant 1 : i32
          %dma_wait3A_487 = arith.constant 3 : i32
          %dma_wait3A_488 = arith.constant 0 : i32
          %dma_wait3A_489 = arith.constant 0 : i32
          %dma_wait3A_490 = tpu.memref_slice %arg9[%dma_wait3A_487, %dma_wait3A_488, %dma_wait3A_489] : memref<4x128x128xf32, #tpu.memory_space<vmem>> -> memref<1x128x128xf32, #tpu.memory_space<vmem>>
          %dma_wait3A_491 = tpu.memref_squeeze %dma_wait3A_490 : memref<1x128x128xf32, #tpu.memory_space<vmem>> -> memref<128x128xf32, #tpu.memory_space<vmem>>
          %dma_wait3A_492 = arith.constant 0 : i32
          %dma_wait3A_493 = tpu.memref_slice %arg8[%dma_wait3A_486, %dma_wait3A_492] : memref<2x2048xi32, #tpu.memory_space<vmem>> -> memref<1x2048xi32, #tpu.memory_space<vmem>>
          %dma_wait3A_494 = tpu.memref_squeeze %dma_wait3A_493 : memref<1x2048xi32, #tpu.memory_space<vmem>> -> memref<2048xi32, #tpu.memory_space<vmem>>
          %dma_wait3A_495 = arith.constant 0 : i32
          %dma_wait3A_496 = tpu.memref_slice %dma_wait3A_494[%dma_wait3A_495] : memref<2048xi32, #tpu.memory_space<vmem>> -> memref<128xi32, #tpu.memory_space<vmem>>
          %dma_wait3A_497 = arith.constant 0 : i32
          %dma_wait3A_498 = arith.constant 0 : i32
          %dma_wait3A_499 = tpu.memref_slice %arg10[%dma_wait3A_497, %dma_wait3A_498] : memref<168x128xf32, #tpu.memory_space<vmem_shared>> -> memref<168x128xf32, #tpu.memory_space<vmem_shared>>
          tpu.wait_indirect_dma semaphore(%arg16 : memref<!tpu.dma_semaphore, #tpu.memory_space<semaphore_mem>>) src(%dma_wait3A_499 : memref<168x128xf32, #tpu.memory_space<vmem_shared>>) dst(%dma_wait3A_491 : memref<128x128xf32, #tpu.memory_space<vmem>>)
          %sub3A = arith.constant 2 : i32
          %sub3A_500 = arith.subi %add3A_266, %sub3A : i32
          %mul3A_501 = arith.constant 128 : i32
          %mul3A_502 = arith.muli %sub3A_500, %mul3A_501 : i32
          %add3A_503 = arith.addi %mul3A_2, %mul3A_502 : i32
          %dma_start3A_504 = arith.constant 3 : i32
          %dma_start3A_505 = arith.constant 0 : i32
          %dma_start3A_506 = arith.constant 0 : i32
          %dma_start3A_507 = tpu.memref_slice %arg9[%dma_start3A_504, %dma_start3A_505, %dma_start3A_506] : memref<4x128x128xf32, #tpu.memory_space<vmem>> -> memref<1x128x128xf32, #tpu.memory_space<vmem>>
          %dma_start3A_508 = tpu.memref_squeeze %dma_start3A_507 : memref<1x128x128xf32, #tpu.memory_space<vmem>> -> memref<128x128xf32, #tpu.memory_space<vmem>>
          %dma_start3A_509 = arith.constant 0 : i32
          %dma_start3A_510 = tpu.memref_slice %arg5[%add3A_503, %dma_start3A_509] : memref<3276800x128xf32, #tpu.memory_space<hbm>> -> memref<128x128xf32, #tpu.memory_space<hbm>>
          %dma_start3A_511 = arith.constant 0 : i32
          %dma_start3A_512 = tpu.memref_slice %arg5[%add3A_503, %dma_start3A_511] : memref<3276800x128xf32, #tpu.memory_space<hbm>> -> memref<128x128xf32, #tpu.memory_space<hbm>>
          %dma_start3A_513 = arith.constant 0 : i32
          %dma_start3A_514 = arith.constant 0 : i32
          %dma_start3A_515 = tpu.memref_slice %arg9[%dma_start3A_504, %dma_start3A_513, %dma_start3A_514] : memref<4x128x128xf32, #tpu.memory_space<vmem>> -> memref<1x128x128xf32, #tpu.memory_space<vmem>>
          %dma_start3A_516 = tpu.memref_squeeze %dma_start3A_515 : memref<1x128x128xf32, #tpu.memory_space<vmem>> -> memref<128x128xf32, #tpu.memory_space<vmem>>
          tpu.enqueue_dma source(%dma_start3A_516 : memref<128x128xf32, #tpu.memory_space<vmem>>) target(%dma_start3A_512 : memref<128x128xf32, #tpu.memory_space<hbm>>) target_semaphore(%arg20 : memref<!tpu.dma_semaphore, #tpu.memory_space<semaphore_mem>>)
        } else {
        }
        %mul3A_292 = arith.constant 4 : i32
        %mul3A_293 = arith.muli %scan3A_228, %mul3A_292 : i32
        %add3A_294 = arith.constant 2 : i32
        %add3A_295 = arith.addi %mul3A_293, %add3A_294 : i32
        %mul3A_296 = arith.constant 16 : i32
        %mul3A_297 = arith.muli %add3A_186, %mul3A_296 : i32
        %add3A_298 = arith.addi %mul3A_297, %add3A_295 : i32
        %ge3A_299 = arith.constant 4 : i32
        %ge3A_300 = arith.cmpi sge, %add3A_298, %ge3A_299 : i32
        %convert_element_type3A_301 = arith.extui %ge3A_300 : i1 to i32
        %cond3A_302 = arith.constant 0 : i32
        %cond3A_303 = arith.cmpi ne, %convert_element_type3A_301, %cond3A_302 : i32
        scf.if %cond3A_303 {
          %dma_wait3A_486 = arith.constant 2 : i32
          %dma_wait3A_487 = arith.constant 0 : i32
          %dma_wait3A_488 = arith.constant 0 : i32
          %dma_wait3A_489 = tpu.memref_slice %arg9[%dma_wait3A_486, %dma_wait3A_487, %dma_wait3A_488] : memref<4x128x128xf32, #tpu.memory_space<vmem>> -> memref<1x128x128xf32, #tpu.memory_space<vmem>>
          %dma_wait3A_490 = tpu.memref_squeeze %dma_wait3A_489 : memref<1x128x128xf32, #tpu.memory_space<vmem>> -> memref<128x128xf32, #tpu.memory_space<vmem>>
          %dma_wait3A_491 = arith.constant 0 : i32
          %dma_wait3A_492 = tpu.memref_slice %arg5[%mul3A_2, %dma_wait3A_491] : memref<3276800x128xf32, #tpu.memory_space<hbm>> -> memref<128x128xf32, #tpu.memory_space<hbm>>
          %dma_wait3A_493 = arith.constant 0 : i32
          %dma_wait3A_494 = tpu.memref_slice %arg5[%mul3A_2, %dma_wait3A_493] : memref<3276800x128xf32, #tpu.memory_space<hbm>> -> memref<128x128xf32, #tpu.memory_space<hbm>>
          %dma_wait3A_495 = arith.constant 0 : i32
          %dma_wait3A_496 = arith.constant 0 : i32
          %dma_wait3A_497 = tpu.memref_slice %arg9[%dma_wait3A_486, %dma_wait3A_495, %dma_wait3A_496] : memref<4x128x128xf32, #tpu.memory_space<vmem>> -> memref<1x128x128xf32, #tpu.memory_space<vmem>>
          %dma_wait3A_498 = tpu.memref_squeeze %dma_wait3A_497 : memref<1x128x128xf32, #tpu.memory_space<vmem>> -> memref<128x128xf32, #tpu.memory_space<vmem>>
          tpu.wait_dma2 semaphore(%arg19 : memref<!tpu.dma_semaphore, #tpu.memory_space<semaphore_mem>>) src(%dma_wait3A_498 : memref<128x128xf32, #tpu.memory_space<vmem>>) dst(%dma_wait3A_494 : memref<128x128xf32, #tpu.memory_space<hbm>>)
        } else {
        }
        %mul3A_304 = arith.constant 128 : i32
        %mul3A_305 = arith.muli %add3A_295, %mul3A_304 : i32
        %dma_start3A_306 = arith.constant 1 : i32
        %dma_start3A_307 = arith.constant 2 : i32
        %dma_start3A_308 = arith.constant 0 : i32
        %dma_start3A_309 = arith.constant 0 : i32
        %dma_start3A_310 = tpu.memref_slice %arg9[%dma_start3A_307, %dma_start3A_308, %dma_start3A_309] : memref<4x128x128xf32, #tpu.memory_space<vmem>> -> memref<1x128x128xf32, #tpu.memory_space<vmem>>
        %dma_start3A_311 = tpu.memref_squeeze %dma_start3A_310 : memref<1x128x128xf32, #tpu.memory_space<vmem>> -> memref<128x128xf32, #tpu.memory_space<vmem>>
        %dma_start3A_312 = arith.constant 0 : i32
        %dma_start3A_313 = tpu.memref_slice %arg8[%dma_start3A_306, %dma_start3A_312] : memref<2x2048xi32, #tpu.memory_space<vmem>> -> memref<1x2048xi32, #tpu.memory_space<vmem>>
        %dma_start3A_314 = tpu.memref_squeeze %dma_start3A_313 : memref<1x2048xi32, #tpu.memory_space<vmem>> -> memref<2048xi32, #tpu.memory_space<vmem>>
        %dma_start3A_315 = tpu.memref_slice %dma_start3A_314[%mul3A_305] : memref<2048xi32, #tpu.memory_space<vmem>> -> memref<128xi32, #tpu.memory_space<vmem>>
        %dma_start3A_316 = arith.constant 0 : i32
        %dma_start3A_317 = arith.constant 0 : i32
        %dma_start3A_318 = tpu.memref_slice %arg10[%dma_start3A_316, %dma_start3A_317] : memref<168x128xf32, #tpu.memory_space<vmem_shared>> -> memref<168x128xf32, #tpu.memory_space<vmem_shared>>
        tpu.enqueue_indirect_dma source(%dma_start3A_318 : memref<168x128xf32, #tpu.memory_space<vmem_shared>>) target(%dma_start3A_311 : memref<128x128xf32, #tpu.memory_space<vmem>>) offsets(%dma_start3A_315 : memref<128xi32, #tpu.memory_space<vmem>>) semaphore(%arg15 : memref<!tpu.dma_semaphore, #tpu.memory_space<semaphore_mem>>)
        %ge3A_319 = arith.constant 2 : i32
        %ge3A_320 = arith.cmpi sge, %add3A_298, %ge3A_319 : i32
        %convert_element_type3A_321 = arith.extui %ge3A_320 : i1 to i32
        %cond3A_322 = arith.constant 0 : i32
        %cond3A_323 = arith.cmpi ne, %convert_element_type3A_321, %cond3A_322 : i32
        scf.if %cond3A_323 {
          %dma_wait3A_486 = arith.constant 1 : i32
          %dma_wait3A_487 = arith.constant 0 : i32
          %dma_wait3A_488 = arith.constant 0 : i32
          %dma_wait3A_489 = arith.constant 0 : i32
          %dma_wait3A_490 = tpu.memref_slice %arg9[%dma_wait3A_487, %dma_wait3A_488, %dma_wait3A_489] : memref<4x128x128xf32, #tpu.memory_space<vmem>> -> memref<1x128x128xf32, #tpu.memory_space<vmem>>
          %dma_wait3A_491 = tpu.memref_squeeze %dma_wait3A_490 : memref<1x128x128xf32, #tpu.memory_space<vmem>> -> memref<128x128xf32, #tpu.memory_space<vmem>>
          %dma_wait3A_492 = arith.constant 0 : i32
          %dma_wait3A_493 = tpu.memref_slice %arg8[%dma_wait3A_486, %dma_wait3A_492] : memref<2x2048xi32, #tpu.memory_space<vmem>> -> memref<1x2048xi32, #tpu.memory_space<vmem>>
          %dma_wait3A_494 = tpu.memref_squeeze %dma_wait3A_493 : memref<1x2048xi32, #tpu.memory_space<vmem>> -> memref<2048xi32, #tpu.memory_space<vmem>>
          %dma_wait3A_495 = arith.constant 0 : i32
          %dma_wait3A_496 = tpu.memref_slice %dma_wait3A_494[%dma_wait3A_495] : memref<2048xi32, #tpu.memory_space<vmem>> -> memref<128xi32, #tpu.memory_space<vmem>>
          %dma_wait3A_497 = arith.constant 0 : i32
          %dma_wait3A_498 = arith.constant 0 : i32
          %dma_wait3A_499 = tpu.memref_slice %arg10[%dma_wait3A_497, %dma_wait3A_498] : memref<168x128xf32, #tpu.memory_space<vmem_shared>> -> memref<168x128xf32, #tpu.memory_space<vmem_shared>>
          tpu.wait_indirect_dma semaphore(%arg13 : memref<!tpu.dma_semaphore, #tpu.memory_space<semaphore_mem>>) src(%dma_wait3A_499 : memref<168x128xf32, #tpu.memory_space<vmem_shared>>) dst(%dma_wait3A_491 : memref<128x128xf32, #tpu.memory_space<vmem>>)
          %sub3A = arith.constant 2 : i32
          %sub3A_500 = arith.subi %add3A_298, %sub3A : i32
          %mul3A_501 = arith.constant 128 : i32
          %mul3A_502 = arith.muli %sub3A_500, %mul3A_501 : i32
          %add3A_503 = arith.addi %mul3A_2, %mul3A_502 : i32
          %dma_start3A_504 = arith.constant 0 : i32
          %dma_start3A_505 = arith.constant 0 : i32
          %dma_start3A_506 = arith.constant 0 : i32
          %dma_start3A_507 = tpu.memref_slice %arg9[%dma_start3A_504, %dma_start3A_505, %dma_start3A_506] : memref<4x128x128xf32, #tpu.memory_space<vmem>> -> memref<1x128x128xf32, #tpu.memory_space<vmem>>
          %dma_start3A_508 = tpu.memref_squeeze %dma_start3A_507 : memref<1x128x128xf32, #tpu.memory_space<vmem>> -> memref<128x128xf32, #tpu.memory_space<vmem>>
          %dma_start3A_509 = arith.constant 0 : i32
          %dma_start3A_510 = tpu.memref_slice %arg5[%add3A_503, %dma_start3A_509] : memref<3276800x128xf32, #tpu.memory_space<hbm>> -> memref<128x128xf32, #tpu.memory_space<hbm>>
          %dma_start3A_511 = arith.constant 0 : i32
          %dma_start3A_512 = tpu.memref_slice %arg5[%add3A_503, %dma_start3A_511] : memref<3276800x128xf32, #tpu.memory_space<hbm>> -> memref<128x128xf32, #tpu.memory_space<hbm>>
          %dma_start3A_513 = arith.constant 0 : i32
          %dma_start3A_514 = arith.constant 0 : i32
          %dma_start3A_515 = tpu.memref_slice %arg9[%dma_start3A_504, %dma_start3A_513, %dma_start3A_514] : memref<4x128x128xf32, #tpu.memory_space<vmem>> -> memref<1x128x128xf32, #tpu.memory_space<vmem>>
          %dma_start3A_516 = tpu.memref_squeeze %dma_start3A_515 : memref<1x128x128xf32, #tpu.memory_space<vmem>> -> memref<128x128xf32, #tpu.memory_space<vmem>>
          tpu.enqueue_dma source(%dma_start3A_516 : memref<128x128xf32, #tpu.memory_space<vmem>>) target(%dma_start3A_512 : memref<128x128xf32, #tpu.memory_space<hbm>>) target_semaphore(%arg17 : memref<!tpu.dma_semaphore, #tpu.memory_space<semaphore_mem>>)
        } else {
        }
        %mul3A_324 = arith.constant 4 : i32
        %mul3A_325 = arith.muli %scan3A_228, %mul3A_324 : i32
        %add3A_326 = arith.constant 3 : i32
        %add3A_327 = arith.addi %mul3A_325, %add3A_326 : i32
        %mul3A_328 = arith.constant 16 : i32
        %mul3A_329 = arith.muli %add3A_186, %mul3A_328 : i32
        %add3A_330 = arith.addi %mul3A_329, %add3A_327 : i32
        %ge3A_331 = arith.constant 4 : i32
        %ge3A_332 = arith.cmpi sge, %add3A_330, %ge3A_331 : i32
        %convert_element_type3A_333 = arith.extui %ge3A_332 : i1 to i32
        %cond3A_334 = arith.constant 0 : i32
        %cond3A_335 = arith.cmpi ne, %convert_element_type3A_333, %cond3A_334 : i32
        scf.if %cond3A_335 {
          %dma_wait3A_486 = arith.constant 3 : i32
          %dma_wait3A_487 = arith.constant 0 : i32
          %dma_wait3A_488 = arith.constant 0 : i32
          %dma_wait3A_489 = tpu.memref_slice %arg9[%dma_wait3A_486, %dma_wait3A_487, %dma_wait3A_488] : memref<4x128x128xf32, #tpu.memory_space<vmem>> -> memref<1x128x128xf32, #tpu.memory_space<vmem>>
          %dma_wait3A_490 = tpu.memref_squeeze %dma_wait3A_489 : memref<1x128x128xf32, #tpu.memory_space<vmem>> -> memref<128x128xf32, #tpu.memory_space<vmem>>
          %dma_wait3A_491 = arith.constant 0 : i32
          %dma_wait3A_492 = tpu.memref_slice %arg5[%mul3A_2, %dma_wait3A_491] : memref<3276800x128xf32, #tpu.memory_space<hbm>> -> memref<128x128xf32, #tpu.memory_space<hbm>>
          %dma_wait3A_493 = arith.constant 0 : i32
          %dma_wait3A_494 = tpu.memref_slice %arg5[%mul3A_2, %dma_wait3A_493] : memref<3276800x128xf32, #tpu.memory_space<hbm>> -> memref<128x128xf32, #tpu.memory_space<hbm>>
          %dma_wait3A_495 = arith.constant 0 : i32
          %dma_wait3A_496 = arith.constant 0 : i32
          %dma_wait3A_497 = tpu.memref_slice %arg9[%dma_wait3A_486, %dma_wait3A_495, %dma_wait3A_496] : memref<4x128x128xf32, #tpu.memory_space<vmem>> -> memref<1x128x128xf32, #tpu.memory_space<vmem>>
          %dma_wait3A_498 = tpu.memref_squeeze %dma_wait3A_497 : memref<1x128x128xf32, #tpu.memory_space<vmem>> -> memref<128x128xf32, #tpu.memory_space<vmem>>
          tpu.wait_dma2 semaphore(%arg20 : memref<!tpu.dma_semaphore, #tpu.memory_space<semaphore_mem>>) src(%dma_wait3A_498 : memref<128x128xf32, #tpu.memory_space<vmem>>) dst(%dma_wait3A_494 : memref<128x128xf32, #tpu.memory_space<hbm>>)
        } else {
        }
        %mul3A_336 = arith.constant 128 : i32
        %mul3A_337 = arith.muli %add3A_327, %mul3A_336 : i32
        %dma_start3A_338 = arith.constant 1 : i32
        %dma_start3A_339 = arith.constant 3 : i32
        %dma_start3A_340 = arith.constant 0 : i32
        %dma_start3A_341 = arith.constant 0 : i32
        %dma_start3A_342 = tpu.memref_slice %arg9[%dma_start3A_339, %dma_start3A_340, %dma_start3A_341] : memref<4x128x128xf32, #tpu.memory_space<vmem>> -> memref<1x128x128xf32, #tpu.memory_space<vmem>>
        %dma_start3A_343 = tpu.memref_squeeze %dma_start3A_342 : memref<1x128x128xf32, #tpu.memory_space<vmem>> -> memref<128x128xf32, #tpu.memory_space<vmem>>
        %dma_start3A_344 = arith.constant 0 : i32
        %dma_start3A_345 = tpu.memref_slice %arg8[%dma_start3A_338, %dma_start3A_344] : memref<2x2048xi32, #tpu.memory_space<vmem>> -> memref<1x2048xi32, #tpu.memory_space<vmem>>
        %dma_start3A_346 = tpu.memref_squeeze %dma_start3A_345 : memref<1x2048xi32, #tpu.memory_space<vmem>> -> memref<2048xi32, #tpu.memory_space<vmem>>
        %dma_start3A_347 = tpu.memref_slice %dma_start3A_346[%mul3A_337] : memref<2048xi32, #tpu.memory_space<vmem>> -> memref<128xi32, #tpu.memory_space<vmem>>
        %dma_start3A_348 = arith.constant 0 : i32
        %dma_start3A_349 = arith.constant 0 : i32
        %dma_start3A_350 = tpu.memref_slice %arg10[%dma_start3A_348, %dma_start3A_349] : memref<168x128xf32, #tpu.memory_space<vmem_shared>> -> memref<168x128xf32, #tpu.memory_space<vmem_shared>>
        tpu.enqueue_indirect_dma source(%dma_start3A_350 : memref<168x128xf32, #tpu.memory_space<vmem_shared>>) target(%dma_start3A_343 : memref<128x128xf32, #tpu.memory_space<vmem>>) offsets(%dma_start3A_347 : memref<128xi32, #tpu.memory_space<vmem>>) semaphore(%arg16 : memref<!tpu.dma_semaphore, #tpu.memory_space<semaphore_mem>>)
        %ge3A_351 = arith.constant 2 : i32
        %ge3A_352 = arith.cmpi sge, %add3A_330, %ge3A_351 : i32
        %convert_element_type3A_353 = arith.extui %ge3A_352 : i1 to i32
        %cond3A_354 = arith.constant 0 : i32
        %cond3A_355 = arith.cmpi ne, %convert_element_type3A_353, %cond3A_354 : i32
        scf.if %cond3A_355 {
          %dma_wait3A_486 = arith.constant 1 : i32
          %dma_wait3A_487 = arith.constant 1 : i32
          %dma_wait3A_488 = arith.constant 0 : i32
          %dma_wait3A_489 = arith.constant 0 : i32
          %dma_wait3A_490 = tpu.memref_slice %arg9[%dma_wait3A_487, %dma_wait3A_488, %dma_wait3A_489] : memref<4x128x128xf32, #tpu.memory_space<vmem>> -> memref<1x128x128xf32, #tpu.memory_space<vmem>>
          %dma_wait3A_491 = tpu.memref_squeeze %dma_wait3A_490 : memref<1x128x128xf32, #tpu.memory_space<vmem>> -> memref<128x128xf32, #tpu.memory_space<vmem>>
          %dma_wait3A_492 = arith.constant 0 : i32
          %dma_wait3A_493 = tpu.memref_slice %arg8[%dma_wait3A_486, %dma_wait3A_492] : memref<2x2048xi32, #tpu.memory_space<vmem>> -> memref<1x2048xi32, #tpu.memory_space<vmem>>
          %dma_wait3A_494 = tpu.memref_squeeze %dma_wait3A_493 : memref<1x2048xi32, #tpu.memory_space<vmem>> -> memref<2048xi32, #tpu.memory_space<vmem>>
          %dma_wait3A_495 = arith.constant 0 : i32
          %dma_wait3A_496 = tpu.memref_slice %dma_wait3A_494[%dma_wait3A_495] : memref<2048xi32, #tpu.memory_space<vmem>> -> memref<128xi32, #tpu.memory_space<vmem>>
          %dma_wait3A_497 = arith.constant 0 : i32
          %dma_wait3A_498 = arith.constant 0 : i32
          %dma_wait3A_499 = tpu.memref_slice %arg10[%dma_wait3A_497, %dma_wait3A_498] : memref<168x128xf32, #tpu.memory_space<vmem_shared>> -> memref<168x128xf32, #tpu.memory_space<vmem_shared>>
          tpu.wait_indirect_dma semaphore(%arg14 : memref<!tpu.dma_semaphore, #tpu.memory_space<semaphore_mem>>) src(%dma_wait3A_499 : memref<168x128xf32, #tpu.memory_space<vmem_shared>>) dst(%dma_wait3A_491 : memref<128x128xf32, #tpu.memory_space<vmem>>)
          %sub3A = arith.constant 2 : i32
          %sub3A_500 = arith.subi %add3A_330, %sub3A : i32
          %mul3A_501 = arith.constant 128 : i32
          %mul3A_502 = arith.muli %sub3A_500, %mul3A_501 : i32
          %add3A_503 = arith.addi %mul3A_2, %mul3A_502 : i32
          %dma_start3A_504 = arith.constant 1 : i32
          %dma_start3A_505 = arith.constant 0 : i32
          %dma_start3A_506 = arith.constant 0 : i32
          %dma_start3A_507 = tpu.memref_slice %arg9[%dma_start3A_504, %dma_start3A_505, %dma_start3A_506] : memref<4x128x128xf32, #tpu.memory_space<vmem>> -> memref<1x128x128xf32, #tpu.memory_space<vmem>>
          %dma_start3A_508 = tpu.memref_squeeze %dma_start3A_507 : memref<1x128x128xf32, #tpu.memory_space<vmem>> -> memref<128x128xf32, #tpu.memory_space<vmem>>
          %dma_start3A_509 = arith.constant 0 : i32
          %dma_start3A_510 = tpu.memref_slice %arg5[%add3A_503, %dma_start3A_509] : memref<3276800x128xf32, #tpu.memory_space<hbm>> -> memref<128x128xf32, #tpu.memory_space<hbm>>
          %dma_start3A_511 = arith.constant 0 : i32
          %dma_start3A_512 = tpu.memref_slice %arg5[%add3A_503, %dma_start3A_511] : memref<3276800x128xf32, #tpu.memory_space<hbm>> -> memref<128x128xf32, #tpu.memory_space<hbm>>
          %dma_start3A_513 = arith.constant 0 : i32
          %dma_start3A_514 = arith.constant 0 : i32
          %dma_start3A_515 = tpu.memref_slice %arg9[%dma_start3A_504, %dma_start3A_513, %dma_start3A_514] : memref<4x128x128xf32, #tpu.memory_space<vmem>> -> memref<1x128x128xf32, #tpu.memory_space<vmem>>
          %dma_start3A_516 = tpu.memref_squeeze %dma_start3A_515 : memref<1x128x128xf32, #tpu.memory_space<vmem>> -> memref<128x128xf32, #tpu.memory_space<vmem>>
          tpu.enqueue_dma source(%dma_start3A_516 : memref<128x128xf32, #tpu.memory_space<vmem>>) target(%dma_start3A_512 : memref<128x128xf32, #tpu.memory_space<hbm>>) target_semaphore(%arg18 : memref<!tpu.dma_semaphore, #tpu.memory_space<semaphore_mem>>)
        } else {
        }
        %scan3A_356 = arith.constant 1 : i32
        %scan3A_357 = arith.addi %scan3A_228, %scan3A_356 : i32
        %mul3A_358 = arith.constant 4 : i32
        %mul3A_359 = arith.muli %scan3A_357, %mul3A_358 : i32
        %add3A_360 = arith.constant 0 : i32
        %add3A_361 = arith.addi %mul3A_359, %add3A_360 : i32
        %mul3A_362 = arith.constant 16 : i32
        %mul3A_363 = arith.muli %add3A_186, %mul3A_362 : i32
        %add3A_364 = arith.addi %mul3A_363, %add3A_361 : i32
        %ge3A_365 = arith.constant 4 : i32
        %ge3A_366 = arith.cmpi sge, %add3A_364, %ge3A_365 : i32
        %convert_element_type3A_367 = arith.extui %ge3A_366 : i1 to i32
        %cond3A_368 = arith.constant 0 : i32
        %cond3A_369 = arith.cmpi ne, %convert_element_type3A_367, %cond3A_368 : i32
        scf.if %cond3A_369 {
          %dma_wait3A_486 = arith.constant 0 : i32
          %dma_wait3A_487 = arith.constant 0 : i32
          %dma_wait3A_488 = arith.constant 0 : i32
          %dma_wait3A_489 = tpu.memref_slice %arg9[%dma_wait3A_486, %dma_wait3A_487, %dma_wait3A_488] : memref<4x128x128xf32, #tpu.memory_space<vmem>> -> memref<1x128x128xf32, #tpu.memory_space<vmem>>
          %dma_wait3A_490 = tpu.memref_squeeze %dma_wait3A_489 : memref<1x128x128xf32, #tpu.memory_space<vmem>> -> memref<128x128xf32, #tpu.memory_space<vmem>>
          %dma_wait3A_491 = arith.constant 0 : i32
          %dma_wait3A_492 = tpu.memref_slice %arg5[%mul3A_2, %dma_wait3A_491] : memref<3276800x128xf32, #tpu.memory_space<hbm>> -> memref<128x128xf32, #tpu.memory_space<hbm>>
          %dma_wait3A_493 = arith.constant 0 : i32
          %dma_wait3A_494 = tpu.memref_slice %arg5[%mul3A_2, %dma_wait3A_493] : memref<3276800x128xf32, #tpu.memory_space<hbm>> -> memref<128x128xf32, #tpu.memory_space<hbm>>
          %dma_wait3A_495 = arith.constant 0 : i32
          %dma_wait3A_496 = arith.constant 0 : i32
          %dma_wait3A_497 = tpu.memref_slice %arg9[%dma_wait3A_486, %dma_wait3A_495, %dma_wait3A_496] : memref<4x128x128xf32, #tpu.memory_space<vmem>> -> memref<1x128x128xf32, #tpu.memory_space<vmem>>
          %dma_wait3A_498 = tpu.memref_squeeze %dma_wait3A_497 : memref<1x128x128xf32, #tpu.memory_space<vmem>> -> memref<128x128xf32, #tpu.memory_space<vmem>>
          tpu.wait_dma2 semaphore(%arg17 : memref<!tpu.dma_semaphore, #tpu.memory_space<semaphore_mem>>) src(%dma_wait3A_498 : memref<128x128xf32, #tpu.memory_space<vmem>>) dst(%dma_wait3A_494 : memref<128x128xf32, #tpu.memory_space<hbm>>)
        } else {
        }
        %mul3A_370 = arith.constant 128 : i32
        %mul3A_371 = arith.muli %add3A_361, %mul3A_370 : i32
        %dma_start3A_372 = arith.constant 1 : i32
        %dma_start3A_373 = arith.constant 0 : i32
        %dma_start3A_374 = arith.constant 0 : i32
        %dma_start3A_375 = arith.constant 0 : i32
        %dma_start3A_376 = tpu.memref_slice %arg9[%dma_start3A_373, %dma_start3A_374, %dma_start3A_375] : memref<4x128x128xf32, #tpu.memory_space<vmem>> -> memref<1x128x128xf32, #tpu.memory_space<vmem>>
        %dma_start3A_377 = tpu.memref_squeeze %dma_start3A_376 : memref<1x128x128xf32, #tpu.memory_space<vmem>> -> memref<128x128xf32, #tpu.memory_space<vmem>>
        %dma_start3A_378 = arith.constant 0 : i32
        %dma_start3A_379 = tpu.memref_slice %arg8[%dma_start3A_372, %dma_start3A_378] : memref<2x2048xi32, #tpu.memory_space<vmem>> -> memref<1x2048xi32, #tpu.memory_space<vmem>>
        %dma_start3A_380 = tpu.memref_squeeze %dma_start3A_379 : memref<1x2048xi32, #tpu.memory_space<vmem>> -> memref<2048xi32, #tpu.memory_space<vmem>>
        %dma_start3A_381 = tpu.memref_slice %dma_start3A_380[%mul3A_371] : memref<2048xi32, #tpu.memory_space<vmem>> -> memref<128xi32, #tpu.memory_space<vmem>>
        %dma_start3A_382 = arith.constant 0 : i32
        %dma_start3A_383 = arith.constant 0 : i32
        %dma_start3A_384 = tpu.memref_slice %arg10[%dma_start3A_382, %dma_start3A_383] : memref<168x128xf32, #tpu.memory_space<vmem_shared>> -> memref<168x128xf32, #tpu.memory_space<vmem_shared>>
        tpu.enqueue_indirect_dma source(%dma_start3A_384 : memref<168x128xf32, #tpu.memory_space<vmem_shared>>) target(%dma_start3A_377 : memref<128x128xf32, #tpu.memory_space<vmem>>) offsets(%dma_start3A_381 : memref<128xi32, #tpu.memory_space<vmem>>) semaphore(%arg13 : memref<!tpu.dma_semaphore, #tpu.memory_space<semaphore_mem>>)
        %ge3A_385 = arith.constant 2 : i32
        %ge3A_386 = arith.cmpi sge, %add3A_364, %ge3A_385 : i32
        %convert_element_type3A_387 = arith.extui %ge3A_386 : i1 to i32
        %cond3A_388 = arith.constant 0 : i32
        %cond3A_389 = arith.cmpi ne, %convert_element_type3A_387, %cond3A_388 : i32
        scf.if %cond3A_389 {
          %dma_wait3A_486 = arith.constant 1 : i32
          %dma_wait3A_487 = arith.constant 2 : i32
          %dma_wait3A_488 = arith.constant 0 : i32
          %dma_wait3A_489 = arith.constant 0 : i32
          %dma_wait3A_490 = tpu.memref_slice %arg9[%dma_wait3A_487, %dma_wait3A_488, %dma_wait3A_489] : memref<4x128x128xf32, #tpu.memory_space<vmem>> -> memref<1x128x128xf32, #tpu.memory_space<vmem>>
          %dma_wait3A_491 = tpu.memref_squeeze %dma_wait3A_490 : memref<1x128x128xf32, #tpu.memory_space<vmem>> -> memref<128x128xf32, #tpu.memory_space<vmem>>
          %dma_wait3A_492 = arith.constant 0 : i32
          %dma_wait3A_493 = tpu.memref_slice %arg8[%dma_wait3A_486, %dma_wait3A_492] : memref<2x2048xi32, #tpu.memory_space<vmem>> -> memref<1x2048xi32, #tpu.memory_space<vmem>>
          %dma_wait3A_494 = tpu.memref_squeeze %dma_wait3A_493 : memref<1x2048xi32, #tpu.memory_space<vmem>> -> memref<2048xi32, #tpu.memory_space<vmem>>
          %dma_wait3A_495 = arith.constant 0 : i32
          %dma_wait3A_496 = tpu.memref_slice %dma_wait3A_494[%dma_wait3A_495] : memref<2048xi32, #tpu.memory_space<vmem>> -> memref<128xi32, #tpu.memory_space<vmem>>
          %dma_wait3A_497 = arith.constant 0 : i32
          %dma_wait3A_498 = arith.constant 0 : i32
          %dma_wait3A_499 = tpu.memref_slice %arg10[%dma_wait3A_497, %dma_wait3A_498] : memref<168x128xf32, #tpu.memory_space<vmem_shared>> -> memref<168x128xf32, #tpu.memory_space<vmem_shared>>
          tpu.wait_indirect_dma semaphore(%arg15 : memref<!tpu.dma_semaphore, #tpu.memory_space<semaphore_mem>>) src(%dma_wait3A_499 : memref<168x128xf32, #tpu.memory_space<vmem_shared>>) dst(%dma_wait3A_491 : memref<128x128xf32, #tpu.memory_space<vmem>>)
          %sub3A = arith.constant 2 : i32
          %sub3A_500 = arith.subi %add3A_364, %sub3A : i32
          %mul3A_501 = arith.constant 128 : i32
          %mul3A_502 = arith.muli %sub3A_500, %mul3A_501 : i32
          %add3A_503 = arith.addi %mul3A_2, %mul3A_502 : i32
          %dma_start3A_504 = arith.constant 2 : i32
          %dma_start3A_505 = arith.constant 0 : i32
          %dma_start3A_506 = arith.constant 0 : i32
          %dma_start3A_507 = tpu.memref_slice %arg9[%dma_start3A_504, %dma_start3A_505, %dma_start3A_506] : memref<4x128x128xf32, #tpu.memory_space<vmem>> -> memref<1x128x128xf32, #tpu.memory_space<vmem>>
          %dma_start3A_508 = tpu.memref_squeeze %dma_start3A_507 : memref<1x128x128xf32, #tpu.memory_space<vmem>> -> memref<128x128xf32, #tpu.memory_space<vmem>>
          %dma_start3A_509 = arith.constant 0 : i32
          %dma_start3A_510 = tpu.memref_slice %arg5[%add3A_503, %dma_start3A_509] : memref<3276800x128xf32, #tpu.memory_space<hbm>> -> memref<128x128xf32, #tpu.memory_space<hbm>>
          %dma_start3A_511 = arith.constant 0 : i32
          %dma_start3A_512 = tpu.memref_slice %arg5[%add3A_503, %dma_start3A_511] : memref<3276800x128xf32, #tpu.memory_space<hbm>> -> memref<128x128xf32, #tpu.memory_space<hbm>>
          %dma_start3A_513 = arith.constant 0 : i32
          %dma_start3A_514 = arith.constant 0 : i32
          %dma_start3A_515 = tpu.memref_slice %arg9[%dma_start3A_504, %dma_start3A_513, %dma_start3A_514] : memref<4x128x128xf32, #tpu.memory_space<vmem>> -> memref<1x128x128xf32, #tpu.memory_space<vmem>>
          %dma_start3A_516 = tpu.memref_squeeze %dma_start3A_515 : memref<1x128x128xf32, #tpu.memory_space<vmem>> -> memref<128x128xf32, #tpu.memory_space<vmem>>
          tpu.enqueue_dma source(%dma_start3A_516 : memref<128x128xf32, #tpu.memory_space<vmem>>) target(%dma_start3A_512 : memref<128x128xf32, #tpu.memory_space<hbm>>) target_semaphore(%arg19 : memref<!tpu.dma_semaphore, #tpu.memory_space<semaphore_mem>>)
        } else {
        }
        %mul3A_390 = arith.constant 4 : i32
        %mul3A_391 = arith.muli %scan3A_357, %mul3A_390 : i32
        %add3A_392 = arith.constant 1 : i32
        %add3A_393 = arith.addi %mul3A_391, %add3A_392 : i32
        %mul3A_394 = arith.constant 16 : i32
        %mul3A_395 = arith.muli %add3A_186, %mul3A_394 : i32
        %add3A_396 = arith.addi %mul3A_395, %add3A_393 : i32
        %ge3A_397 = arith.constant 4 : i32
        %ge3A_398 = arith.cmpi sge, %add3A_396, %ge3A_397 : i32
        %convert_element_type3A_399 = arith.extui %ge3A_398 : i1 to i32
        %cond3A_400 = arith.constant 0 : i32
        %cond3A_401 = arith.cmpi ne, %convert_element_type3A_399, %cond3A_400 : i32
        scf.if %cond3A_401 {
          %dma_wait3A_486 = arith.constant 1 : i32
          %dma_wait3A_487 = arith.constant 0 : i32
          %dma_wait3A_488 = arith.constant 0 : i32
          %dma_wait3A_489 = tpu.memref_slice %arg9[%dma_wait3A_486, %dma_wait3A_487, %dma_wait3A_488] : memref<4x128x128xf32, #tpu.memory_space<vmem>> -> memref<1x128x128xf32, #tpu.memory_space<vmem>>
          %dma_wait3A_490 = tpu.memref_squeeze %dma_wait3A_489 : memref<1x128x128xf32, #tpu.memory_space<vmem>> -> memref<128x128xf32, #tpu.memory_space<vmem>>
          %dma_wait3A_491 = arith.constant 0 : i32
          %dma_wait3A_492 = tpu.memref_slice %arg5[%mul3A_2, %dma_wait3A_491] : memref<3276800x128xf32, #tpu.memory_space<hbm>> -> memref<128x128xf32, #tpu.memory_space<hbm>>
          %dma_wait3A_493 = arith.constant 0 : i32
          %dma_wait3A_494 = tpu.memref_slice %arg5[%mul3A_2, %dma_wait3A_493] : memref<3276800x128xf32, #tpu.memory_space<hbm>> -> memref<128x128xf32, #tpu.memory_space<hbm>>
          %dma_wait3A_495 = arith.constant 0 : i32
          %dma_wait3A_496 = arith.constant 0 : i32
          %dma_wait3A_497 = tpu.memref_slice %arg9[%dma_wait3A_486, %dma_wait3A_495, %dma_wait3A_496] : memref<4x128x128xf32, #tpu.memory_space<vmem>> -> memref<1x128x128xf32, #tpu.memory_space<vmem>>
          %dma_wait3A_498 = tpu.memref_squeeze %dma_wait3A_497 : memref<1x128x128xf32, #tpu.memory_space<vmem>> -> memref<128x128xf32, #tpu.memory_space<vmem>>
          tpu.wait_dma2 semaphore(%arg18 : memref<!tpu.dma_semaphore, #tpu.memory_space<semaphore_mem>>) src(%dma_wait3A_498 : memref<128x128xf32, #tpu.memory_space<vmem>>) dst(%dma_wait3A_494 : memref<128x128xf32, #tpu.memory_space<hbm>>)
        } else {
        }
        %mul3A_402 = arith.constant 128 : i32
        %mul3A_403 = arith.muli %add3A_393, %mul3A_402 : i32
        %dma_start3A_404 = arith.constant 1 : i32
        %dma_start3A_405 = arith.constant 1 : i32
        %dma_start3A_406 = arith.constant 0 : i32
        %dma_start3A_407 = arith.constant 0 : i32
        %dma_start3A_408 = tpu.memref_slice %arg9[%dma_start3A_405, %dma_start3A_406, %dma_start3A_407] : memref<4x128x128xf32, #tpu.memory_space<vmem>> -> memref<1x128x128xf32, #tpu.memory_space<vmem>>
        %dma_start3A_409 = tpu.memref_squeeze %dma_start3A_408 : memref<1x128x128xf32, #tpu.memory_space<vmem>> -> memref<128x128xf32, #tpu.memory_space<vmem>>
        %dma_start3A_410 = arith.constant 0 : i32
        %dma_start3A_411 = tpu.memref_slice %arg8[%dma_start3A_404, %dma_start3A_410] : memref<2x2048xi32, #tpu.memory_space<vmem>> -> memref<1x2048xi32, #tpu.memory_space<vmem>>
        %dma_start3A_412 = tpu.memref_squeeze %dma_start3A_411 : memref<1x2048xi32, #tpu.memory_space<vmem>> -> memref<2048xi32, #tpu.memory_space<vmem>>
        %dma_start3A_413 = tpu.memref_slice %dma_start3A_412[%mul3A_403] : memref<2048xi32, #tpu.memory_space<vmem>> -> memref<128xi32, #tpu.memory_space<vmem>>
        %dma_start3A_414 = arith.constant 0 : i32
        %dma_start3A_415 = arith.constant 0 : i32
        %dma_start3A_416 = tpu.memref_slice %arg10[%dma_start3A_414, %dma_start3A_415] : memref<168x128xf32, #tpu.memory_space<vmem_shared>> -> memref<168x128xf32, #tpu.memory_space<vmem_shared>>
        tpu.enqueue_indirect_dma source(%dma_start3A_416 : memref<168x128xf32, #tpu.memory_space<vmem_shared>>) target(%dma_start3A_409 : memref<128x128xf32, #tpu.memory_space<vmem>>) offsets(%dma_start3A_413 : memref<128xi32, #tpu.memory_space<vmem>>) semaphore(%arg14 : memref<!tpu.dma_semaphore, #tpu.memory_space<semaphore_mem>>)
        %ge3A_417 = arith.constant 2 : i32
        %ge3A_418 = arith.cmpi sge, %add3A_396, %ge3A_417 : i32
        %convert_element_type3A_419 = arith.extui %ge3A_418 : i1 to i32
        %cond3A_420 = arith.constant 0 : i32
        %cond3A_421 = arith.cmpi ne, %convert_element_type3A_419, %cond3A_420 : i32
        scf.if %cond3A_421 {
          %dma_wait3A_486 = arith.constant 1 : i32
          %dma_wait3A_487 = arith.constant 3 : i32
          %dma_wait3A_488 = arith.constant 0 : i32
          %dma_wait3A_489 = arith.constant 0 : i32
          %dma_wait3A_490 = tpu.memref_slice %arg9[%dma_wait3A_487, %dma_wait3A_488, %dma_wait3A_489] : memref<4x128x128xf32, #tpu.memory_space<vmem>> -> memref<1x128x128xf32, #tpu.memory_space<vmem>>
          %dma_wait3A_491 = tpu.memref_squeeze %dma_wait3A_490 : memref<1x128x128xf32, #tpu.memory_space<vmem>> -> memref<128x128xf32, #tpu.memory_space<vmem>>
          %dma_wait3A_492 = arith.constant 0 : i32
          %dma_wait3A_493 = tpu.memref_slice %arg8[%dma_wait3A_486, %dma_wait3A_492] : memref<2x2048xi32, #tpu.memory_space<vmem>> -> memref<1x2048xi32, #tpu.memory_space<vmem>>
          %dma_wait3A_494 = tpu.memref_squeeze %dma_wait3A_493 : memref<1x2048xi32, #tpu.memory_space<vmem>> -> memref<2048xi32, #tpu.memory_space<vmem>>
          %dma_wait3A_495 = arith.constant 0 : i32
          %dma_wait3A_496 = tpu.memref_slice %dma_wait3A_494[%dma_wait3A_495] : memref<2048xi32, #tpu.memory_space<vmem>> -> memref<128xi32, #tpu.memory_space<vmem>>
          %dma_wait3A_497 = arith.constant 0 : i32
          %dma_wait3A_498 = arith.constant 0 : i32
          %dma_wait3A_499 = tpu.memref_slice %arg10[%dma_wait3A_497, %dma_wait3A_498] : memref<168x128xf32, #tpu.memory_space<vmem_shared>> -> memref<168x128xf32, #tpu.memory_space<vmem_shared>>
          tpu.wait_indirect_dma semaphore(%arg16 : memref<!tpu.dma_semaphore, #tpu.memory_space<semaphore_mem>>) src(%dma_wait3A_499 : memref<168x128xf32, #tpu.memory_space<vmem_shared>>) dst(%dma_wait3A_491 : memref<128x128xf32, #tpu.memory_space<vmem>>)
          %sub3A = arith.constant 2 : i32
          %sub3A_500 = arith.subi %add3A_396, %sub3A : i32
          %mul3A_501 = arith.constant 128 : i32
          %mul3A_502 = arith.muli %sub3A_500, %mul3A_501 : i32
          %add3A_503 = arith.addi %mul3A_2, %mul3A_502 : i32
          %dma_start3A_504 = arith.constant 3 : i32
          %dma_start3A_505 = arith.constant 0 : i32
          %dma_start3A_506 = arith.constant 0 : i32
          %dma_start3A_507 = tpu.memref_slice %arg9[%dma_start3A_504, %dma_start3A_505, %dma_start3A_506] : memref<4x128x128xf32, #tpu.memory_space<vmem>> -> memref<1x128x128xf32, #tpu.memory_space<vmem>>
          %dma_start3A_508 = tpu.memref_squeeze %dma_start3A_507 : memref<1x128x128xf32, #tpu.memory_space<vmem>> -> memref<128x128xf32, #tpu.memory_space<vmem>>
          %dma_start3A_509 = arith.constant 0 : i32
          %dma_start3A_510 = tpu.memref_slice %arg5[%add3A_503, %dma_start3A_509] : memref<3276800x128xf32, #tpu.memory_space<hbm>> -> memref<128x128xf32, #tpu.memory_space<hbm>>
          %dma_start3A_511 = arith.constant 0 : i32
          %dma_start3A_512 = tpu.memref_slice %arg5[%add3A_503, %dma_start3A_511] : memref<3276800x128xf32, #tpu.memory_space<hbm>> -> memref<128x128xf32, #tpu.memory_space<hbm>>
          %dma_start3A_513 = arith.constant 0 : i32
          %dma_start3A_514 = arith.constant 0 : i32
          %dma_start3A_515 = tpu.memref_slice %arg9[%dma_start3A_504, %dma_start3A_513, %dma_start3A_514] : memref<4x128x128xf32, #tpu.memory_space<vmem>> -> memref<1x128x128xf32, #tpu.memory_space<vmem>>
          %dma_start3A_516 = tpu.memref_squeeze %dma_start3A_515 : memref<1x128x128xf32, #tpu.memory_space<vmem>> -> memref<128x128xf32, #tpu.memory_space<vmem>>
          tpu.enqueue_dma source(%dma_start3A_516 : memref<128x128xf32, #tpu.memory_space<vmem>>) target(%dma_start3A_512 : memref<128x128xf32, #tpu.memory_space<hbm>>) target_semaphore(%arg20 : memref<!tpu.dma_semaphore, #tpu.memory_space<semaphore_mem>>)
        } else {
        }
        %mul3A_422 = arith.constant 4 : i32
        %mul3A_423 = arith.muli %scan3A_357, %mul3A_422 : i32
        %add3A_424 = arith.constant 2 : i32
        %add3A_425 = arith.addi %mul3A_423, %add3A_424 : i32
        %mul3A_426 = arith.constant 16 : i32
        %mul3A_427 = arith.muli %add3A_186, %mul3A_426 : i32
        %add3A_428 = arith.addi %mul3A_427, %add3A_425 : i32
        %ge3A_429 = arith.constant 4 : i32
        %ge3A_430 = arith.cmpi sge, %add3A_428, %ge3A_429 : i32
        %convert_element_type3A_431 = arith.extui %ge3A_430 : i1 to i32
        %cond3A_432 = arith.constant 0 : i32
        %cond3A_433 = arith.cmpi ne, %convert_element_type3A_431, %cond3A_432 : i32
        scf.if %cond3A_433 {
          %dma_wait3A_486 = arith.constant 2 : i32
          %dma_wait3A_487 = arith.constant 0 : i32
          %dma_wait3A_488 = arith.constant 0 : i32
          %dma_wait3A_489 = tpu.memref_slice %arg9[%dma_wait3A_486, %dma_wait3A_487, %dma_wait3A_488] : memref<4x128x128xf32, #tpu.memory_space<vmem>> -> memref<1x128x128xf32, #tpu.memory_space<vmem>>
          %dma_wait3A_490 = tpu.memref_squeeze %dma_wait3A_489 : memref<1x128x128xf32, #tpu.memory_space<vmem>> -> memref<128x128xf32, #tpu.memory_space<vmem>>
          %dma_wait3A_491 = arith.constant 0 : i32
          %dma_wait3A_492 = tpu.memref_slice %arg5[%mul3A_2, %dma_wait3A_491] : memref<3276800x128xf32, #tpu.memory_space<hbm>> -> memref<128x128xf32, #tpu.memory_space<hbm>>
          %dma_wait3A_493 = arith.constant 0 : i32
          %dma_wait3A_494 = tpu.memref_slice %arg5[%mul3A_2, %dma_wait3A_493] : memref<3276800x128xf32, #tpu.memory_space<hbm>> -> memref<128x128xf32, #tpu.memory_space<hbm>>
          %dma_wait3A_495 = arith.constant 0 : i32
          %dma_wait3A_496 = arith.constant 0 : i32
          %dma_wait3A_497 = tpu.memref_slice %arg9[%dma_wait3A_486, %dma_wait3A_495, %dma_wait3A_496] : memref<4x128x128xf32, #tpu.memory_space<vmem>> -> memref<1x128x128xf32, #tpu.memory_space<vmem>>
          %dma_wait3A_498 = tpu.memref_squeeze %dma_wait3A_497 : memref<1x128x128xf32, #tpu.memory_space<vmem>> -> memref<128x128xf32, #tpu.memory_space<vmem>>
          tpu.wait_dma2 semaphore(%arg19 : memref<!tpu.dma_semaphore, #tpu.memory_space<semaphore_mem>>) src(%dma_wait3A_498 : memref<128x128xf32, #tpu.memory_space<vmem>>) dst(%dma_wait3A_494 : memref<128x128xf32, #tpu.memory_space<hbm>>)
        } else {
        }
        %mul3A_434 = arith.constant 128 : i32
        %mul3A_435 = arith.muli %add3A_425, %mul3A_434 : i32
        %dma_start3A_436 = arith.constant 1 : i32
        %dma_start3A_437 = arith.constant 2 : i32
        %dma_start3A_438 = arith.constant 0 : i32
        %dma_start3A_439 = arith.constant 0 : i32
        %dma_start3A_440 = tpu.memref_slice %arg9[%dma_start3A_437, %dma_start3A_438, %dma_start3A_439] : memref<4x128x128xf32, #tpu.memory_space<vmem>> -> memref<1x128x128xf32, #tpu.memory_space<vmem>>
        %dma_start3A_441 = tpu.memref_squeeze %dma_start3A_440 : memref<1x128x128xf32, #tpu.memory_space<vmem>> -> memref<128x128xf32, #tpu.memory_space<vmem>>
        %dma_start3A_442 = arith.constant 0 : i32
        %dma_start3A_443 = tpu.memref_slice %arg8[%dma_start3A_436, %dma_start3A_442] : memref<2x2048xi32, #tpu.memory_space<vmem>> -> memref<1x2048xi32, #tpu.memory_space<vmem>>
        %dma_start3A_444 = tpu.memref_squeeze %dma_start3A_443 : memref<1x2048xi32, #tpu.memory_space<vmem>> -> memref<2048xi32, #tpu.memory_space<vmem>>
        %dma_start3A_445 = tpu.memref_slice %dma_start3A_444[%mul3A_435] : memref<2048xi32, #tpu.memory_space<vmem>> -> memref<128xi32, #tpu.memory_space<vmem>>
        %dma_start3A_446 = arith.constant 0 : i32
        %dma_start3A_447 = arith.constant 0 : i32
        %dma_start3A_448 = tpu.memref_slice %arg10[%dma_start3A_446, %dma_start3A_447] : memref<168x128xf32, #tpu.memory_space<vmem_shared>> -> memref<168x128xf32, #tpu.memory_space<vmem_shared>>
        tpu.enqueue_indirect_dma source(%dma_start3A_448 : memref<168x128xf32, #tpu.memory_space<vmem_shared>>) target(%dma_start3A_441 : memref<128x128xf32, #tpu.memory_space<vmem>>) offsets(%dma_start3A_445 : memref<128xi32, #tpu.memory_space<vmem>>) semaphore(%arg15 : memref<!tpu.dma_semaphore, #tpu.memory_space<semaphore_mem>>)
        %ge3A_449 = arith.constant 2 : i32
        %ge3A_450 = arith.cmpi sge, %add3A_428, %ge3A_449 : i32
        %convert_element_type3A_451 = arith.extui %ge3A_450 : i1 to i32
        %cond3A_452 = arith.constant 0 : i32
        %cond3A_453 = arith.cmpi ne, %convert_element_type3A_451, %cond3A_452 : i32
        scf.if %cond3A_453 {
          %dma_wait3A_486 = arith.constant 1 : i32
          %dma_wait3A_487 = arith.constant 0 : i32
          %dma_wait3A_488 = arith.constant 0 : i32
          %dma_wait3A_489 = arith.constant 0 : i32
          %dma_wait3A_490 = tpu.memref_slice %arg9[%dma_wait3A_487, %dma_wait3A_488, %dma_wait3A_489] : memref<4x128x128xf32, #tpu.memory_space<vmem>> -> memref<1x128x128xf32, #tpu.memory_space<vmem>>
          %dma_wait3A_491 = tpu.memref_squeeze %dma_wait3A_490 : memref<1x128x128xf32, #tpu.memory_space<vmem>> -> memref<128x128xf32, #tpu.memory_space<vmem>>
          %dma_wait3A_492 = arith.constant 0 : i32
          %dma_wait3A_493 = tpu.memref_slice %arg8[%dma_wait3A_486, %dma_wait3A_492] : memref<2x2048xi32, #tpu.memory_space<vmem>> -> memref<1x2048xi32, #tpu.memory_space<vmem>>
          %dma_wait3A_494 = tpu.memref_squeeze %dma_wait3A_493 : memref<1x2048xi32, #tpu.memory_space<vmem>> -> memref<2048xi32, #tpu.memory_space<vmem>>
          %dma_wait3A_495 = arith.constant 0 : i32
          %dma_wait3A_496 = tpu.memref_slice %dma_wait3A_494[%dma_wait3A_495] : memref<2048xi32, #tpu.memory_space<vmem>> -> memref<128xi32, #tpu.memory_space<vmem>>
          %dma_wait3A_497 = arith.constant 0 : i32
          %dma_wait3A_498 = arith.constant 0 : i32
          %dma_wait3A_499 = tpu.memref_slice %arg10[%dma_wait3A_497, %dma_wait3A_498] : memref<168x128xf32, #tpu.memory_space<vmem_shared>> -> memref<168x128xf32, #tpu.memory_space<vmem_shared>>
          tpu.wait_indirect_dma semaphore(%arg13 : memref<!tpu.dma_semaphore, #tpu.memory_space<semaphore_mem>>) src(%dma_wait3A_499 : memref<168x128xf32, #tpu.memory_space<vmem_shared>>) dst(%dma_wait3A_491 : memref<128x128xf32, #tpu.memory_space<vmem>>)
          %sub3A = arith.constant 2 : i32
          %sub3A_500 = arith.subi %add3A_428, %sub3A : i32
          %mul3A_501 = arith.constant 128 : i32
          %mul3A_502 = arith.muli %sub3A_500, %mul3A_501 : i32
          %add3A_503 = arith.addi %mul3A_2, %mul3A_502 : i32
          %dma_start3A_504 = arith.constant 0 : i32
          %dma_start3A_505 = arith.constant 0 : i32
          %dma_start3A_506 = arith.constant 0 : i32
          %dma_start3A_507 = tpu.memref_slice %arg9[%dma_start3A_504, %dma_start3A_505, %dma_start3A_506] : memref<4x128x128xf32, #tpu.memory_space<vmem>> -> memref<1x128x128xf32, #tpu.memory_space<vmem>>
          %dma_start3A_508 = tpu.memref_squeeze %dma_start3A_507 : memref<1x128x128xf32, #tpu.memory_space<vmem>> -> memref<128x128xf32, #tpu.memory_space<vmem>>
          %dma_start3A_509 = arith.constant 0 : i32
          %dma_start3A_510 = tpu.memref_slice %arg5[%add3A_503, %dma_start3A_509] : memref<3276800x128xf32, #tpu.memory_space<hbm>> -> memref<128x128xf32, #tpu.memory_space<hbm>>
          %dma_start3A_511 = arith.constant 0 : i32
          %dma_start3A_512 = tpu.memref_slice %arg5[%add3A_503, %dma_start3A_511] : memref<3276800x128xf32, #tpu.memory_space<hbm>> -> memref<128x128xf32, #tpu.memory_space<hbm>>
          %dma_start3A_513 = arith.constant 0 : i32
          %dma_start3A_514 = arith.constant 0 : i32
          %dma_start3A_515 = tpu.memref_slice %arg9[%dma_start3A_504, %dma_start3A_513, %dma_start3A_514] : memref<4x128x128xf32, #tpu.memory_space<vmem>> -> memref<1x128x128xf32, #tpu.memory_space<vmem>>
          %dma_start3A_516 = tpu.memref_squeeze %dma_start3A_515 : memref<1x128x128xf32, #tpu.memory_space<vmem>> -> memref<128x128xf32, #tpu.memory_space<vmem>>
          tpu.enqueue_dma source(%dma_start3A_516 : memref<128x128xf32, #tpu.memory_space<vmem>>) target(%dma_start3A_512 : memref<128x128xf32, #tpu.memory_space<hbm>>) target_semaphore(%arg17 : memref<!tpu.dma_semaphore, #tpu.memory_space<semaphore_mem>>)
        } else {
        }
        %mul3A_454 = arith.constant 4 : i32
        %mul3A_455 = arith.muli %scan3A_357, %mul3A_454 : i32
        %add3A_456 = arith.constant 3 : i32
        %add3A_457 = arith.addi %mul3A_455, %add3A_456 : i32
        %mul3A_458 = arith.constant 16 : i32
        %mul3A_459 = arith.muli %add3A_186, %mul3A_458 : i32
        %add3A_460 = arith.addi %mul3A_459, %add3A_457 : i32
        %ge3A_461 = arith.constant 4 : i32
        %ge3A_462 = arith.cmpi sge, %add3A_460, %ge3A_461 : i32
        %convert_element_type3A_463 = arith.extui %ge3A_462 : i1 to i32
        %cond3A_464 = arith.constant 0 : i32
        %cond3A_465 = arith.cmpi ne, %convert_element_type3A_463, %cond3A_464 : i32
        scf.if %cond3A_465 {
          %dma_wait3A_486 = arith.constant 3 : i32
          %dma_wait3A_487 = arith.constant 0 : i32
          %dma_wait3A_488 = arith.constant 0 : i32
          %dma_wait3A_489 = tpu.memref_slice %arg9[%dma_wait3A_486, %dma_wait3A_487, %dma_wait3A_488] : memref<4x128x128xf32, #tpu.memory_space<vmem>> -> memref<1x128x128xf32, #tpu.memory_space<vmem>>
          %dma_wait3A_490 = tpu.memref_squeeze %dma_wait3A_489 : memref<1x128x128xf32, #tpu.memory_space<vmem>> -> memref<128x128xf32, #tpu.memory_space<vmem>>
          %dma_wait3A_491 = arith.constant 0 : i32
          %dma_wait3A_492 = tpu.memref_slice %arg5[%mul3A_2, %dma_wait3A_491] : memref<3276800x128xf32, #tpu.memory_space<hbm>> -> memref<128x128xf32, #tpu.memory_space<hbm>>
          %dma_wait3A_493 = arith.constant 0 : i32
          %dma_wait3A_494 = tpu.memref_slice %arg5[%mul3A_2, %dma_wait3A_493] : memref<3276800x128xf32, #tpu.memory_space<hbm>> -> memref<128x128xf32, #tpu.memory_space<hbm>>
          %dma_wait3A_495 = arith.constant 0 : i32
          %dma_wait3A_496 = arith.constant 0 : i32
          %dma_wait3A_497 = tpu.memref_slice %arg9[%dma_wait3A_486, %dma_wait3A_495, %dma_wait3A_496] : memref<4x128x128xf32, #tpu.memory_space<vmem>> -> memref<1x128x128xf32, #tpu.memory_space<vmem>>
          %dma_wait3A_498 = tpu.memref_squeeze %dma_wait3A_497 : memref<1x128x128xf32, #tpu.memory_space<vmem>> -> memref<128x128xf32, #tpu.memory_space<vmem>>
          tpu.wait_dma2 semaphore(%arg20 : memref<!tpu.dma_semaphore, #tpu.memory_space<semaphore_mem>>) src(%dma_wait3A_498 : memref<128x128xf32, #tpu.memory_space<vmem>>) dst(%dma_wait3A_494 : memref<128x128xf32, #tpu.memory_space<hbm>>)
        } else {
        }
        %mul3A_466 = arith.constant 128 : i32
        %mul3A_467 = arith.muli %add3A_457, %mul3A_466 : i32
        %dma_start3A_468 = arith.constant 1 : i32
        %dma_start3A_469 = arith.constant 3 : i32
        %dma_start3A_470 = arith.constant 0 : i32
        %dma_start3A_471 = arith.constant 0 : i32
        %dma_start3A_472 = tpu.memref_slice %arg9[%dma_start3A_469, %dma_start3A_470, %dma_start3A_471] : memref<4x128x128xf32, #tpu.memory_space<vmem>> -> memref<1x128x128xf32, #tpu.memory_space<vmem>>
        %dma_start3A_473 = tpu.memref_squeeze %dma_start3A_472 : memref<1x128x128xf32, #tpu.memory_space<vmem>> -> memref<128x128xf32, #tpu.memory_space<vmem>>
        %dma_start3A_474 = arith.constant 0 : i32
        %dma_start3A_475 = tpu.memref_slice %arg8[%dma_start3A_468, %dma_start3A_474] : memref<2x2048xi32, #tpu.memory_space<vmem>> -> memref<1x2048xi32, #tpu.memory_space<vmem>>
        %dma_start3A_476 = tpu.memref_squeeze %dma_start3A_475 : memref<1x2048xi32, #tpu.memory_space<vmem>> -> memref<2048xi32, #tpu.memory_space<vmem>>
        %dma_start3A_477 = tpu.memref_slice %dma_start3A_476[%mul3A_467] : memref<2048xi32, #tpu.memory_space<vmem>> -> memref<128xi32, #tpu.memory_space<vmem>>
        %dma_start3A_478 = arith.constant 0 : i32
        %dma_start3A_479 = arith.constant 0 : i32
        %dma_start3A_480 = tpu.memref_slice %arg10[%dma_start3A_478, %dma_start3A_479] : memref<168x128xf32, #tpu.memory_space<vmem_shared>> -> memref<168x128xf32, #tpu.memory_space<vmem_shared>>
        tpu.enqueue_indirect_dma source(%dma_start3A_480 : memref<168x128xf32, #tpu.memory_space<vmem_shared>>) target(%dma_start3A_473 : memref<128x128xf32, #tpu.memory_space<vmem>>) offsets(%dma_start3A_477 : memref<128xi32, #tpu.memory_space<vmem>>) semaphore(%arg16 : memref<!tpu.dma_semaphore, #tpu.memory_space<semaphore_mem>>)
        %ge3A_481 = arith.constant 2 : i32
        %ge3A_482 = arith.cmpi sge, %add3A_460, %ge3A_481 : i32
        %convert_element_type3A_483 = arith.extui %ge3A_482 : i1 to i32
        %cond3A_484 = arith.constant 0 : i32
        %cond3A_485 = arith.cmpi ne, %convert_element_type3A_483, %cond3A_484 : i32
        scf.if %cond3A_485 {
          %dma_wait3A_486 = arith.constant 1 : i32
          %dma_wait3A_487 = arith.constant 1 : i32
          %dma_wait3A_488 = arith.constant 0 : i32
          %dma_wait3A_489 = arith.constant 0 : i32
          %dma_wait3A_490 = tpu.memref_slice %arg9[%dma_wait3A_487, %dma_wait3A_488, %dma_wait3A_489] : memref<4x128x128xf32, #tpu.memory_space<vmem>> -> memref<1x128x128xf32, #tpu.memory_space<vmem>>
          %dma_wait3A_491 = tpu.memref_squeeze %dma_wait3A_490 : memref<1x128x128xf32, #tpu.memory_space<vmem>> -> memref<128x128xf32, #tpu.memory_space<vmem>>
          %dma_wait3A_492 = arith.constant 0 : i32
          %dma_wait3A_493 = tpu.memref_slice %arg8[%dma_wait3A_486, %dma_wait3A_492] : memref<2x2048xi32, #tpu.memory_space<vmem>> -> memref<1x2048xi32, #tpu.memory_space<vmem>>
          %dma_wait3A_494 = tpu.memref_squeeze %dma_wait3A_493 : memref<1x2048xi32, #tpu.memory_space<vmem>> -> memref<2048xi32, #tpu.memory_space<vmem>>
          %dma_wait3A_495 = arith.constant 0 : i32
          %dma_wait3A_496 = tpu.memref_slice %dma_wait3A_494[%dma_wait3A_495] : memref<2048xi32, #tpu.memory_space<vmem>> -> memref<128xi32, #tpu.memory_space<vmem>>
          %dma_wait3A_497 = arith.constant 0 : i32
          %dma_wait3A_498 = arith.constant 0 : i32
          %dma_wait3A_499 = tpu.memref_slice %arg10[%dma_wait3A_497, %dma_wait3A_498] : memref<168x128xf32, #tpu.memory_space<vmem_shared>> -> memref<168x128xf32, #tpu.memory_space<vmem_shared>>
          tpu.wait_indirect_dma semaphore(%arg14 : memref<!tpu.dma_semaphore, #tpu.memory_space<semaphore_mem>>) src(%dma_wait3A_499 : memref<168x128xf32, #tpu.memory_space<vmem_shared>>) dst(%dma_wait3A_491 : memref<128x128xf32, #tpu.memory_space<vmem>>)
          %sub3A = arith.constant 2 : i32
          %sub3A_500 = arith.subi %add3A_460, %sub3A : i32
          %mul3A_501 = arith.constant 128 : i32
          %mul3A_502 = arith.muli %sub3A_500, %mul3A_501 : i32
          %add3A_503 = arith.addi %mul3A_2, %mul3A_502 : i32
          %dma_start3A_504 = arith.constant 1 : i32
          %dma_start3A_505 = arith.constant 0 : i32
          %dma_start3A_506 = arith.constant 0 : i32
          %dma_start3A_507 = tpu.memref_slice %arg9[%dma_start3A_504, %dma_start3A_505, %dma_start3A_506] : memref<4x128x128xf32, #tpu.memory_space<vmem>> -> memref<1x128x128xf32, #tpu.memory_space<vmem>>
          %dma_start3A_508 = tpu.memref_squeeze %dma_start3A_507 : memref<1x128x128xf32, #tpu.memory_space<vmem>> -> memref<128x128xf32, #tpu.memory_space<vmem>>
          %dma_start3A_509 = arith.constant 0 : i32
          %dma_start3A_510 = tpu.memref_slice %arg5[%add3A_503, %dma_start3A_509] : memref<3276800x128xf32, #tpu.memory_space<hbm>> -> memref<128x128xf32, #tpu.memory_space<hbm>>
          %dma_start3A_511 = arith.constant 0 : i32
          %dma_start3A_512 = tpu.memref_slice %arg5[%add3A_503, %dma_start3A_511] : memref<3276800x128xf32, #tpu.memory_space<hbm>> -> memref<128x128xf32, #tpu.memory_space<hbm>>
          %dma_start3A_513 = arith.constant 0 : i32
          %dma_start3A_514 = arith.constant 0 : i32
          %dma_start3A_515 = tpu.memref_slice %arg9[%dma_start3A_504, %dma_start3A_513, %dma_start3A_514] : memref<4x128x128xf32, #tpu.memory_space<vmem>> -> memref<1x128x128xf32, #tpu.memory_space<vmem>>
          %dma_start3A_516 = tpu.memref_squeeze %dma_start3A_515 : memref<1x128x128xf32, #tpu.memory_space<vmem>> -> memref<128x128xf32, #tpu.memory_space<vmem>>
          tpu.enqueue_dma source(%dma_start3A_516 : memref<128x128xf32, #tpu.memory_space<vmem>>) target(%dma_start3A_512 : memref<128x128xf32, #tpu.memory_space<hbm>>) target_semaphore(%arg18 : memref<!tpu.dma_semaphore, #tpu.memory_space<semaphore_mem>>)
        } else {
        }
      }
      %scan3A_227 = arith.constant 4 : i32
    }
    %scan3A_28 = arith.constant 25 : i32
    %dma_wait3A = arith.constant 1 : i32
    %dma_wait3A_29 = arith.constant 2 : i32
    %dma_wait3A_30 = arith.constant 0 : i32
    %dma_wait3A_31 = arith.constant 0 : i32
    %dma_wait3A_32 = tpu.memref_slice %arg9[%dma_wait3A_29, %dma_wait3A_30, %dma_wait3A_31] : memref<4x128x128xf32, #tpu.memory_space<vmem>> -> memref<1x128x128xf32, #tpu.memory_space<vmem>>
    %dma_wait3A_33 = tpu.memref_squeeze %dma_wait3A_32 : memref<1x128x128xf32, #tpu.memory_space<vmem>> -> memref<128x128xf32, #tpu.memory_space<vmem>>
    %dma_wait3A_34 = arith.constant 0 : i32
    %dma_wait3A_35 = tpu.memref_slice %arg8[%dma_wait3A, %dma_wait3A_34] : memref<2x2048xi32, #tpu.memory_space<vmem>> -> memref<1x2048xi32, #tpu.memory_space<vmem>>
    %dma_wait3A_36 = tpu.memref_squeeze %dma_wait3A_35 : memref<1x2048xi32, #tpu.memory_space<vmem>> -> memref<2048xi32, #tpu.memory_space<vmem>>
    %dma_wait3A_37 = arith.constant 0 : i32
    %dma_wait3A_38 = tpu.memref_slice %dma_wait3A_36[%dma_wait3A_37] : memref<2048xi32, #tpu.memory_space<vmem>> -> memref<128xi32, #tpu.memory_space<vmem>>
    %dma_wait3A_39 = arith.constant 0 : i32
    %dma_wait3A_40 = arith.constant 0 : i32
    %dma_wait3A_41 = tpu.memref_slice %arg10[%dma_wait3A_39, %dma_wait3A_40] : memref<168x128xf32, #tpu.memory_space<vmem_shared>> -> memref<168x128xf32, #tpu.memory_space<vmem_shared>>
    tpu.wait_indirect_dma semaphore(%arg15 : memref<!tpu.dma_semaphore, #tpu.memory_space<semaphore_mem>>) src(%dma_wait3A_41 : memref<168x128xf32, #tpu.memory_space<vmem_shared>>) dst(%dma_wait3A_33 : memref<128x128xf32, #tpu.memory_space<vmem>>)
    %add3A_42 = arith.constant 102144 : i32
    %add3A_43 = arith.addi %mul3A_2, %add3A_42 : i32
    %dma_start3A_44 = arith.constant 2 : i32
    %dma_start3A_45 = arith.constant 0 : i32
    %dma_start3A_46 = arith.constant 0 : i32
    %dma_start3A_47 = tpu.memref_slice %arg9[%dma_start3A_44, %dma_start3A_45, %dma_start3A_46] : memref<4x128x128xf32, #tpu.memory_space<vmem>> -> memref<1x128x128xf32, #tpu.memory_space<vmem>>
    %dma_start3A_48 = tpu.memref_squeeze %dma_start3A_47 : memref<1x128x128xf32, #tpu.memory_space<vmem>> -> memref<128x128xf32, #tpu.memory_space<vmem>>
    %dma_start3A_49 = arith.constant 0 : i32
    %dma_start3A_50 = tpu.memref_slice %arg5[%add3A_43, %dma_start3A_49] : memref<3276800x128xf32, #tpu.memory_space<hbm>> -> memref<128x128xf32, #tpu.memory_space<hbm>>
    %dma_start3A_51 = arith.constant 0 : i32
    %dma_start3A_52 = tpu.memref_slice %arg5[%add3A_43, %dma_start3A_51] : memref<3276800x128xf32, #tpu.memory_space<hbm>> -> memref<128x128xf32, #tpu.memory_space<hbm>>
    %dma_start3A_53 = arith.constant 0 : i32
    %dma_start3A_54 = arith.constant 0 : i32
    %dma_start3A_55 = tpu.memref_slice %arg9[%dma_start3A_44, %dma_start3A_53, %dma_start3A_54] : memref<4x128x128xf32, #tpu.memory_space<vmem>> -> memref<1x128x128xf32, #tpu.memory_space<vmem>>
    %dma_start3A_56 = tpu.memref_squeeze %dma_start3A_55 : memref<1x128x128xf32, #tpu.memory_space<vmem>> -> memref<128x128xf32, #tpu.memory_space<vmem>>
    tpu.enqueue_dma source(%dma_start3A_56 : memref<128x128xf32, #tpu.memory_space<vmem>>) target(%dma_start3A_52 : memref<128x128xf32, #tpu.memory_space<hbm>>) target_semaphore(%arg19 : memref<!tpu.dma_semaphore, #tpu.memory_space<semaphore_mem>>)
    %dma_wait3A_57 = arith.constant 1 : i32
    %dma_wait3A_58 = arith.constant 3 : i32
    %dma_wait3A_59 = arith.constant 0 : i32
    %dma_wait3A_60 = arith.constant 0 : i32
    %dma_wait3A_61 = tpu.memref_slice %arg9[%dma_wait3A_58, %dma_wait3A_59, %dma_wait3A_60] : memref<4x128x128xf32, #tpu.memory_space<vmem>> -> memref<1x128x128xf32, #tpu.memory_space<vmem>>
    %dma_wait3A_62 = tpu.memref_squeeze %dma_wait3A_61 : memref<1x128x128xf32, #tpu.memory_space<vmem>> -> memref<128x128xf32, #tpu.memory_space<vmem>>
    %dma_wait3A_63 = arith.constant 0 : i32
    %dma_wait3A_64 = tpu.memref_slice %arg8[%dma_wait3A_57, %dma_wait3A_63] : memref<2x2048xi32, #tpu.memory_space<vmem>> -> memref<1x2048xi32, #tpu.memory_space<vmem>>
    %dma_wait3A_65 = tpu.memref_squeeze %dma_wait3A_64 : memref<1x2048xi32, #tpu.memory_space<vmem>> -> memref<2048xi32, #tpu.memory_space<vmem>>
    %dma_wait3A_66 = arith.constant 0 : i32
    %dma_wait3A_67 = tpu.memref_slice %dma_wait3A_65[%dma_wait3A_66] : memref<2048xi32, #tpu.memory_space<vmem>> -> memref<128xi32, #tpu.memory_space<vmem>>
    %dma_wait3A_68 = arith.constant 0 : i32
    %dma_wait3A_69 = arith.constant 0 : i32
    %dma_wait3A_70 = tpu.memref_slice %arg10[%dma_wait3A_68, %dma_wait3A_69] : memref<168x128xf32, #tpu.memory_space<vmem_shared>> -> memref<168x128xf32, #tpu.memory_space<vmem_shared>>
    tpu.wait_indirect_dma semaphore(%arg16 : memref<!tpu.dma_semaphore, #tpu.memory_space<semaphore_mem>>) src(%dma_wait3A_70 : memref<168x128xf32, #tpu.memory_space<vmem_shared>>) dst(%dma_wait3A_62 : memref<128x128xf32, #tpu.memory_space<vmem>>)
    %add3A_71 = arith.constant 102272 : i32
    %add3A_72 = arith.addi %mul3A_2, %add3A_71 : i32
    %dma_start3A_73 = arith.constant 3 : i32
    %dma_start3A_74 = arith.constant 0 : i32
    %dma_start3A_75 = arith.constant 0 : i32
    %dma_start3A_76 = tpu.memref_slice %arg9[%dma_start3A_73, %dma_start3A_74, %dma_start3A_75] : memref<4x128x128xf32, #tpu.memory_space<vmem>> -> memref<1x128x128xf32, #tpu.memory_space<vmem>>
    %dma_start3A_77 = tpu.memref_squeeze %dma_start3A_76 : memref<1x128x128xf32, #tpu.memory_space<vmem>> -> memref<128x128xf32, #tpu.memory_space<vmem>>
    %dma_start3A_78 = arith.constant 0 : i32
    %dma_start3A_79 = tpu.memref_slice %arg5[%add3A_72, %dma_start3A_78] : memref<3276800x128xf32, #tpu.memory_space<hbm>> -> memref<128x128xf32, #tpu.memory_space<hbm>>
    %dma_start3A_80 = arith.constant 0 : i32
    %dma_start3A_81 = tpu.memref_slice %arg5[%add3A_72, %dma_start3A_80] : memref<3276800x128xf32, #tpu.memory_space<hbm>> -> memref<128x128xf32, #tpu.memory_space<hbm>>
    %dma_start3A_82 = arith.constant 0 : i32
    %dma_start3A_83 = arith.constant 0 : i32
    %dma_start3A_84 = tpu.memref_slice %arg9[%dma_start3A_73, %dma_start3A_82, %dma_start3A_83] : memref<4x128x128xf32, #tpu.memory_space<vmem>> -> memref<1x128x128xf32, #tpu.memory_space<vmem>>
    %dma_start3A_85 = tpu.memref_squeeze %dma_start3A_84 : memref<1x128x128xf32, #tpu.memory_space<vmem>> -> memref<128x128xf32, #tpu.memory_space<vmem>>
    tpu.enqueue_dma source(%dma_start3A_85 : memref<128x128xf32, #tpu.memory_space<vmem>>) target(%dma_start3A_81 : memref<128x128xf32, #tpu.memory_space<hbm>>) target_semaphore(%arg20 : memref<!tpu.dma_semaphore, #tpu.memory_space<semaphore_mem>>)
    %dma_wait3A_86 = arith.constant 0 : i32
    %dma_wait3A_87 = arith.constant 0 : i32
    %dma_wait3A_88 = arith.constant 0 : i32
    %dma_wait3A_89 = tpu.memref_slice %arg9[%dma_wait3A_86, %dma_wait3A_87, %dma_wait3A_88] : memref<4x128x128xf32, #tpu.memory_space<vmem>> -> memref<1x128x128xf32, #tpu.memory_space<vmem>>
    %dma_wait3A_90 = tpu.memref_squeeze %dma_wait3A_89 : memref<1x128x128xf32, #tpu.memory_space<vmem>> -> memref<128x128xf32, #tpu.memory_space<vmem>>
    %dma_wait3A_91 = arith.constant 0 : i32
    %dma_wait3A_92 = tpu.memref_slice %arg5[%mul3A_2, %dma_wait3A_91] : memref<3276800x128xf32, #tpu.memory_space<hbm>> -> memref<128x128xf32, #tpu.memory_space<hbm>>
    %dma_wait3A_93 = arith.constant 0 : i32
    %dma_wait3A_94 = tpu.memref_slice %arg5[%mul3A_2, %dma_wait3A_93] : memref<3276800x128xf32, #tpu.memory_space<hbm>> -> memref<128x128xf32, #tpu.memory_space<hbm>>
    %dma_wait3A_95 = arith.constant 0 : i32
    %dma_wait3A_96 = arith.constant 0 : i32
    %dma_wait3A_97 = tpu.memref_slice %arg9[%dma_wait3A_86, %dma_wait3A_95, %dma_wait3A_96] : memref<4x128x128xf32, #tpu.memory_space<vmem>> -> memref<1x128x128xf32, #tpu.memory_space<vmem>>
    %dma_wait3A_98 = tpu.memref_squeeze %dma_wait3A_97 : memref<1x128x128xf32, #tpu.memory_space<vmem>> -> memref<128x128xf32, #tpu.memory_space<vmem>>
    tpu.wait_dma2 semaphore(%arg17 : memref<!tpu.dma_semaphore, #tpu.memory_space<semaphore_mem>>) src(%dma_wait3A_98 : memref<128x128xf32, #tpu.memory_space<vmem>>) dst(%dma_wait3A_94 : memref<128x128xf32, #tpu.memory_space<hbm>>)
    %dma_wait3A_99 = arith.constant 1 : i32
    %dma_wait3A_100 = arith.constant 0 : i32
    %dma_wait3A_101 = arith.constant 0 : i32
    %dma_wait3A_102 = tpu.memref_slice %arg9[%dma_wait3A_99, %dma_wait3A_100, %dma_wait3A_101] : memref<4x128x128xf32, #tpu.memory_space<vmem>> -> memref<1x128x128xf32, #tpu.memory_space<vmem>>
    %dma_wait3A_103 = tpu.memref_squeeze %dma_wait3A_102 : memref<1x128x128xf32, #tpu.memory_space<vmem>> -> memref<128x128xf32, #tpu.memory_space<vmem>>
    %dma_wait3A_104 = arith.constant 0 : i32
    %dma_wait3A_105 = tpu.memref_slice %arg5[%mul3A_2, %dma_wait3A_104] : memref<3276800x128xf32, #tpu.memory_space<hbm>> -> memref<128x128xf32, #tpu.memory_space<hbm>>
    %dma_wait3A_106 = arith.constant 0 : i32
    %dma_wait3A_107 = tpu.memref_slice %arg5[%mul3A_2, %dma_wait3A_106] : memref<3276800x128xf32, #tpu.memory_space<hbm>> -> memref<128x128xf32, #tpu.memory_space<hbm>>
    %dma_wait3A_108 = arith.constant 0 : i32
    %dma_wait3A_109 = arith.constant 0 : i32
    %dma_wait3A_110 = tpu.memref_slice %arg9[%dma_wait3A_99, %dma_wait3A_108, %dma_wait3A_109] : memref<4x128x128xf32, #tpu.memory_space<vmem>> -> memref<1x128x128xf32, #tpu.memory_space<vmem>>
    %dma_wait3A_111 = tpu.memref_squeeze %dma_wait3A_110 : memref<1x128x128xf32, #tpu.memory_space<vmem>> -> memref<128x128xf32, #tpu.memory_space<vmem>>
    tpu.wait_dma2 semaphore(%arg18 : memref<!tpu.dma_semaphore, #tpu.memory_space<semaphore_mem>>) src(%dma_wait3A_111 : memref<128x128xf32, #tpu.memory_space<vmem>>) dst(%dma_wait3A_107 : memref<128x128xf32, #tpu.memory_space<hbm>>)
    %dma_wait3A_112 = arith.constant 2 : i32
    %dma_wait3A_113 = arith.constant 0 : i32
    %dma_wait3A_114 = arith.constant 0 : i32
    %dma_wait3A_115 = tpu.memref_slice %arg9[%dma_wait3A_112, %dma_wait3A_113, %dma_wait3A_114] : memref<4x128x128xf32, #tpu.memory_space<vmem>> -> memref<1x128x128xf32, #tpu.memory_space<vmem>>
    %dma_wait3A_116 = tpu.memref_squeeze %dma_wait3A_115 : memref<1x128x128xf32, #tpu.memory_space<vmem>> -> memref<128x128xf32, #tpu.memory_space<vmem>>
    %dma_wait3A_117 = arith.constant 0 : i32
    %dma_wait3A_118 = tpu.memref_slice %arg5[%mul3A_2, %dma_wait3A_117] : memref<3276800x128xf32, #tpu.memory_space<hbm>> -> memref<128x128xf32, #tpu.memory_space<hbm>>
    %dma_wait3A_119 = arith.constant 0 : i32
    %dma_wait3A_120 = tpu.memref_slice %arg5[%mul3A_2, %dma_wait3A_119] : memref<3276800x128xf32, #tpu.memory_space<hbm>> -> memref<128x128xf32, #tpu.memory_space<hbm>>
    %dma_wait3A_121 = arith.constant 0 : i32
    %dma_wait3A_122 = arith.constant 0 : i32
    %dma_wait3A_123 = tpu.memref_slice %arg9[%dma_wait3A_112, %dma_wait3A_121, %dma_wait3A_122] : memref<4x128x128xf32, #tpu.memory_space<vmem>> -> memref<1x128x128xf32, #tpu.memory_space<vmem>>
    %dma_wait3A_124 = tpu.memref_squeeze %dma_wait3A_123 : memref<1x128x128xf32, #tpu.memory_space<vmem>> -> memref<128x128xf32, #tpu.memory_space<vmem>>
    tpu.wait_dma2 semaphore(%arg19 : memref<!tpu.dma_semaphore, #tpu.memory_space<semaphore_mem>>) src(%dma_wait3A_124 : memref<128x128xf32, #tpu.memory_space<vmem>>) dst(%dma_wait3A_120 : memref<128x128xf32, #tpu.memory_space<hbm>>)
    %dma_wait3A_125 = arith.constant 3 : i32
    %dma_wait3A_126 = arith.constant 0 : i32
    %dma_wait3A_127 = arith.constant 0 : i32
    %dma_wait3A_128 = tpu.memref_slice %arg9[%dma_wait3A_125, %dma_wait3A_126, %dma_wait3A_127] : memref<4x128x128xf32, #tpu.memory_space<vmem>> -> memref<1x128x128xf32, #tpu.memory_space<vmem>>
    %dma_wait3A_129 = tpu.memref_squeeze %dma_wait3A_128 : memref<1x128x128xf32, #tpu.memory_space<vmem>> -> memref<128x128xf32, #tpu.memory_space<vmem>>
    %dma_wait3A_130 = arith.constant 0 : i32
    %dma_wait3A_131 = tpu.memref_slice %arg5[%mul3A_2, %dma_wait3A_130] : memref<3276800x128xf32, #tpu.memory_space<hbm>> -> memref<128x128xf32, #tpu.memory_space<hbm>>
    %dma_wait3A_132 = arith.constant 0 : i32
    %dma_wait3A_133 = tpu.memref_slice %arg5[%mul3A_2, %dma_wait3A_132] : memref<3276800x128xf32, #tpu.memory_space<hbm>> -> memref<128x128xf32, #tpu.memory_space<hbm>>
    %dma_wait3A_134 = arith.constant 0 : i32
    %dma_wait3A_135 = arith.constant 0 : i32
    %dma_wait3A_136 = tpu.memref_slice %arg9[%dma_wait3A_125, %dma_wait3A_134, %dma_wait3A_135] : memref<4x128x128xf32, #tpu.memory_space<vmem>> -> memref<1x128x128xf32, #tpu.memory_space<vmem>>
    %dma_wait3A_137 = tpu.memref_squeeze %dma_wait3A_136 : memref<1x128x128xf32, #tpu.memory_space<vmem>> -> memref<128x128xf32, #tpu.memory_space<vmem>>
    tpu.wait_dma2 semaphore(%arg20 : memref<!tpu.dma_semaphore, #tpu.memory_space<semaphore_mem>>) src(%dma_wait3A_137 : memref<128x128xf32, #tpu.memory_space<vmem>>) dst(%dma_wait3A_133 : memref<128x128xf32, #tpu.memory_space<hbm>>)
    return
  }
}

module attributes {stable_mosaic.version = 14 : i64} {
  func.func @_combine_tables_tc(%arg0: memref<24x128xf32, #tpu.memory_space<vmem>>, %arg1: memref<7x128xf32, #tpu.memory_space<vmem>>, %arg2: memref<24x7x128xf32, #tpu.memory_space<vmem>>) attributes {dimension_semantics = [], scalar_prefetch = 0 : i64, scratch_operands = 0 : i64, tpu.core_type = #tpu.core_type<tc>} {
    %get3A = arith.constant 0 : index
    %get3A_0 = arith.constant 0 : index
    %get3A_1 = vector.load %arg0[%get3A, %get3A_0] : memref<24x128xf32, #tpu.memory_space<vmem>>, vector<24x128xf32>
    %broadcast_in_dim3A = vector.shape_cast %get3A_1 : vector<24x128xf32> to vector<24x1x128xf32>
    %get3A_2 = arith.constant 0 : index
    %get3A_3 = arith.constant 0 : index
    %get3A_4 = vector.load %arg1[%get3A_2, %get3A_3] : memref<7x128xf32, #tpu.memory_space<vmem>>, vector<7x128xf32>
    %broadcast_in_dim3A_5 = vector.shape_cast %get3A_4 : vector<7x128xf32> to vector<1x7x128xf32>
    %add3A = vector.broadcast %broadcast_in_dim3A : vector<24x1x128xf32> to vector<24x7x128xf32>
    %add3A_6 = vector.broadcast %broadcast_in_dim3A_5 : vector<1x7x128xf32> to vector<24x7x128xf32>
    %add3A_7 = arith.addf %add3A, %add3A_6 : vector<24x7x128xf32>
    %swap3A = arith.constant 0 : index
    %swap3A_8 = arith.constant 0 : index
    %swap3A_9 = arith.constant 0 : index
    %swap3A_10 = vector.load %arg2[%swap3A, %swap3A_8, %swap3A_9] : memref<24x7x128xf32, #tpu.memory_space<vmem>>, vector<24x7x128xf32>
    tpu.vector_store %arg2[%swap3A, %swap3A_8, %swap3A_9], %add3A_7 {strides = array<i32>} : memref<24x7x128xf32, #tpu.memory_space<vmem>>, vector<24x7x128xf32>,
    return
  }
}

</mosaic_0001>

<sc_bundles>
// kernel: kernel.4.cloned.1.call-start
scs
__scs_entry_jumppad:
0x0: {  	(pc) =	sbr.rel $0x88, $3  }
0x1: {  	(tag) =	ssettag $0x0;
	lr =	simm.s32 $0x1  }
0x2: {  	[smem:$0x3F9D] =	sst lr;
	_ =	strace $0xD0000000  }
0x3: {  	_ = 	snop  }
0x4: {  	_ = 	snop  }
0x5: {  	_ = 	snop  }
0x6: {  	_ = 	snop  }
0x7: {  	_ = 	snop  }
__scs_overlays_trampoline_lowered:
0x8: {  	[smem:$0x3FAC] =	sst s0  }
0x9: {  	[smem:$0x3FAD] =	sst s1  }
0xa: {  	[smem:$0x3FAE] =	sst s2  }
0xb: {  	[smem:$0x3FAF] =	sst s3  }
0xc: {  	[smem:$0x3FB0] =	sst s4  }
0xd: {  	[smem:$0x3FB1] =	sst s5  }
0xe: {  	[smem:$0x3FB2] =	sst s6  }
0xf: {  	[smem:$0x3FB3] =	sst s7  }
0x10: {  	[smem:$0x3FB4] =	sst s8  }
0x11: {  	[smem:$0x3FB5] =	sst s9;
	s0 =	simm.s32 @!p0 $0x0  }
0x12: {  	s1 =	sld [smem:$0x3F9B];
	s0 =	simm.s32 @p0 $0x1  }
0x13: {  	[smem:$0x3FB6] =	sst s0;
	s0 =	simm.s32 @!p1 $0x0  }
0x14: {  	s2 =	sld [smem:$0x3F9A];
	s0 =	simm.s32 @p1 $0x1  }
0x15: {  	[smem:$0x3FB7] =	sst s0;
	s0 =	simm.s32 @!p2 $0x0  }
0x16: {  	s3 =	sld [smem:$0x3FDB];
	s0 =	simm.s32 @p2 $0x1  }
0x17: {  	s4 =	simm.s32 $0x1BF5;
	[smem:$0x3FB9] =	sst s0  }
0x18: {  	s0 =	sld [smem:$0x3F9C];
	_ =	swait.ge [sflag:s4], $0x0  }
0x19: {  	s7 =	sld [smem:$0x3F9D]  }
0x1a: {  	s8 =	sadd.s32 $0xFFFFE003, lr  }
0x1b: {  	s9 =	sadd.s32 $0xFFFFFEF7, lr;
	s5 =	simm.s32 $0xFFFFFFFF;
	p2 =	slt.u32 s8, $0xFFFFF086  }
0x1c: {  	p1 =	slt.u32 s9, $0xF7A;
	s5 =	simm.s32 @!p2 $0x0  }
0x1d: {  	s5 =	simm.s32 @p1 $0x1;
	p0 =	seq.s32 s7, s2  }
0x1e: {  	s7 =	smul.u32 @!p0 $0xF7A, s2;
	p2 =	seq.s32 @!p0 s5, $0x0  }
0x1f: {  	s9 =	smul.u32 $0xF7A, s1;
	s8 =	simm.s32 @!p0 $0x1BF5;
	p2 =	por !p2, p0  }
0x20: {  	[sflag:s8] =	ssyncset.s32 @!p0 $0xFFFFF086;
	s6 =	sadd.s32 @!p0 s3, s7;
	s7 =	simm.s32 @!p0 $0x108  }
0x21: {  	s3 =	sadd.s32 s3, s9;
	s6 =	sadd.s32 @!p0 $0x88, s6;
	s7 =	simm.s32 @p2 $0x1082  }
0x22: {  	[simem:s7], [sflag:s8] =	dma.local @!p0 [hbm:s6], $0xF7A  }
0x23: {  	s9 =	sor.u32 $0xD0000000, s2;
	s6 =	simm.s32 $0x108;
	_ =	swait.ge @!p0 [sflag:s8], $0x0  }
0x24: {  	s3 =	sadd.s32 $0x88, s3;
	s6 =	simm.s32 @!p1 $0x1082;
	[sflag:s4] =	ssyncset.s32 $0xFFFFF086  }
0x25: {  	[simem:s6], [sflag:s4] =	dma.local [hbm:s3], $0xF7A  }
0x26: {  	[smem:$0x3F9D] =	sst s1;
	(tag) =	ssettag s2;
	_ =	strace s9  }
0x27: {  	s1 =	sld [smem:$0x3FAD]  }
0x28: {  	s2 =	sld [smem:$0x3FAE]  }
0x29: {  	s4 =	sld [smem:$0x3FB0]  }
0x2a: {  	p0 =	seq.s32 s5, $0x0;
	s5 =	sld [smem:$0x3FB1]  }
0x2b: {  	s6 =	sld [smem:$0x3FB2]  }
0x2c: {  	s7 =	sld [smem:$0x3FB3]  }
0x2d: {  	s3 =	simm.s32 $0x108;
	s8 =	sld [smem:$0x3FB4]  }
0x2e: {  	s3 =	simm.s32 @!p0 $0x1082;
	s9 =	sld [smem:$0x3FB5]  }
0x2f: {  	lr =	sadd.s32 s0, s3;
	s0 =	sld [smem:$0x3FAC]  }
0x30: {  	s3 =	sld [smem:$0x3FAF]  }
0x31: {  	[smem:$0x3FB8] =	sst s10  }
0x32: {  	s10 =	sld [smem:$0x3FB6];
	_ =	sdelay $0x3  }
0x33: {  	p0 =	seq.s32 s10, $0x1;
	s10 =	sld [smem:$0x3FB8];
	_ =	sdelay $0x3  }
0x34: {  	[smem:$0x3FB8] =	sst s10  }
0x35: {  	s10 =	sld [smem:$0x3FB7];
	_ =	sdelay $0x3  }
0x36: {  	p1 =	seq.s32 s10, $0x1;
	s10 =	sld [smem:$0x3FB8];
	_ =	sdelay $0x3  }
0x37: {  	[smem:$0x3FB8] =	sst s10  }
0x38: {  	s10 =	sld [smem:$0x3FB9]  }
0x39: {  	_ = 	snop;
	(pc) =	sbr.ind lr, $3  }
0x3a: {  	_ = 	snop  }
0x3b: {  	_ = 	snop  }
0x3c: {  	p2 =	seq.s32 s10, $0x1;
	s10 =	sld [smem:$0x3FB8]  }
0x3d: {  	_ =	shalt  }
0x3e: {  	_ =	shalt  }
0x3f: {  	_ =	shalt  }
0x40: {  	_ =	shalt  }
0x41: {  	_ =	shalt  }
0x42: {  	_ =	shalt  }
0x43: {  	_ =	shalt  }
0x44: {  	_ =	shalt  }
0x45: {  	_ =	shalt  }
0x46: {  	_ =	shalt  }
0x47: {  	_ =	shalt  }
0x48: {  	_ =	shalt  }
0x49: {  	_ =	shalt  }
0x4a: {  	_ =	shalt  }
0x4b: {  	_ =	shalt  }
0x4c: {  	_ =	shalt  }
0x4d: {  	_ =	shalt  }
0x4e: {  	_ =	shalt  }
0x4f: {  	_ =	shalt  }
0x50: {  	_ =	shalt  }
0x51: {  	_ =	shalt  }
0x52: {  	_ =	shalt  }
0x53: {  	_ =	shalt  }
0x54: {  	_ =	shalt  }
0x55: {  	_ =	shalt  }
0x56: {  	_ =	shalt  }
0x57: {  	_ =	shalt  }
0x58: {  	_ =	shalt  }
0x59: {  	_ =	shalt  }
0x5a: {  	_ =	shalt  }
0x5b: {  	_ =	shalt  }
0x5c: {  	_ =	shalt  }
0x5d: {  	_ =	shalt  }
0x5e: {  	_ =	shalt  }
0x5f: {  	_ =	shalt  }
0x60: {  	_ =	shalt  }
0x61: {  	_ =	shalt  }
0x62: {  	_ =	shalt  }
0x63: {  	_ =	shalt  }
0x64: {  	_ =	shalt  }
0x65: {  	_ =	shalt  }
0x66: {  	_ =	shalt  }
0x67: {  	_ =	shalt  }
0x68: {  	_ =	shalt  }
0x69: {  	_ =	shalt  }
0x6a: {  	_ =	shalt  }
0x6b: {  	_ =	shalt  }
0x6c: {  	_ =	shalt  }
0x6d: {  	_ =	shalt  }
0x6e: {  	_ =	shalt  }
0x6f: {  	_ =	shalt  }
0x70: {  	_ =	shalt  }
0x71: {  	_ =	shalt  }
0x72: {  	_ =	shalt  }
0x73: {  	_ =	shalt  }
0x74: {  	_ =	shalt  }
0x75: {  	_ =	shalt  }
0x76: {  	_ =	shalt  }
0x77: {  	_ =	shalt  }
0x78: {  	_ =	shalt  }
0x79: {  	_ =	shalt  }
0x7a: {  	_ =	shalt  }
0x7b: {  	_ =	shalt  }
0x7c: {  	_ =	shalt  }
0x7d: {  	_ =	shalt  }
0x7e: {  	_ =	shalt  }
0x7f: {  	_ =	shalt  }
0x80: {  	_ =	shalt  }
0x81: {  	_ =	shalt  }
0x82: {  	_ =	shalt  }
0x83: {  	_ =	shalt  }
0x84: {  	_ =	shalt  }
0x85: {  	_ =	shalt  }
0x86: {  	_ =	shalt  }
0x87: {  	_ =	shalt  }
.Lfunc_end0:
.L_simem_size_0:
called_computation_lowered:
.L_overlay_start_0:
0x88: {  	s2 =	sld [smem:$0x3FD9]  }
0x89: {  	s3 =	sld [smem:$0x3FFE];
	_ =	sdelay $0x1  }
0x8a: {  	s1 =	srdreg.scid  }
0x8b: {  	s0 =	sand.u32 $0x1, s1  }
0x8c: {  	s17 =	sshll.u32 s0, $0xA;
	s2 =	sadd.s32 s3, s2  }
0x8d: {  	s2 =	sadd.s32 s2, s17  }
0x8e: {  	[smem:$0x3FC4] =	sst s2  }
0x8f: {  	_ = 	snop  }
0x90: {  	s2 =	sld [smem:$0x3FD0];
	(tm) =	ssettm $0x1  }
0x91: {  	s18 =	sld [smem:$0x3FFB];
	_ =	sdelay $0x3  }
0x92: {  	_ =	strace s18  }
0x93: {  	s3 =	sld [smem:$0x3FFC];
	_ =	sdelay $0x3  }
0x94: {  	_ =	strace s3  }
0x95: {  	s3 =	sld [smem:$0x3FFD];
	_ =	sdelay $0x3  }
0x96: {  	_ =	strace s3  }
0x97: {  	_ =	strace $0x8FFFFFFF  }
0x98: {  	s19 =	sld [smem:$0x3FDB];
	_ =	sdelay $0x1  }
0x99: {  	s4 =	simm.s32 $_scs_section_size  }
0x9a: {  	s5 =	simm.s32 $_size__tile_overlayer_lowered;
	s6 =	simm.s32 $_tile_overlayer_lowered  }
0x9b: {  	s22 =	simm.s32 $0x1BFF;
	s21 =	sshll.u32 s6, $0x1;
	s3 =	sadd.s32 s4, s19  }
0x9c: {  	s7 =	simm.s32 $0x0;
	s20 =	sshll.u32 s5, $0x1;
	s5 =	sadd.s32 s21, s3  }
0x9d: {  	[timem:s7], [sflag:s22] =	dma.local [hbm:s5], s20  }
0x9e: {  	_ =	swait.ge [sflag:s22], s20  }
0x9f: {  	s4 =	ssub.s32 $0x0, s20;
	[sflag:s22] =	ssyncset.done $0x0  }
0xa0: {  	[sflag:s22] =	ssyncadd.s32 s4;
	_ =	sdelay $0x1  }
0xa1: {  	s23 =	simm.s32 $0x1B8B  }
0xa2: {  	_ =	swait.ge [sflag:s23], $0x1  }
0xa3: {  	[sflag:s23] =	ssyncset.done $0x0  }
0xa4: {  	s25 =	simm.s32 $0x1B8E;
	s24 =	sld [smem:$0x3FFE];
	[sflag:s23] =	ssyncadd.s32 $0xFFFFFFFF  }
0xa5: {  	s26 =	simm.s32 $execute0_lowered;
	[smem:$0x3FD2] =	sst s25  }
0xa6: {  	s5 =	sshll.u32 s26, $0x1;
	_ =	strace $0x80000046;
	[dreg:$0x1] =	wrdreg $0xFFFFFFFF  }
0xa7: {  	s28 =	simm.s32 $_size_execute0_lowered;
	s3 =	sadd.s32 s3, s5;
	[dreg:$0x0] =	wrdreg $0x0  }
0xa8: {  	s5 =	sshll.u32 s28, $0x1;
	[dreg:$0x2] =	wrdreg s3  }
0xa9: {  	[dreg:$0x3] =	wrdreg s5  }
0xaa: {  	[dreg:$0x4] =	wrdreg $0xC0  }
0xab: {  	_ =	task [dreg:s7], $0x5FFFF  }
0xac: {  	[dreg:$0x1] =	wrdreg $0xFFFFFFFF  }
0xad: {  	[dreg:$0x0] =	wrdreg $0x60  }
0xae: {  	[dreg:$0x2] =	wrdreg s24  }
0xaf: {  	[dreg:$0x3] =	wrdreg s2  }
0xb0: {  	[dreg:$0x4] =	wrdreg $0x130000  }
0xb1: {  	[dreg:$0x5] =	wrdreg $0x9  }
0xb2: {  	_ =	task.clear_ibuf [dreg:s7], $0x6FFFF;
	_ =	strace $0x90000046  }
0xb3: {  	s29 =	simm.s32 $0x9;
	_ =	strace $0x80000048  }
0xb4: {  	_ =	swait.ge [sflag:s29], $0x1  }
0xb5: {  	[sflag:s29] =	ssyncadd.s32 $0xFFFFFFFF  }
0xb6: {  	_ =	strace $0x90000048  }
0xb7: {  	_ =	sfence  }
0xb8: {  	s30 =	sld [smem:$0x0];
	_ =	sdelay $0x2  }
0xb9: {  	s31 =	sshll.u32 s1, $0xD;
	s1 =	sshrl.u32 s1, $0x2  }
0xba: {  	s3 =	sand.u32 $0x4000, s31;
	s1 =	sadd.s32 s1, s30  }
0xbb: {  	s0 =	sor.u32 s3, s0;
	s1 =	sshll.u32 s1, $0x11  }
0xbc: {  	s0 =	sor.u32 s1, s0  }
0xbd: {  	s0 =	sadd.s32 $0x8F2B, s0  }
0xbe: {  	[sflag:s0] =	ssyncadd.remote.s32 $0x1  }
0xbf: {  	_ =	sfence.sel $0xFFFF  }
0xc0: {  	[dreg:$0x0] =	wrdreg $0xFFFFFFFF;
	(pc) =	sbr.abs _section_cstart, $3  }
0xc1: {  	[dreg:$0x1] =	wrdreg $0xFFFFFFFF  }
0xc2: {  	_ =	task.clear_ibuf [dreg:s7], $0x2FFFF;
	_ =	strace $0x9FFFFFFF  }
0xc3: {  	(tm) =	ssettm $0x7FFFFFFF  }
tec
execute0_lowered:
.L_overlay_start_1:
0x0: {  	(tag) =	ssettag $0x1  }
0x1: {  	s0 =	rddreg [dreg:$0x0]  }
0x2: {  	s6 =	rddreg [dreg:$0x1]  }
0x3: {  	s1 =	rddreg [dreg:$0x2]  }
0x4: {  	s2 =	simm.s32 $0x0;
	s3 =	srdreg.scid;
	s7 =	stileid.u32  }
0x5: {  	s29 =	simm.s32 $0x1;
	s30 =	simm.s32 $0x80;
	s17 =	simm.s32 $0x8  }
0x6: {  	s16 =	simm.s32 $0xF000;
	s28 =	simm.s32 $0xA;
	[smem:$0x7FF] =	sst s2  }
0x7: {  	s4 =	sand.u32 $0x1, s3;
	s18 =	sshll.u32 s7, $0x1;
	s3 =	sadd.s32 $0x2400, s0  }
0x8: {  	s5 =	sadd.s32 $0x66400, s0;
	s0 =	sadd.s32 $0x1800, s0;
	p0 =	sne.s32 s7, $0x0  }
0x9: {  	s7 =	simm.s32 $0x2;
	_ =	strace $0x80000047;
	s8 =	sor.u32 s4, s18  }
0xa: {  	s9 =	ssub.s32 $0x2, s4;
	[dreg:$0x4] =	wrdreg s0;
	s4 =	smul.u32 $0x19000, s8  }
0xb: {  	s18 =	simm.s32 $0xB000;
	s10 =	sshrl.u32 s9, $0x1;
	s11 =	smul.u32 $0xC80000, s8  }
0xc: {  	s8 =	smul.u32 $0x190000, s8;
	s19 =	ssub.s32 s9, s10;
	s22 =	sadd.s32 $0x1000, s4  }
0xd: {  	s20 =	sshrl.u32 s4, $0x3;
	s0 =	smax.u32 s19, $0x1;
	[dreg:$0x7] =	wrdreg s22  }
0xe: {  	s21 =	sshrl.u32 s11, $0x3;
	s9 =	sadd.s32 s5, s20;
	[dreg:$0xa] =	wrdreg s0  }
0xf: {  	s19 =	simm.s32 $0x7000;
	s0 =	sshrl.u32 @!p0 s1, $0x3;
	[dreg:$0x6] =	wrdreg s9  }
0x10: {  	s12 =	sadd.s32 s3, s20;
	s23 =	sadd.s32 s6, s21;
	[dreg:$0xb] =	wrdreg s0  }
0x11: {  	s6 =	sadd.s32 s6, s8;
	s10 =	sadd.s32 $0x18F000, s23;
	[dreg:$0x5] =	wrdreg s12  }
0x12: {  	s21 =	simm.s32 $0x6;
	s9 =	sadd.s32 $0x18F800, s23;
	[dreg:$0x8] =	wrdreg s10  }
0x13: {  	s20 =	simm.s32 $0x3;
	s24 =	sadd.s32 $0x10, s12;
	[dreg:$0x9] =	wrdreg s9  }
0x14: {  	s22 =	simm.s32 $0x3000;
	s25 =	sadd.s32 $0x20, s12;
	[dreg:$0xc] =	wrdreg s24  }
0x15: {  	s8 =	simm.s32 $0x2100;
	s26 =	sadd.s32 $0x30, s12;
	[dreg:$0xd] =	wrdreg s25  }
0x16: {  	s13 =	sadd.s32 $0xFFFFF000, s6;
	s31 =	sadd.s32 $0x40, s12;
	[dreg:$0xe] =	wrdreg s26  }
0x17: {  	s23 =	simm.s32 $0x4;
	s6 =	simm.s32 $0x0;
	[dreg:$0xf] =	wrdreg s31  }
0x18: {  	s24 =	simm.s32 $0x7;
	s25 =	simm.s32 $0x5;
	s26 =	simm.s32 $0x9  }
.LBB2_1:
0x19: {  	[dreg:$0x10] =	wrdreg s6  }
0x1a: {  	s6 =	rddreg [dreg:$0x4]  }
0x1b: {  	s0 =	simm.s32 @!p0 $0x1C0B;
	s9 =	rddreg [dreg:$0xb]  }
0x1c: {  	[spmem:s9], [sflag:s0] =	dma.local @!p0 [hbm:s6], $0xA80  }
0x1d: {  	s0 =	simm.s32 @!p0 $0xB  }
0x1e: {  	_ =	swait.ge @!p0 [sflag:s0], $0xA80  }
0x1f: {  	[sflag:s0] =	ssyncset.done @!p0 $0x0  }
0x20: {  	[sflag:s0] =	ssyncadd.s32 @!p0 $0xFFFFF580  }
0x21: {  	[bflag:$0x0] =	sbarrier.arrive $0xFFFF  }
0x22: {  	s6 =	rddreg [dreg:$0x5]  }
0x23: {  	[tilespmem:s2], [sflag:$0x1] =	stream.linear.gather [hbm4b:s6+s2], $0x80, $0x38;
	[tilespmem:$0x13540] =	vst v63  }
0x24: {  	s11 =	simm.s32 $0x100;
	s10 =	rddreg [dreg:$0xc]  }
0x25: {  	[tilespmem:s11], [sflag:$0x1] =	stream.linear.gather [hbm4b:s10+s2], $0x80, $0x38;
	[tilespmem:$0x13540] =	vst v63  }
0x26: {  	s14 =	simm.s32 $0x200;
	s12 =	rddreg [dreg:$0xd]  }
0x27: {  	[tilespmem:s14], [sflag:$0x1] =	stream.linear.gather [hbm4b:s12+s2], $0x80, $0x38;
	[tilespmem:$0x13540] =	vst v63  }
0x28: {  	s31 =	simm.s32 $0x300;
	s15 =	rddreg [dreg:$0xe]  }
0x29: {  	[tilespmem:s31], [sflag:$0x1] =	stream.linear.gather [hbm4b:s15+s2], $0x80, $0x38;
	[tilespmem:$0x13540] =	vst v63  }
0x2a: {  	s10 =	rddreg [dreg:$0xf];
	s11 =	simm.s32 $0x400  }
0x2b: {  	[tilespmem:s11], [sflag:$0x1] =	stream.linear.gather [hbm4b:s10+s2], $0x80, $0x38;
	[tilespmem:$0x13540] =	vst v63  }
0x2c: {  	s12 =	sadd.s32 $0x50, s6;
	s14 =	simm.s32 $0x500  }
0x2d: {  	[tilespmem:s14], [sflag:$0x1] =	stream.linear.gather [hbm4b:s12+s2], $0x80, $0x38;
	[tilespmem:$0x13540] =	vst v63  }
0x2e: {  	s15 =	sadd.s32 $0x60, s6;
	s31 =	simm.s32 $0x600  }
0x2f: {  	[tilespmem:s31], [sflag:$0x1] =	stream.linear.gather [hbm4b:s15+s2], $0x80, $0x38;
	[tilespmem:$0x13540] =	vst v63  }
0x30: {  	s10 =	sadd.s32 $0x70, s6;
	s11 =	simm.s32 $0x700  }
0x31: {  	[tilespmem:s11], [sflag:$0x1] =	stream.linear.gather [hbm4b:s10+s2], $0x80, $0x38;
	[tilespmem:$0x13540] =	vst v63  }
0x32: {  	s12 =	sadd.s32 $0x80, s6;
	s14 =	simm.s32 $0x800  }
0x33: {  	[tilespmem:s14], [sflag:$0x1] =	stream.linear.gather [hbm4b:s12+s2], $0x80, $0x38;
	[tilespmem:$0x13540] =	vst v63  }
0x34: {  	s15 =	sadd.s32 $0x90, s6;
	s31 =	simm.s32 $0x900  }
0x35: {  	[tilespmem:s31], [sflag:$0x1] =	stream.linear.gather [hbm4b:s15+s2], $0x80, $0x38;
	[tilespmem:$0x13540] =	vst v63  }
0x36: {  	s10 =	sadd.s32 $0xA0, s6;
	s11 =	simm.s32 $0xA00  }
0x37: {  	[tilespmem:s11], [sflag:$0x1] =	stream.linear.gather [hbm4b:s10+s2], $0x80, $0x38;
	[tilespmem:$0x13540] =	vst v63  }
0x38: {  	s12 =	sadd.s32 $0xB0, s6;
	s14 =	simm.s32 $0xB00  }
0x39: {  	[tilespmem:s14], [sflag:$0x1] =	stream.linear.gather [hbm4b:s12+s2], $0x80, $0x38;
	[tilespmem:$0x13540] =	vst v63  }
0x3a: {  	s15 =	sadd.s32 $0xC0, s6;
	s31 =	simm.s32 $0xC00  }
0x3b: {  	[tilespmem:s31], [sflag:$0x1] =	stream.linear.gather [hbm4b:s15+s2], $0x80, $0x38;
	[tilespmem:$0x13540] =	vst v63  }
0x3c: {  	s10 =	sadd.s32 $0xD0, s6;
	s11 =	simm.s32 $0xD00  }
0x3d: {  	[tilespmem:s11], [sflag:$0x1] =	stream.linear.gather [hbm4b:s10+s2], $0x80, $0x38;
	[tilespmem:$0x13540] =	vst v63  }
0x3e: {  	s12 =	sadd.s32 $0xE0, s6;
	s14 =	simm.s32 $0xE00  }
0x3f: {  	[tilespmem:s14], [sflag:$0x1] =	stream.linear.gather [hbm4b:s12+s2], $0x80, $0x38;
	[tilespmem:$0x13540] =	vst v63  }
0x40: {  	s15 =	sadd.s32 $0xF0, s6;
	s31 =	simm.s32 $0xF00  }
0x41: {  	[tilespmem:s31], [sflag:$0x1] =	stream.linear.gather [hbm4b:s15+s2], $0x80, $0x38;
	[tilespmem:$0x13540] =	vst v63  }
0x42: {  	s9 =	simm.s32 $0x1000;
	s6 =	rddreg [dreg:$0x6]  }
0x43: {  	[tilespmem:s9], [sflag:$0x1] =	stream.linear.gather [hbm4b:s6+s2], $0x80, $0x38;
	[tilespmem:$0x13540] =	vst v63  }
0x44: {  	s10 =	sadd.s32 $0x10, s6;
	s11 =	simm.s32 $0x1100  }
0x45: {  	[tilespmem:s11], [sflag:$0x1] =	stream.linear.gather [hbm4b:s10+s2], $0x80, $0x38;
	[tilespmem:$0x13540] =	vst v63  }
0x46: {  	s12 =	sadd.s32 $0x20, s6;
	s14 =	simm.s32 $0x1200  }
0x47: {  	[tilespmem:s14], [sflag:$0x1] =	stream.linear.gather [hbm4b:s12+s2], $0x80, $0x38;
	[tilespmem:$0x13540] =	vst v63  }
0x48: {  	s15 =	sadd.s32 $0x30, s6;
	s31 =	simm.s32 $0x1300  }
0x49: {  	[tilespmem:s31], [sflag:$0x1] =	stream.linear.gather [hbm4b:s15+s2], $0x80, $0x38;
	[tilespmem:$0x13540] =	vst v63  }
0x4a: {  	s10 =	sadd.s32 $0x40, s6;
	s11 =	simm.s32 $0x1400  }
0x4b: {  	[tilespmem:s11], [sflag:$0x1] =	stream.linear.gather [hbm4b:s10+s2], $0x80, $0x38;
	[tilespmem:$0x13540] =	vst v63  }
0x4c: {  	s12 =	sadd.s32 $0x50, s6;
	s14 =	simm.s32 $0x1500  }
0x4d: {  	[tilespmem:s14], [sflag:$0x1] =	stream.linear.gather [hbm4b:s12+s2], $0x80, $0x38;
	[tilespmem:$0x13540] =	vst v63  }
0x4e: {  	s15 =	sadd.s32 $0x60, s6;
	s31 =	simm.s32 $0x1600  }
0x4f: {  	[tilespmem:s31], [sflag:$0x1] =	stream.linear.gather [hbm4b:s15+s2], $0x80, $0x38;
	[tilespmem:$0x13540] =	vst v63  }
0x50: {  	s10 =	sadd.s32 $0x70, s6;
	s11 =	simm.s32 $0x1700  }
0x51: {  	[tilespmem:s11], [sflag:$0x1] =	stream.linear.gather [hbm4b:s10+s2], $0x80, $0x38;
	[tilespmem:$0x13540] =	vst v63  }
0x52: {  	s12 =	sadd.s32 $0x80, s6;
	s14 =	simm.s32 $0x1800  }
0x53: {  	[tilespmem:s14], [sflag:$0x1] =	stream.linear.gather [hbm4b:s12+s2], $0x80, $0x38;
	[tilespmem:$0x13540] =	vst v63  }
0x54: {  	s15 =	sadd.s32 $0x90, s6;
	s31 =	simm.s32 $0x1900  }
0x55: {  	[tilespmem:s31], [sflag:$0x1] =	stream.linear.gather [hbm4b:s15+s2], $0x80, $0x38;
	[tilespmem:$0x13540] =	vst v63  }
0x56: {  	s10 =	sadd.s32 $0xA0, s6;
	s11 =	simm.s32 $0x1A00  }
0x57: {  	[tilespmem:s11], [sflag:$0x1] =	stream.linear.gather [hbm4b:s10+s2], $0x80, $0x38;
	[tilespmem:$0x13540] =	vst v63  }
0x58: {  	s12 =	sadd.s32 $0xB0, s6;
	s14 =	simm.s32 $0x1B00  }
0x59: {  	[tilespmem:s14], [sflag:$0x1] =	stream.linear.gather [hbm4b:s12+s2], $0x80, $0x38;
	[tilespmem:$0x13540] =	vst v63  }
0x5a: {  	s15 =	sadd.s32 $0xC0, s6;
	s31 =	simm.s32 $0x1C00  }
0x5b: {  	[tilespmem:s31], [sflag:$0x1] =	stream.linear.gather [hbm4b:s15+s2], $0x80, $0x38;
	[tilespmem:$0x13540] =	vst v63  }
0x5c: {  	s10 =	sadd.s32 $0xD0, s6;
	s11 =	simm.s32 $0x1D00  }
0x5d: {  	[tilespmem:s11], [sflag:$0x1] =	stream.linear.gather [hbm4b:s10+s2], $0x80, $0x38;
	[tilespmem:$0x13540] =	vst v63  }
0x5e: {  	s12 =	sadd.s32 $0xE0, s6;
	s14 =	simm.s32 $0x1E00  }
0x5f: {  	[tilespmem:s14], [sflag:$0x1] =	stream.linear.gather [hbm4b:s12+s2], $0x80, $0x38;
	[tilespmem:$0x13540] =	vst v63  }
0x60: {  	s9 =	simm.s32 $0x0;
	s15 =	sadd.s32 $0xF0, s6;
	s31 =	simm.s32 $0x1F00  }
0x61: {  	[tilespmem:s31], [sflag:$0x1] =	stream.linear.gather [hbm4b:s15+s2], $0x80, $0x38;
	[tilespmem:$0x13540] =	vst v63  }
.LBB2_2:
0x62: {  	_ =	swait.ge [sflag:s29], $0x800  }
0x63: {  	s31 =	sshllo.u32 s9, $0x1;
	[sflag:s29] =	ssyncset.done $0x0  }
0x64: {  	s0 =	sshll.u32 s31, $0xB;
	[sflag:s29] =	ssyncadd.s32 $0xFFFFF800  }
0x65: {  	s0 =	sadd.s32 s4, s0;
	_ =	swait.ge [sflag:s29], $0x800  }
0x66: {  	s0 =	sshrl.u32 s0, $0x3;
	[sflag:s29] =	ssyncset.done $0x0  }
0x67: {  	s6 =	sadd.s32 s3, s0;
	[sflag:s29] =	ssyncadd.s32 $0xFFFFF800  }
0x68: {  	[tilespmem:s30], [sflag:$0x2] =	stream.linear.gather [hbm4b:s6+s2], $0x80, $0x38;
	[tilespmem:$0x13540] =	vst v63  }
0x69: {  	s11 =	simm.s32 $0x180;
	s10 =	sadd.s32 $0x10, s6  }
0x6a: {  	[tilespmem:s11], [sflag:$0x2] =	stream.linear.gather [hbm4b:s10+s2], $0x80, $0x38;
	[tilespmem:$0x13540] =	vst v63  }
0x6b: {  	s15 =	simm.s32 $0x280;
	s14 =	sadd.s32 $0x20, s6  }
0x6c: {  	[tilespmem:s15], [sflag:$0x2] =	stream.linear.gather [hbm4b:s14+s2], $0x80, $0x38;
	[tilespmem:$0x13540] =	vst v63  }
0x6d: {  	s12 =	simm.s32 $0x380;
	s11 =	sadd.s32 $0x30, s6  }
0x6e: {  	[tilespmem:s12], [sflag:$0x2] =	stream.linear.gather [hbm4b:s11+s2], $0x80, $0x38;
	[tilespmem:$0x13540] =	vst v63  }
0x6f: {  	s14 =	sadd.s32 $0x40, s6;
	s15 =	simm.s32 $0x480  }
0x70: {  	[tilespmem:s15], [sflag:$0x2] =	stream.linear.gather [hbm4b:s14+s2], $0x80, $0x38;
	[tilespmem:$0x13540] =	vst v63  }
0x71: {  	s11 =	sadd.s32 $0x50, s6;
	s12 =	simm.s32 $0x580  }
0x72: {  	[tilespmem:s12], [sflag:$0x2] =	stream.linear.gather [hbm4b:s11+s2], $0x80, $0x38;
	[tilespmem:$0x13540] =	vst v63  }
0x73: {  	s14 =	sadd.s32 $0x60, s6;
	s15 =	simm.s32 $0x680  }
0x74: {  	[tilespmem:s15], [sflag:$0x2] =	stream.linear.gather [hbm4b:s14+s2], $0x80, $0x38;
	[tilespmem:$0x13540] =	vst v63  }
0x75: {  	s11 =	sadd.s32 $0x70, s6;
	s12 =	simm.s32 $0x780  }
0x76: {  	[tilespmem:s12], [sflag:$0x2] =	stream.linear.gather [hbm4b:s11+s2], $0x80, $0x38;
	[tilespmem:$0x13540] =	vst v63  }
0x77: {  	s14 =	sadd.s32 $0x80, s6;
	s15 =	simm.s32 $0x880  }
0x78: {  	[tilespmem:s15], [sflag:$0x2] =	stream.linear.gather [hbm4b:s14+s2], $0x80, $0x38;
	[tilespmem:$0x13540] =	vst v63  }
0x79: {  	s11 =	sadd.s32 $0x90, s6;
	s12 =	simm.s32 $0x980  }
0x7a: {  	[tilespmem:s12], [sflag:$0x2] =	stream.linear.gather [hbm4b:s11+s2], $0x80, $0x38;
	[tilespmem:$0x13540] =	vst v63  }
0x7b: {  	s14 =	sadd.s32 $0xA0, s6;
	s15 =	simm.s32 $0xA80  }
0x7c: {  	[tilespmem:s15], [sflag:$0x2] =	stream.linear.gather [hbm4b:s14+s2], $0x80, $0x38;
	[tilespmem:$0x13540] =	vst v63  }
0x7d: {  	s11 =	sadd.s32 $0xB0, s6;
	s12 =	simm.s32 $0xB80  }
0x7e: {  	[tilespmem:s12], [sflag:$0x2] =	stream.linear.gather [hbm4b:s11+s2], $0x80, $0x38;
	[tilespmem:$0x13540] =	vst v63  }
0x7f: {  	s14 =	sadd.s32 $0xC0, s6;
	s15 =	simm.s32 $0xC80  }
0x80: {  	[tilespmem:s15], [sflag:$0x2] =	stream.linear.gather [hbm4b:s14+s2], $0x80, $0x38;
	[tilespmem:$0x13540] =	vst v63  }
0x81: {  	s11 =	sadd.s32 $0xD0, s6;
	s12 =	simm.s32 $0xD80  }
0x82: {  	[tilespmem:s12], [sflag:$0x2] =	stream.linear.gather [hbm4b:s11+s2], $0x80, $0x38;
	[tilespmem:$0x13540] =	vst v63  }
0x83: {  	s14 =	sadd.s32 $0xE0, s6;
	s15 =	simm.s32 $0xE80  }
0x84: {  	[tilespmem:s15], [sflag:$0x2] =	stream.linear.gather [hbm4b:s14+s2], $0x80, $0x38;
	[tilespmem:$0x13540] =	vst v63  }
0x85: {  	s6 =	sadd.s32 $0xF0, s6;
	s11 =	simm.s32 $0xF80  }
0x86: {  	[tilespmem:s11], [sflag:$0x2] =	stream.linear.gather [hbm4b:s6+s2], $0x80, $0x38;
	[tilespmem:$0x13540] =	vst v63  }
0x87: {  	s0 =	sadd.s32 s5, s0;
	s12 =	simm.s32 $0x1080  }
0x88: {  	[tilespmem:s12], [sflag:$0x2] =	stream.linear.gather [hbm4b:s0+s2], $0x80, $0x38;
	[tilespmem:$0x13540] =	vst v63  }
0x89: {  	s14 =	sadd.s32 $0x10, s0;
	s15 =	simm.s32 $0x1180  }
0x8a: {  	[tilespmem:s15], [sflag:$0x2] =	stream.linear.gather [hbm4b:s14+s2], $0x80, $0x38;
	[tilespmem:$0x13540] =	vst v63  }
0x8b: {  	s11 =	sadd.s32 $0x20, s0;
	s12 =	simm.s32 $0x1280  }
0x8c: {  	[tilespmem:s12], [sflag:$0x2] =	stream.linear.gather [hbm4b:s11+s2], $0x80, $0x38;
	[tilespmem:$0x13540] =	vst v63  }
0x8d: {  	s14 =	sadd.s32 $0x30, s0;
	s15 =	simm.s32 $0x1380  }
0x8e: {  	[tilespmem:s15], [sflag:$0x2] =	stream.linear.gather [hbm4b:s14+s2], $0x80, $0x38;
	[tilespmem:$0x13540] =	vst v63  }
0x8f: {  	s11 =	sadd.s32 $0x40, s0;
	s12 =	simm.s32 $0x1480  }
0x90: {  	[tilespmem:s12], [sflag:$0x2] =	stream.linear.gather [hbm4b:s11+s2], $0x80, $0x38;
	[tilespmem:$0x13540] =	vst v63  }
0x91: {  	s14 =	sadd.s32 $0x50, s0;
	s15 =	simm.s32 $0x1580  }
0x92: {  	[tilespmem:s15], [sflag:$0x2] =	stream.linear.gather [hbm4b:s14+s2], $0x80, $0x38;
	[tilespmem:$0x13540] =	vst v63  }
0x93: {  	s11 =	sadd.s32 $0x60, s0;
	s12 =	simm.s32 $0x1680  }
0x94: {  	[tilespmem:s12], [sflag:$0x2] =	stream.linear.gather [hbm4b:s11+s2], $0x80, $0x38;
	[tilespmem:$0x13540] =	vst v63  }
0x95: {  	s14 =	sadd.s32 $0x70, s0;
	s15 =	simm.s32 $0x1780  }
0x96: {  	[tilespmem:s15], [sflag:$0x2] =	stream.linear.gather [hbm4b:s14+s2], $0x80, $0x38;
	[tilespmem:$0x13540] =	vst v63  }
0x97: {  	s11 =	sadd.s32 $0x80, s0;
	s12 =	simm.s32 $0x1880  }
0x98: {  	[tilespmem:s12], [sflag:$0x2] =	stream.linear.gather [hbm4b:s11+s2], $0x80, $0x38;
	[tilespmem:$0x13540] =	vst v63  }
0x99: {  	s14 =	sadd.s32 $0x90, s0;
	s15 =	simm.s32 $0x1980  }
0x9a: {  	[tilespmem:s15], [sflag:$0x2] =	stream.linear.gather [hbm4b:s14+s2], $0x80, $0x38;
	[tilespmem:$0x13540] =	vst v63  }
0x9b: {  	s11 =	sadd.s32 $0xA0, s0;
	s12 =	simm.s32 $0x1A80  }
0x9c: {  	[tilespmem:s12], [sflag:$0x2] =	stream.linear.gather [hbm4b:s11+s2], $0x80, $0x38;
	[tilespmem:$0x13540] =	vst v63  }
0x9d: {  	s14 =	sadd.s32 $0xB0, s0;
	s15 =	simm.s32 $0x1B80  }
0x9e: {  	[tilespmem:s15], [sflag:$0x2] =	stream.linear.gather [hbm4b:s14+s2], $0x80, $0x38;
	[tilespmem:$0x13540] =	vst v63  }
0x9f: {  	s11 =	sadd.s32 $0xC0, s0;
	s12 =	simm.s32 $0x1C80  }
0xa0: {  	[tilespmem:s12], [sflag:$0x2] =	stream.linear.gather [hbm4b:s11+s2], $0x80, $0x38;
	[tilespmem:$0x13540] =	vst v63  }
0xa1: {  	s14 =	sadd.s32 $0xD0, s0;
	s15 =	simm.s32 $0x1D80  }
0xa2: {  	[tilespmem:s15], [sflag:$0x2] =	stream.linear.gather [hbm4b:s14+s2], $0x80, $0x38;
	[tilespmem:$0x13540] =	vst v63  }
0xa3: {  	s11 =	sadd.s32 $0xE0, s0;
	s12 =	simm.s32 $0x1E80  }
0xa4: {  	[tilespmem:s12], [sflag:$0x2] =	stream.linear.gather [hbm4b:s11+s2], $0x80, $0x38;
	[tilespmem:$0x13540] =	vst v63  }
0xa5: {  	s0 =	sadd.s32 $0xF0, s0;
	s14 =	simm.s32 $0x1F80;
	s15 =	simm.s32 $0x40  }
0xa6: {  	[tilespmem:s14], [sflag:$0x2] =	stream.linear.gather [hbm4b:s0+s2], $0x80, $0x38;
	[tilespmem:$0x13540] =	vst v63  }
0xa7: {  	v0 =	vld [tilespmem:s15+$0xFFFFFFC0]  }
0xa8: {  	s0 =	simm.s32 $0x1040  }
0xa9: {  	v1 =	vld [tilespmem:s0+$0xFFFFFFC0];
	_ =	sdelay $0x2  }
0xaa: {  	v0 =	vmul.u32 $0x7, v0;
	_ =	sdelay $0x1  }
0xab: {  	s6 =	simm.s32 $0x2040;
	v0 =	vadd.s32 v1, v0  }
0xac: {  	[tilespmem:s6+$0xFFFFFFC0] =	vst v0  }
0xad: {  	v0 =	vld [tilespmem:s15+$0xFFFFFFD0];
	_ =	sdelay $0x1  }
0xae: {  	v57 =	vld [tilespmem:s0+$0xFFFFFFD0];
	_ =	sdelay $0x2  }
0xaf: {  	v0 =	vmul.u32 $0x7, v0;
	_ =	sdelay $0x1  }
0xb0: {  	v0 =	vadd.s32 v57, v0  }
0xb1: {  	[tilespmem:s6+$0xFFFFFFD0] =	vst v0  }
0xb2: {  	v0 =	vld [tilespmem:s15+$0xFFFFFFE0];
	_ =	sdelay $0x1  }
0xb3: {  	v58 =	vld [tilespmem:s0+$0xFFFFFFE0];
	_ =	sdelay $0x2  }
0xb4: {  	v0 =	vmul.u32 $0x7, v0;
	_ =	sdelay $0x1  }
0xb5: {  	v0 =	vadd.s32 v58, v0  }
0xb6: {  	[tilespmem:s6+$0xFFFFFFE0] =	vst v0  }
0xb7: {  	v0 =	vld [tilespmem:s15+$0xFFFFFFF0];
	_ =	sdelay $0x1  }
0xb8: {  	v59 =	vld [tilespmem:s0+$0xFFFFFFF0];
	_ =	sdelay $0x2  }
0xb9: {  	v0 =	vmul.u32 $0x7, v0;
	_ =	sdelay $0x1  }
0xba: {  	v0 =	vadd.s32 v59, v0  }
0xbb: {  	[tilespmem:s6+$0xFFFFFFF0] =	vst v0  }
0xbc: {  	v0 =	vld [tilespmem:s15+$0x0];
	_ =	sdelay $0x1  }
0xbd: {  	v60 =	vld [tilespmem:s0+$0x0];
	_ =	sdelay $0x2  }
0xbe: {  	v0 =	vmul.u32 $0x7, v0;
	_ =	sdelay $0x1  }
0xbf: {  	v0 =	vadd.s32 v60, v0  }
0xc0: {  	[tilespmem:s6+$0x0] =	vst v0  }
0xc1: {  	v0 =	vld [tilespmem:s15+$0x10];
	_ =	sdelay $0x1  }
0xc2: {  	v61 =	vld [tilespmem:s0+$0x10];
	_ =	sdelay $0x2  }
0xc3: {  	v0 =	vmul.u32 $0x7, v0;
	_ =	sdelay $0x1  }
0xc4: {  	v0 =	vadd.s32 v61, v0  }
0xc5: {  	[tilespmem:s6+$0x10] =	vst v0  }
0xc6: {  	v0 =	vld [tilespmem:s15+$0x20];
	_ =	sdelay $0x1  }
0xc7: {  	v62 =	vld [tilespmem:s0+$0x20];
	_ =	sdelay $0x2  }
0xc8: {  	v0 =	vmul.u32 $0x7, v0;
	_ =	sdelay $0x1  }
0xc9: {  	v0 =	vadd.s32 v62, v0  }
0xca: {  	[tilespmem:s6+$0x20] =	vst v0  }
0xcb: {  	v0 =	vld [tilespmem:s15+$0x30];
	_ =	sdelay $0x1  }
0xcc: {  	v63 =	vld [tilespmem:s0+$0x30];
	_ =	sdelay $0x2  }
0xcd: {  	v0 =	vmul.u32 $0x7, v0;
	_ =	sdelay $0x1  }
0xce: {  	v0 =	vadd.s32 v63, v0  }
0xcf: {  	s10 =	simm.s32 $0x0;
	s11 =	simm.s32 $0x140;
	[tilespmem:s6+$0x30] =	vst v0  }
.LBB2_3:
0xd0: {  	v0 =	vld [tilespmem:s11+$0xFFFFFFC0];
	s10 =	sadd.s32 $0x8, s10;
	s0 =	sadd.s32 $0x100, s0  }
0xd1: {  	v1 =	vld [tilespmem:s0+$0xFFFFFFC0];
	p1 =	slt.u32 s10, $0x78;
	_ =	sdelay $0x3  }
0xd2: {  	v0 =	vmul.u32 $0x7, v0;
	_ =	sdelay $0x1  }
0xd3: {  	s6 =	sadd.s32 $0x100, s6;
	v0 =	vadd.s32 v1, v0  }
0xd4: {  	[tilespmem:s6+$0xFFFFFFC0] =	vst v0  }
0xd5: {  	v0 =	vld [tilespmem:s11+$0xFFFFFFD0];
	_ =	sdelay $0x1  }
0xd6: {  	v1 =	vld [tilespmem:s0+$0xFFFFFFD0];
	_ =	sdelay $0x2  }
0xd7: {  	v0 =	vmul.u32 $0x7, v0;
	_ =	sdelay $0x1  }
0xd8: {  	v0 =	vadd.s32 v1, v0  }
0xd9: {  	[tilespmem:s6+$0xFFFFFFD0] =	vst v0  }
0xda: {  	v0 =	vld [tilespmem:s11+$0xFFFFFFE0];
	_ =	sdelay $0x1  }
0xdb: {  	v1 =	vld [tilespmem:s0+$0xFFFFFFE0];
	_ =	sdelay $0x2  }
0xdc: {  	v0 =	vmul.u32 $0x7, v0;
	_ =	sdelay $0x1  }
0xdd: {  	v0 =	vadd.s32 v1, v0  }
0xde: {  	[tilespmem:s6+$0xFFFFFFE0] =	vst v0  }
0xdf: {  	v0 =	vld [tilespmem:s11+$0xFFFFFFF0];
	_ =	sdelay $0x1  }
0xe0: {  	v1 =	vld [tilespmem:s0+$0xFFFFFFF0];
	_ =	sdelay $0x2  }
0xe1: {  	v0 =	vmul.u32 $0x7, v0;
	_ =	sdelay $0x1  }
0xe2: {  	v0 =	vadd.s32 v1, v0  }
0xe3: {  	[tilespmem:s6+$0xFFFFFFF0] =	vst v0  }
0xe4: {  	v0 =	vld [tilespmem:s11+$0x0];
	_ =	sdelay $0x1  }
0xe5: {  	v1 =	vld [tilespmem:s0+$0x0];
	_ =	sdelay $0x2  }
0xe6: {  	v0 =	vmul.u32 $0x7, v0;
	_ =	sdelay $0x1  }
0xe7: {  	v0 =	vadd.s32 v1, v0  }
0xe8: {  	[tilespmem:s6+$0x0] =	vst v0  }
0xe9: {  	v0 =	vld [tilespmem:s11+$0x10];
	_ =	sdelay $0x1  }
0xea: {  	v1 =	vld [tilespmem:s0+$0x10];
	_ =	sdelay $0x2  }
0xeb: {  	v0 =	vmul.u32 $0x7, v0;
	_ =	sdelay $0x1  }
0xec: {  	v0 =	vadd.s32 v1, v0  }
0xed: {  	[tilespmem:s6+$0x10] =	vst v0  }
0xee: {  	v0 =	vld [tilespmem:s11+$0x20]  }
0xef: {  	v1 =	vld [tilespmem:s0+$0x20];
	_ =	sdelay $0x3  }
0xf0: {  	v0 =	vmul.u32 $0x7, v0;
	_ =	sdelay $0x1  }
0xf1: {  	v0 =	vadd.s32 v1, v0  }
0xf2: {  	[tilespmem:s6+$0x20] =	vst v0  }
0xf3: {  	v0 =	vld [tilespmem:s11+$0x30]  }
0xf4: {  	v1 =	vld [tilespmem:s0+$0x30];
	_ =	sdelay $0x2  }
.Ltmp0:
0xf5: {  	(pc) =	sbr.rel @p1 .LBB2_3-.Ltmp0, $3  }
0xf6: {  	v0 =	vmul.u32 $0x7, v0;
	_ =	sdelay $0x1  }
0xf7: {  	v0 =	vadd.s32 v1, v0  }
0xf8: {  	s11 =	sadd.s32 $0x100, s11;
	[tilespmem:s6+$0x30] =	vst v0  }
.Ltmp1:
0xf9: {  	(pc) =	sbr.rel .LBB2_5-.Ltmp1, $2  }
0xfa: {  	_ =	sdelay $0x2  }
0xfb: {  	s0 =	sshll.u32 s9, $0x5;
	s6 =	simm.s32 $0x0;
	p2 =	por $0x1, $0x1  }
.LBB2_6:
0xfc: {  	_ =	swait.ge [sflag:s17], $0x4000;
	s12 =	sshll.u32 s12, $0x8  }
0xfd: {  	[sflag:s17] =	ssyncset.done $0x0;
	s12 =	sand.u32 $0x3FFFFF00, s12  }
0xfe: {  	[sflag:s17] =	ssyncadd.s32 $0xFFFFC000;
	s12 =	sadd.s32 $0x2000, s12  }
0xff: {  	[tilespmem:s19], [sflag:$0x4] =	stream.indirect.gather [spmem:s1], $0x80, s12, s30, $0xb8;
	[tilespmem:$0x13540] =	vst v63  }
.LBB2_8:
0x100: {  	_ =	swait.ge [sflag:s21], $0x4000  }
0x101: {  	s11 =	sshll.u32 s11, $0xB;
	[sflag:s21] =	ssyncset.done $0x0  }
0x102: {  	s11 =	sadd.s32 s13, s11;
	[sflag:s21] =	ssyncadd.s32 $0xFFFFC000  }
0x103: {  	[hbm4b:s11+s2] =	stream.linear.scatter [tilespmem:s16], [sflag:$0xA], $0x4000, $0x38;
	[tilespmem:$0x13540] =	vst v63  }
.LBB2_9:
0x104: {  	s11 =	sor.u32 $0x2, s10  }
0x105: {  	s12 =	sor.u32 s0, s11  }
0x106: {  	p2 =	slt.u32 s12, $0x4  }
0x107: {  	s14 =	simm.s32 @!p2 $0x9  }
0x108: {  	s11 =	sshll.u32 s11, $0x8;
	_ =	swait.ge @!p2 [sflag:s14], $0x4000  }
0x109: {  	s11 =	sand.u32 $0x3FFFFF00, s11;
	[sflag:s14] =	ssyncset.done @!p2 $0x0  }
0x10a: {  	s11 =	sadd.s32 $0x2000, s11;
	[sflag:s14] =	ssyncadd.s32 @!p2 $0xFFFFC000  }
0x10b: {  	[tilespmem:s18], [sflag:$0x5] =	stream.indirect.gather [spmem:s1], $0x80, s11, s30, $0xb8;
	[tilespmem:$0x13540] =	vst v63  }
0x10c: {  	_ =	swait.ge [sflag:s20], $0x4000  }
0x10d: {  	s15 =	sshll.u32 s12, $0xB;
	[sflag:s20] =	ssyncset.done $0x0  }
0x10e: {  	s11 =	sadd.s32 s13, s15;
	[sflag:s20] =	ssyncadd.s32 $0xFFFFC000  }
0x10f: {  	[hbm4b:s11+s2] =	stream.linear.scatter [tilespmem:s22], [sflag:$0x7], $0x4000, $0x38;
	[tilespmem:$0x13540] =	vst v63  }
0x110: {  	s11 =	sor.u32 $0x3, s10  }
0x111: {  	s14 =	sor.u32 s0, s11  }
0x112: {  	p2 =	seq.s32 s14, $0x3  }
0x113: {  	s12 =	simm.s32 @!p2 $0xA  }
0x114: {  	s10 =	sshll.u32 s11, $0x8;
	_ =	swait.ge @!p2 [sflag:s12], $0x4000  }
0x115: {  	s10 =	sand.u32 $0x3FFFFF00, s10;
	[sflag:s12] =	ssyncset.done @!p2 $0x0  }
0x116: {  	s10 =	sadd.s32 $0x2000, s10;
	[sflag:s12] =	ssyncadd.s32 @!p2 $0xFFFFC000  }
0x117: {  	[tilespmem:s16], [sflag:$0x6] =	stream.indirect.gather [spmem:s1], $0x80, s10, s30, $0xb8;
	[tilespmem:$0x13540] =	vst v63  }
0x118: {  	_ =	swait.ge [sflag:s23], $0x4000  }
0x119: {  	s15 =	sshll.u32 s14, $0xB;
	[sflag:s23] =	ssyncset.done $0x0  }
0x11a: {  	s6 =	sor.u32 $0x1, s6;
	s10 =	sadd.s32 s13, s15;
	[sflag:s23] =	ssyncadd.s32 $0xFFFFC000  }
0x11b: {  	[hbm4b:s10+s2] =	stream.linear.scatter [tilespmem:s19], [sflag:$0x8], $0x4000, $0x38;
	[tilespmem:$0x13540] =	vst v63  }
0x11c: {  	s11 =	sshll.u32 s6, $0xA;
	_ =	swait.ge [sflag:s24], $0x4000  }
0x11d: {  	s10 =	sand.u32 $0x3FFFFC00, s11;
	[sflag:s24] =	ssyncset.done $0x0  }
0x11e: {  	s11 =	sshll.u32 s6, $0x2;
	s10 =	sadd.s32 $0x2000, s10;
	[sflag:s24] =	ssyncadd.s32 $0xFFFFC000  }
0x11f: {  	[tilespmem:s22], [sflag:$0x3] =	stream.indirect.gather [spmem:s1], $0x80, s10, s30, $0xb8;
	[tilespmem:$0x13540] =	vst v63  }
0x120: {  	s12 =	sor.u32 s0, s11;
	_ =	swait.ge [sflag:s25], $0x4000  }
0x121: {  	s10 =	sshll.u32 s12, $0xB;
	[sflag:s25] =	ssyncset.done $0x0  }
0x122: {  	s14 =	sor.u32 $0x1, s11;
	s10 =	sadd.s32 s13, s10;
	[sflag:s25] =	ssyncadd.s32 $0xFFFFC000  }
0x123: {  	[hbm4b:s10+s2] =	stream.linear.scatter [tilespmem:s18], [sflag:$0x9], $0x4000, $0x38;
	[tilespmem:$0x13540] =	vst v63  }
0x124: {  	s15 =	sshll.u32 s14, $0x8;
	_ =	swait.ge [sflag:s17], $0x4000  }
0x125: {  	s12 =	sand.u32 $0x3FFFFD00, s15;
	[sflag:s17] =	ssyncset.done $0x0  }
0x126: {  	s12 =	sadd.s32 $0x2000, s12;
	[sflag:s17] =	ssyncadd.s32 $0xFFFFC000  }
0x127: {  	[tilespmem:s19], [sflag:$0x4] =	stream.indirect.gather [spmem:s1], $0x80, s12, s30, $0xb8;
	[tilespmem:$0x13540] =	vst v63  }
0x128: {  	s10 =	sor.u32 s0, s14;
	_ =	swait.ge [sflag:s21], $0x4000  }
0x129: {  	s10 =	sshll.u32 s10, $0xB;
	[sflag:s21] =	ssyncset.done $0x0  }
0x12a: {  	s14 =	sor.u32 $0x2, s11;
	s10 =	sadd.s32 s13, s10;
	[sflag:s21] =	ssyncadd.s32 $0xFFFFC000  }
0x12b: {  	[hbm4b:s10+s2] =	stream.linear.scatter [tilespmem:s16], [sflag:$0xA], $0x4000, $0x38;
	[tilespmem:$0x13540] =	vst v63  }
0x12c: {  	s11 =	sshll.u32 s14, $0x8;
	_ =	swait.ge [sflag:s26], $0x4000  }
0x12d: {  	s11 =	sand.u32 $0x3FFFFE00, s11;
	[sflag:s26] =	ssyncset.done $0x0  }
0x12e: {  	s11 =	sadd.s32 $0x2000, s11;
	[sflag:s26] =	ssyncadd.s32 $0xFFFFC000  }
0x12f: {  	[tilespmem:s18], [sflag:$0x5] =	stream.indirect.gather [spmem:s1], $0x80, s11, s30, $0xb8;
	[tilespmem:$0x13540] =	vst v63  }
0x130: {  	s10 =	sor.u32 s0, s14;
	_ =	swait.ge [sflag:s20], $0x4000  }
0x131: {  	s10 =	sshll.u32 s10, $0xB;
	[sflag:s20] =	ssyncset.done $0x0  }
0x132: {  	s6 =	sshllo.u32 s6, $0x2;
	s10 =	sadd.s32 s13, s10;
	[sflag:s20] =	ssyncadd.s32 $0xFFFFC000  }
0x133: {  	[hbm4b:s10+s2] =	stream.linear.scatter [tilespmem:s22], [sflag:$0x7], $0x4000, $0x38;
	[tilespmem:$0x13540] =	vst v63  }
0x134: {  	s15 =	sshll.u32 s6, $0x8;
	_ =	swait.ge [sflag:s28], $0x4000  }
0x135: {  	s10 =	sand.u32 $0x3FFFFF00, s15;
	[sflag:s28] =	ssyncset.done $0x0  }
0x136: {  	s10 =	sadd.s32 $0x2000, s10;
	[sflag:s28] =	ssyncadd.s32 $0xFFFFC000  }
0x137: {  	[tilespmem:s16], [sflag:$0x6] =	stream.indirect.gather [spmem:s1], $0x80, s10, s30, $0xb8;
	[tilespmem:$0x13540] =	vst v63  }
.Ltmp2:
0x138: {  	s6 =	sor.u32 s0, s6;
	_ =	swait.ge [sflag:s23], $0x4000;
	(pc) =	sbr.rel @!p1 .LBB2_10-.Ltmp2, $4  }
0x139: {  	s6 =	sshll.u32 s6, $0xB;
	[sflag:s23] =	ssyncset.done $0x0  }
0x13a: {  	s6 =	sadd.s32 s13, s6;
	[sflag:s23] =	ssyncadd.s32 $0xFFFFC000  }
0x13b: {  	[hbm4b:s6+s2] =	stream.linear.scatter [tilespmem:s19], [sflag:$0x8], $0x4000, $0x38;
	[tilespmem:$0x13540] =	vst v63  }
0x13c: {  	p2 =	por $0x0, $0x0;
	s6 =	simm.s32 $0x2  }
.LBB2_5:
0x13d: {  	s10 =	sshll.u32 s6, $0x2  }
0x13e: {  	s11 =	sor.u32 s0, s10  }
0x13f: {  	p1 =	sne.s32 s11, $0x0  }
0x140: {  	s12 =	simm.s32 @p1 $0x7  }
0x141: {  	_ =	swait.ge @p1 [sflag:s12], $0x4000  }
0x142: {  	s14 =	sshll.u32 @p1 s6, $0xA;
	[sflag:s12] =	ssyncset.done @p1 $0x0  }
0x143: {  	[sflag:s12] =	ssyncadd.s32 @p1 $0xFFFFC000;
	s12 =	sand.u32 @p1 $0x3FFFFC00, s14  }
0x144: {  	s15 =	simm.s32 @p1 $0x3000;
	s14 =	simm.s32 @p1 $0x80;
	s12 =	sadd.s32 @p1 $0x2000, s12  }
0x145: {  	[tilespmem:s15], [sflag:$0x3] =	stream.indirect.gather @p1 [spmem:s1], $0x80, s12, s14, $0xb8;
	[tilespmem:$0x13540] =	vst v63  }
0x146: {  	s12 =	simm.s32 @p1 $0x5  }
0x147: {  	s11 =	sshll.u32 @p1 s11, $0xB;
	_ =	swait.ge @p1 [sflag:s12], $0x4000  }
0x148: {  	s11 =	sadd.s32 @p1 s13, s11;
	[sflag:s12] =	ssyncset.done @p1 $0x0  }
0x149: {  	s14 =	simm.s32 @p1 $0xB000;
	[sflag:s12] =	ssyncadd.s32 @p1 $0xFFFFC000;
	s12 =	simm.s32 @p1 $0x0  }
0x14a: {  	[hbm4b:s11+s12] =	stream.linear.scatter @p1 [tilespmem:s14], [sflag:$0x9], $0x4000, $0x38;
	[tilespmem:$0x13540] =	vst v63  }
0x14b: {  	s11 =	sshll.u32 @!p1 s6, $0xA  }
0x14c: {  	s11 =	sand.u32 @!p1 $0x3FFFFC00, s11  }
0x14d: {  	s12 =	simm.s32 @!p1 $0x80;
	s14 =	simm.s32 @!p1 $0x3000;
	s11 =	sadd.s32 @!p1 $0x2000, s11  }
0x14e: {  	[tilespmem:s14], [sflag:$0x3] =	stream.indirect.gather @!p1 [spmem:s1], $0x80, s11, s12, $0xb8;
	[tilespmem:$0x13540] =	vst v63  }
0x14f: {  	s12 =	sor.u32 $0x1, s10  }
0x150: {  	s11 =	sor.u32 s0, s12  }
0x151: {  	p3 =	slt.u32 s11, $0x4  }
.Ltmp3:
0x152: {  	_ = 	snop;
	(pc) =	sbr.rel @!p3 .LBB2_6-.Ltmp3, $2  }
0x153: {  	_ =	sdelay $0x2  }
0x154: {  	p1 =	por p2, p2  }
0x155: {  	p2 =	seq.s32 s11, $0x1  }
.Ltmp4:
0x156: {  	_ = 	snop;
	(pc) =	sbr.rel @p2 .LBB2_9-.Ltmp4, $4  }
.Ltmp5:
0x157: {  	_ = 	snop;
	(pc) =	sbr.rel @!p2 .LBB2_8-.Ltmp5, $4  }
0x158: {  	_ = 	snop  }
0x159: {  	_ = 	snop  }
0x15a: {  	[tilespmem:s19], [sflag:$0x4] =	stream.indirect.gather [spmem:s1], $0x80, s8, s30, $0xb8;
	[tilespmem:$0x13540] =	vst v63  }
0x15b: {  	_ = 	snop  }
.LBB2_10:
0x15c: {  	_ =	swait.ge [sflag:s7], $0x800;
	p1 =	sne.s32 s9, $0x18  }
.Ltmp6:
0x15d: {  	[sflag:s7] =	ssyncset.done $0x0;
	(pc) =	sbr.rel @!p1 .LBB2_11-.Ltmp6, $4  }
0x15e: {  	[sflag:s7] =	ssyncadd.s32 $0xFFFFF800  }
0x15f: {  	_ =	swait.ge [sflag:s7], $0x800  }
0x160: {  	[sflag:s7] =	ssyncset.done $0x0  }
0x161: {  	[sflag:s7] =	ssyncadd.s32 $0xFFFFF800  }
0x162: {  	s0 =	sshll.u32 s9, $0xC;
	s6 =	rddreg [dreg:$0x7]  }
0x163: {  	s0 =	sadd.s32 s0, s6  }
0x164: {  	s0 =	sshrl.u32 s0, $0x3  }
0x165: {  	s6 =	sadd.s32 s3, s0  }
0x166: {  	[tilespmem:s2], [sflag:$0x1] =	stream.linear.gather [hbm4b:s6+s2], $0x80, $0x38;
	[tilespmem:$0x13540] =	vst v63  }
0x167: {  	s11 =	simm.s32 $0x100;
	s10 =	sadd.s32 $0x10, s6  }
0x168: {  	[tilespmem:s11], [sflag:$0x1] =	stream.linear.gather [hbm4b:s10+s2], $0x80, $0x38;
	[tilespmem:$0x13540] =	vst v63  }
0x169: {  	s12 =	simm.s32 $0x200;
	s11 =	sadd.s32 $0x20, s6  }
0x16a: {  	[tilespmem:s12], [sflag:$0x1] =	stream.linear.gather [hbm4b:s11+s2], $0x80, $0x38;
	[tilespmem:$0x13540] =	vst v63  }
0x16b: {  	s15 =	simm.s32 $0x300;
	s14 =	sadd.s32 $0x30, s6  }
0x16c: {  	[tilespmem:s15], [sflag:$0x1] =	stream.linear.gather [hbm4b:s14+s2], $0x80, $0x38;
	[tilespmem:$0x13540] =	vst v63  }
0x16d: {  	s11 =	sadd.s32 $0x40, s6;
	s12 =	simm.s32 $0x400  }
0x16e: {  	[tilespmem:s12], [sflag:$0x1] =	stream.linear.gather [hbm4b:s11+s2], $0x80, $0x38;
	[tilespmem:$0x13540] =	vst v63  }
0x16f: {  	s14 =	sadd.s32 $0x50, s6;
	s15 =	simm.s32 $0x500  }
0x170: {  	[tilespmem:s15], [sflag:$0x1] =	stream.linear.gather [hbm4b:s14+s2], $0x80, $0x38;
	[tilespmem:$0x13540] =	vst v63  }
0x171: {  	s11 =	sadd.s32 $0x60, s6;
	s12 =	simm.s32 $0x600  }
0x172: {  	[tilespmem:s12], [sflag:$0x1] =	stream.linear.gather [hbm4b:s11+s2], $0x80, $0x38;
	[tilespmem:$0x13540] =	vst v63  }
0x173: {  	s14 =	sadd.s32 $0x70, s6;
	s15 =	simm.s32 $0x700  }
0x174: {  	[tilespmem:s15], [sflag:$0x1] =	stream.linear.gather [hbm4b:s14+s2], $0x80, $0x38;
	[tilespmem:$0x13540] =	vst v63  }
0x175: {  	s11 =	sadd.s32 $0x80, s6;
	s12 =	simm.s32 $0x800  }
0x176: {  	[tilespmem:s12], [sflag:$0x1] =	stream.linear.gather [hbm4b:s11+s2], $0x80, $0x38;
	[tilespmem:$0x13540] =	vst v63  }
0x177: {  	s14 =	sadd.s32 $0x90, s6;
	s15 =	simm.s32 $0x900  }
0x178: {  	[tilespmem:s15], [sflag:$0x1] =	stream.linear.gather [hbm4b:s14+s2], $0x80, $0x38;
	[tilespmem:$0x13540] =	vst v63  }
0x179: {  	s11 =	sadd.s32 $0xA0, s6;
	s12 =	simm.s32 $0xA00  }
0x17a: {  	[tilespmem:s12], [sflag:$0x1] =	stream.linear.gather [hbm4b:s11+s2], $0x80, $0x38;
	[tilespmem:$0x13540] =	vst v63  }
0x17b: {  	s14 =	sadd.s32 $0xB0, s6;
	s15 =	simm.s32 $0xB00  }
0x17c: {  	[tilespmem:s15], [sflag:$0x1] =	stream.linear.gather [hbm4b:s14+s2], $0x80, $0x38;
	[tilespmem:$0x13540] =	vst v63  }
0x17d: {  	s11 =	sadd.s32 $0xC0, s6;
	s12 =	simm.s32 $0xC00  }
0x17e: {  	[tilespmem:s12], [sflag:$0x1] =	stream.linear.gather [hbm4b:s11+s2], $0x80, $0x38;
	[tilespmem:$0x13540] =	vst v63  }
0x17f: {  	s14 =	sadd.s32 $0xD0, s6;
	s15 =	simm.s32 $0xD00  }
0x180: {  	[tilespmem:s15], [sflag:$0x1] =	stream.linear.gather [hbm4b:s14+s2], $0x80, $0x38;
	[tilespmem:$0x13540] =	vst v63  }
0x181: {  	s12 =	sadd.s32 $0xE0, s6;
	s14 =	simm.s32 $0xE00  }
0x182: {  	[tilespmem:s14], [sflag:$0x1] =	stream.linear.gather [hbm4b:s12+s2], $0x80, $0x38;
	[tilespmem:$0x13540] =	vst v63  }
0x183: {  	s6 =	sadd.s32 $0xF0, s6;
	s15 =	simm.s32 $0xF00  }
0x184: {  	[tilespmem:s15], [sflag:$0x1] =	stream.linear.gather [hbm4b:s6+s2], $0x80, $0x38;
	[tilespmem:$0x13540] =	vst v63  }
0x185: {  	s0 =	sadd.s32 s5, s0;
	s10 =	simm.s32 $0x1000  }
0x186: {  	[tilespmem:s10], [sflag:$0x1] =	stream.linear.gather [hbm4b:s0+s2], $0x80, $0x38;
	[tilespmem:$0x13540] =	vst v63  }
0x187: {  	s11 =	sadd.s32 $0x10, s0;
	s12 =	simm.s32 $0x1100  }
0x188: {  	[tilespmem:s12], [sflag:$0x1] =	stream.linear.gather [hbm4b:s11+s2], $0x80, $0x38;
	[tilespmem:$0x13540] =	vst v63  }
0x189: {  	s14 =	sadd.s32 $0x20, s0;
	s15 =	simm.s32 $0x1200  }
0x18a: {  	[tilespmem:s15], [sflag:$0x1] =	stream.linear.gather [hbm4b:s14+s2], $0x80, $0x38;
	[tilespmem:$0x13540] =	vst v63  }
0x18b: {  	s11 =	sadd.s32 $0x30, s0;
	s12 =	simm.s32 $0x1300  }
0x18c: {  	[tilespmem:s12], [sflag:$0x1] =	stream.linear.gather [hbm4b:s11+s2], $0x80, $0x38;
	[tilespmem:$0x13540] =	vst v63  }
0x18d: {  	s14 =	sadd.s32 $0x40, s0;
	s15 =	simm.s32 $0x1400  }
0x18e: {  	[tilespmem:s15], [sflag:$0x1] =	stream.linear.gather [hbm4b:s14+s2], $0x80, $0x38;
	[tilespmem:$0x13540] =	vst v63  }
0x18f: {  	s11 =	sadd.s32 $0x50, s0;
	s12 =	simm.s32 $0x1500  }
0x190: {  	[tilespmem:s12], [sflag:$0x1] =	stream.linear.gather [hbm4b:s11+s2], $0x80, $0x38;
	[tilespmem:$0x13540] =	vst v63  }
0x191: {  	s14 =	sadd.s32 $0x60, s0;
	s15 =	simm.s32 $0x1600  }
0x192: {  	[tilespmem:s15], [sflag:$0x1] =	stream.linear.gather [hbm4b:s14+s2], $0x80, $0x38;
	[tilespmem:$0x13540] =	vst v63  }
0x193: {  	s11 =	sadd.s32 $0x70, s0;
	s12 =	simm.s32 $0x1700  }
0x194: {  	[tilespmem:s12], [sflag:$0x1] =	stream.linear.gather [hbm4b:s11+s2], $0x80, $0x38;
	[tilespmem:$0x13540] =	vst v63  }
0x195: {  	s14 =	sadd.s32 $0x80, s0;
	s15 =	simm.s32 $0x1800  }
0x196: {  	[tilespmem:s15], [sflag:$0x1] =	stream.linear.gather [hbm4b:s14+s2], $0x80, $0x38;
	[tilespmem:$0x13540] =	vst v63  }
0x197: {  	s11 =	sadd.s32 $0x90, s0;
	s12 =	simm.s32 $0x1900  }
0x198: {  	[tilespmem:s12], [sflag:$0x1] =	stream.linear.gather [hbm4b:s11+s2], $0x80, $0x38;
	[tilespmem:$0x13540] =	vst v63  }
0x199: {  	s14 =	sadd.s32 $0xA0, s0;
	s15 =	simm.s32 $0x1A00  }
0x19a: {  	[tilespmem:s15], [sflag:$0x1] =	stream.linear.gather [hbm4b:s14+s2], $0x80, $0x38;
	[tilespmem:$0x13540] =	vst v63  }
0x19b: {  	s11 =	sadd.s32 $0xB0, s0;
	s12 =	simm.s32 $0x1B00  }
0x19c: {  	[tilespmem:s12], [sflag:$0x1] =	stream.linear.gather [hbm4b:s11+s2], $0x80, $0x38;
	[tilespmem:$0x13540] =	vst v63  }
0x19d: {  	s14 =	sadd.s32 $0xC0, s0;
	s15 =	simm.s32 $0x1C00  }
0x19e: {  	[tilespmem:s15], [sflag:$0x1] =	stream.linear.gather [hbm4b:s14+s2], $0x80, $0x38;
	[tilespmem:$0x13540] =	vst v63  }
0x19f: {  	s10 =	sadd.s32 $0xD0, s0;
	s11 =	simm.s32 $0x1D00  }
0x1a0: {  	[tilespmem:s11], [sflag:$0x1] =	stream.linear.gather [hbm4b:s10+s2], $0x80, $0x38;
	[tilespmem:$0x13540] =	vst v63  }
0x1a1: {  	s12 =	sadd.s32 $0xE0, s0;
	s14 =	simm.s32 $0x1E00  }
0x1a2: {  	[tilespmem:s14], [sflag:$0x1] =	stream.linear.gather [hbm4b:s12+s2], $0x80, $0x38;
	[tilespmem:$0x13540] =	vst v63  }
0x1a3: {  	s0 =	sadd.s32 $0xF0, s0;
	s15 =	simm.s32 $0x1F00  }
0x1a4: {  	[tilespmem:s15], [sflag:$0x1] =	stream.linear.gather [hbm4b:s0+s2], $0x80, $0x38;
	[tilespmem:$0x13540] =	vst v63  }
.LBB2_11:
0x1a5: {  	s10 =	simm.s32 $0xF0  }
0x1a6: {  	v0 =	vld [tilespmem:s10+$0xFFFFFF90]  }
0x1a7: {  	s6 =	simm.s32 $0x10F0  }
0x1a8: {  	v1 =	vld [tilespmem:s6+$0xFFFFFF90];
	_ =	sdelay $0x2  }
0x1a9: {  	v0 =	vmul.u32 $0x7, v0;
	_ =	sdelay $0x1  }
0x1aa: {  	s0 =	simm.s32 $0x20F0;
	v0 =	vadd.s32 v1, v0  }
0x1ab: {  	[tilespmem:s0+$0xFFFFFF90] =	vst v0  }
0x1ac: {  	v0 =	vld [tilespmem:s10+$0xFFFFFFA0];
	_ =	sdelay $0x1  }
0x1ad: {  	v57 =	vld [tilespmem:s6+$0xFFFFFFA0];
	_ =	sdelay $0x2  }
0x1ae: {  	v0 =	vmul.u32 $0x7, v0;
	_ =	sdelay $0x1  }
0x1af: {  	v0 =	vadd.s32 v57, v0  }
0x1b0: {  	[tilespmem:s0+$0xFFFFFFA0] =	vst v0  }
0x1b1: {  	v0 =	vld [tilespmem:s10+$0xFFFFFFB0];
	_ =	sdelay $0x1  }
0x1b2: {  	v58 =	vld [tilespmem:s6+$0xFFFFFFB0];
	_ =	sdelay $0x2  }
0x1b3: {  	v0 =	vmul.u32 $0x7, v0;
	_ =	sdelay $0x1  }
0x1b4: {  	v0 =	vadd.s32 v58, v0  }
0x1b5: {  	[tilespmem:s0+$0xFFFFFFB0] =	vst v0  }
0x1b6: {  	v0 =	vld [tilespmem:s10+$0xFFFFFFC0];
	_ =	sdelay $0x1  }
0x1b7: {  	v59 =	vld [tilespmem:s6+$0xFFFFFFC0];
	_ =	sdelay $0x2  }
0x1b8: {  	v0 =	vmul.u32 $0x7, v0;
	_ =	sdelay $0x1  }
0x1b9: {  	v0 =	vadd.s32 v59, v0  }
0x1ba: {  	[tilespmem:s0+$0xFFFFFFC0] =	vst v0  }
0x1bb: {  	v0 =	vld [tilespmem:s10+$0xFFFFFFD0];
	_ =	sdelay $0x1  }
0x1bc: {  	v60 =	vld [tilespmem:s6+$0xFFFFFFD0];
	_ =	sdelay $0x2  }
0x1bd: {  	v0 =	vmul.u32 $0x7, v0;
	_ =	sdelay $0x1  }
0x1be: {  	v0 =	vadd.s32 v60, v0  }
0x1bf: {  	[tilespmem:s0+$0xFFFFFFD0] =	vst v0  }
0x1c0: {  	v0 =	vld [tilespmem:s10+$0xFFFFFFE0];
	_ =	sdelay $0x1  }
0x1c1: {  	v61 =	vld [tilespmem:s6+$0xFFFFFFE0];
	_ =	sdelay $0x2  }
0x1c2: {  	v0 =	vmul.u32 $0x7, v0;
	_ =	sdelay $0x1  }
0x1c3: {  	v0 =	vadd.s32 v61, v0  }
0x1c4: {  	[tilespmem:s0+$0xFFFFFFE0] =	vst v0  }
0x1c5: {  	v0 =	vld [tilespmem:s10+$0xFFFFFFF0];
	_ =	sdelay $0x1  }
0x1c6: {  	v62 =	vld [tilespmem:s6+$0xFFFFFFF0];
	_ =	sdelay $0x2  }
0x1c7: {  	v0 =	vmul.u32 $0x7, v0;
	_ =	sdelay $0x1  }
0x1c8: {  	v0 =	vadd.s32 v62, v0  }
0x1c9: {  	[tilespmem:s0+$0xFFFFFFF0] =	vst v0  }
0x1ca: {  	v0 =	vld [tilespmem:s10+$0x0];
	_ =	sdelay $0x1  }
0x1cb: {  	v63 =	vld [tilespmem:s6+$0x0];
	_ =	sdelay $0x2  }
0x1cc: {  	v0 =	vmul.u32 $0x7, v0;
	_ =	sdelay $0x1  }
0x1cd: {  	v0 =	vadd.s32 v63, v0  }
0x1ce: {  	s11 =	simm.s32 $0x1F0;
	s10 =	simm.s32 $0x0;
	[tilespmem:s0+$0x0] =	vst v0  }
.LBB2_12:
0x1cf: {  	v0 =	vld [tilespmem:s11+$0xFFFFFF90];
	s10 =	sadd.s32 $0x8, s10;
	s6 =	sadd.s32 $0x100, s6  }
0x1d0: {  	v1 =	vld [tilespmem:s6+$0xFFFFFF90];
	p1 =	slt.u32 s10, $0x78;
	_ =	sdelay $0x3  }
0x1d1: {  	v0 =	vmul.u32 $0x7, v0;
	_ =	sdelay $0x1  }
0x1d2: {  	s0 =	sadd.s32 $0x100, s0;
	v0 =	vadd.s32 v1, v0  }
0x1d3: {  	[tilespmem:s0+$0xFFFFFF90] =	vst v0  }
0x1d4: {  	v0 =	vld [tilespmem:s11+$0xFFFFFFA0];
	_ =	sdelay $0x1  }
0x1d5: {  	v1 =	vld [tilespmem:s6+$0xFFFFFFA0];
	_ =	sdelay $0x2  }
0x1d6: {  	v0 =	vmul.u32 $0x7, v0;
	_ =	sdelay $0x1  }
0x1d7: {  	v0 =	vadd.s32 v1, v0  }
0x1d8: {  	[tilespmem:s0+$0xFFFFFFA0] =	vst v0  }
0x1d9: {  	v0 =	vld [tilespmem:s11+$0xFFFFFFB0];
	_ =	sdelay $0x1  }
0x1da: {  	v1 =	vld [tilespmem:s6+$0xFFFFFFB0];
	_ =	sdelay $0x2  }
0x1db: {  	v0 =	vmul.u32 $0x7, v0;
	_ =	sdelay $0x1  }
0x1dc: {  	v0 =	vadd.s32 v1, v0  }
0x1dd: {  	[tilespmem:s0+$0xFFFFFFB0] =	vst v0  }
0x1de: {  	v0 =	vld [tilespmem:s11+$0xFFFFFFC0];
	_ =	sdelay $0x1  }
0x1df: {  	v1 =	vld [tilespmem:s6+$0xFFFFFFC0];
	_ =	sdelay $0x2  }
0x1e0: {  	v0 =	vmul.u32 $0x7, v0;
	_ =	sdelay $0x1  }
0x1e1: {  	v0 =	vadd.s32 v1, v0  }
0x1e2: {  	[tilespmem:s0+$0xFFFFFFC0] =	vst v0  }
0x1e3: {  	v0 =	vld [tilespmem:s11+$0xFFFFFFD0];
	_ =	sdelay $0x1  }
0x1e4: {  	v1 =	vld [tilespmem:s6+$0xFFFFFFD0];
	_ =	sdelay $0x2  }
0x1e5: {  	v0 =	vmul.u32 $0x7, v0;
	_ =	sdelay $0x1  }
0x1e6: {  	v0 =	vadd.s32 v1, v0  }
0x1e7: {  	[tilespmem:s0+$0xFFFFFFD0] =	vst v0  }
0x1e8: {  	v0 =	vld [tilespmem:s11+$0xFFFFFFE0];
	_ =	sdelay $0x1  }
0x1e9: {  	v1 =	vld [tilespmem:s6+$0xFFFFFFE0];
	_ =	sdelay $0x2  }
0x1ea: {  	v0 =	vmul.u32 $0x7, v0;
	_ =	sdelay $0x1  }
0x1eb: {  	v0 =	vadd.s32 v1, v0  }
0x1ec: {  	[tilespmem:s0+$0xFFFFFFE0] =	vst v0  }
0x1ed: {  	v0 =	vld [tilespmem:s11+$0xFFFFFFF0]  }
0x1ee: {  	v1 =	vld [tilespmem:s6+$0xFFFFFFF0];
	_ =	sdelay $0x3  }
0x1ef: {  	v0 =	vmul.u32 $0x7, v0;
	_ =	sdelay $0x1  }
0x1f0: {  	v0 =	vadd.s32 v1, v0  }
0x1f1: {  	[tilespmem:s0+$0xFFFFFFF0] =	vst v0  }
0x1f2: {  	v0 =	vld [tilespmem:s11+$0x0]  }
0x1f3: {  	v1 =	vld [tilespmem:s6+$0x0];
	_ =	sdelay $0x2  }
.Ltmp7:
0x1f4: {  	(pc) =	sbr.rel @p1 .LBB2_12-.Ltmp7, $3  }
0x1f5: {  	v0 =	vmul.u32 $0x7, v0;
	_ =	sdelay $0x1  }
0x1f6: {  	v0 =	vadd.s32 v1, v0  }
0x1f7: {  	s11 =	sadd.s32 $0x100, s11;
	[tilespmem:s0+$0x0] =	vst v0  }
0x1f8: {  	s0 =	sshll.u32 s31, $0x4;
	s6 =	simm.s32 $0x0;
	p1 =	por $0x1, $0x1  }
.LBB2_14:
0x1f9: {  	_ =	swait.ge [sflag:s24], $0x4000;
	s10 =	sshll.u32 s6, $0xA  }
0x1fa: {  	[sflag:s24] =	ssyncset.done $0x0;
	s10 =	sand.u32 $0x3FFFFC00, s10  }
0x1fb: {  	s11 =	sshll.u32 s6, $0x2;
	[sflag:s24] =	ssyncadd.s32 $0xFFFFC000;
	s10 =	sadd.s32 $0x2080, s10  }
0x1fc: {  	[tilespmem:s22], [sflag:$0x3] =	stream.indirect.gather [spmem:s1], $0x80, s10, s30, $0xb8;
	[tilespmem:$0x13540] =	vst v63  }
0x1fd: {  	s12 =	sor.u32 s0, s11;
	_ =	swait.ge [sflag:s25], $0x4000  }
0x1fe: {  	s10 =	sshll.u32 s12, $0xB;
	[sflag:s25] =	ssyncset.done $0x0  }
0x1ff: {  	s14 =	sor.u32 $0x1, s11;
	s10 =	sadd.s32 s13, s10;
	[sflag:s25] =	ssyncadd.s32 $0xFFFFC000  }
0x200: {  	[hbm4b:s10+s2] =	stream.linear.scatter [tilespmem:s18], [sflag:$0x9], $0x4000, $0x38;
	[tilespmem:$0x13540] =	vst v63  }
0x201: {  	s12 =	sshll.u32 s14, $0x8;
	_ =	swait.ge [sflag:s17], $0x4000  }
0x202: {  	s12 =	sand.u32 $0x3FFFFD00, s12;
	[sflag:s17] =	ssyncset.done $0x0  }
0x203: {  	s12 =	sadd.s32 $0x2080, s12;
	[sflag:s17] =	ssyncadd.s32 $0xFFFFC000  }
0x204: {  	[tilespmem:s19], [sflag:$0x4] =	stream.indirect.gather [spmem:s1], $0x80, s12, s30, $0xb8;
	[tilespmem:$0x13540] =	vst v63  }
0x205: {  	s10 =	sor.u32 s0, s14;
	_ =	swait.ge [sflag:s21], $0x4000  }
0x206: {  	s10 =	sshll.u32 s10, $0xB;
	[sflag:s21] =	ssyncset.done $0x0  }
0x207: {  	s15 =	sor.u32 $0x2, s11;
	s10 =	sadd.s32 s13, s10;
	[sflag:s21] =	ssyncadd.s32 $0xFFFFC000  }
0x208: {  	[hbm4b:s10+s2] =	stream.linear.scatter [tilespmem:s16], [sflag:$0xA], $0x4000, $0x38;
	[tilespmem:$0x13540] =	vst v63  }
0x209: {  	s11 =	sshll.u32 s15, $0x8;
	_ =	swait.ge [sflag:s26], $0x4000  }
0x20a: {  	s11 =	sand.u32 $0x3FFFFE00, s11;
	[sflag:s26] =	ssyncset.done $0x0  }
0x20b: {  	s11 =	sadd.s32 $0x2080, s11;
	[sflag:s26] =	ssyncadd.s32 $0xFFFFC000  }
0x20c: {  	[tilespmem:s18], [sflag:$0x5] =	stream.indirect.gather [spmem:s1], $0x80, s11, s30, $0xb8;
	[tilespmem:$0x13540] =	vst v63  }
0x20d: {  	s10 =	sor.u32 s0, s15;
	_ =	swait.ge [sflag:s20], $0x4000  }
0x20e: {  	s10 =	sshll.u32 s10, $0xB;
	[sflag:s20] =	ssyncset.done $0x0  }
0x20f: {  	s31 =	sshllo.u32 s6, $0x2;
	s10 =	sadd.s32 s13, s10;
	[sflag:s20] =	ssyncadd.s32 $0xFFFFC000  }
0x210: {  	[hbm4b:s10+s2] =	stream.linear.scatter [tilespmem:s22], [sflag:$0x7], $0x4000, $0x38;
	[tilespmem:$0x13540] =	vst v63  }
0x211: {  	s12 =	sshll.u32 s31, $0x8;
	_ =	swait.ge [sflag:s28], $0x4000  }
0x212: {  	s11 =	sand.u32 $0x3FFFFF00, s12;
	[sflag:s28] =	ssyncset.done $0x0  }
0x213: {  	s11 =	sadd.s32 $0x2080, s11;
	[sflag:s28] =	ssyncadd.s32 $0xFFFFC000  }
0x214: {  	[tilespmem:s16], [sflag:$0x6] =	stream.indirect.gather [spmem:s1], $0x80, s11, s30, $0xb8;
	[tilespmem:$0x13540] =	vst v63  }
0x215: {  	s10 =	sor.u32 s0, s31;
	_ =	swait.ge [sflag:s23], $0x4000  }
0x216: {  	s10 =	sshll.u32 s10, $0xB;
	[sflag:s23] =	ssyncset.done $0x0  }
0x217: {  	s6 =	sor.u32 $0x1, s6;
	s10 =	sadd.s32 s13, s10;
	[sflag:s23] =	ssyncadd.s32 $0xFFFFC000  }
0x218: {  	[hbm4b:s10+s2] =	stream.linear.scatter [tilespmem:s19], [sflag:$0x8], $0x4000, $0x38;
	[tilespmem:$0x13540] =	vst v63  }
0x219: {  	s14 =	sshll.u32 s6, $0xA;
	_ =	swait.ge [sflag:s24], $0x4000  }
0x21a: {  	s10 =	sand.u32 $0x3FFFFC00, s14;
	[sflag:s24] =	ssyncset.done $0x0  }
0x21b: {  	s11 =	sshll.u32 s6, $0x2;
	s10 =	sadd.s32 $0x2080, s10;
	[sflag:s24] =	ssyncadd.s32 $0xFFFFC000  }
0x21c: {  	[tilespmem:s22], [sflag:$0x3] =	stream.indirect.gather [spmem:s1], $0x80, s10, s30, $0xb8;
	[tilespmem:$0x13540] =	vst v63  }
0x21d: {  	s15 =	sor.u32 s0, s11;
	_ =	swait.ge [sflag:s25], $0x4000  }
0x21e: {  	s10 =	sshll.u32 s15, $0xB;
	[sflag:s25] =	ssyncset.done $0x0  }
0x21f: {  	s31 =	sor.u32 $0x1, s11;
	s10 =	sadd.s32 s13, s10;
	[sflag:s25] =	ssyncadd.s32 $0xFFFFC000  }
0x220: {  	[hbm4b:s10+s2] =	stream.linear.scatter [tilespmem:s18], [sflag:$0x9], $0x4000, $0x38;
	[tilespmem:$0x13540] =	vst v63  }
0x221: {  	s14 =	sshll.u32 s31, $0x8;
	_ =	swait.ge [sflag:s17], $0x4000  }
0x222: {  	s12 =	sand.u32 $0x3FFFFD00, s14;
	[sflag:s17] =	ssyncset.done $0x0  }
0x223: {  	s12 =	sadd.s32 $0x2080, s12;
	[sflag:s17] =	ssyncadd.s32 $0xFFFFC000  }
0x224: {  	[tilespmem:s19], [sflag:$0x4] =	stream.indirect.gather [spmem:s1], $0x80, s12, s30, $0xb8;
	[tilespmem:$0x13540] =	vst v63  }
0x225: {  	s10 =	sor.u32 s0, s31;
	_ =	swait.ge [sflag:s21], $0x4000  }
0x226: {  	s10 =	sshll.u32 s10, $0xB;
	[sflag:s21] =	ssyncset.done $0x0  }
0x227: {  	s15 =	sor.u32 $0x2, s11;
	s10 =	sadd.s32 s13, s10;
	[sflag:s21] =	ssyncadd.s32 $0xFFFFC000  }
0x228: {  	[hbm4b:s10+s2] =	stream.linear.scatter [tilespmem:s16], [sflag:$0xA], $0x4000, $0x38;
	[tilespmem:$0x13540] =	vst v63  }
0x229: {  	s11 =	sshll.u32 s15, $0x8;
	_ =	swait.ge [sflag:s26], $0x4000  }
0x22a: {  	s11 =	sand.u32 $0x3FFFFE00, s11;
	[sflag:s26] =	ssyncset.done $0x0  }
0x22b: {  	s11 =	sadd.s32 $0x2080, s11;
	[sflag:s26] =	ssyncadd.s32 $0xFFFFC000  }
0x22c: {  	[tilespmem:s18], [sflag:$0x5] =	stream.indirect.gather [spmem:s1], $0x80, s11, s30, $0xb8;
	[tilespmem:$0x13540] =	vst v63  }
0x22d: {  	s10 =	sor.u32 s0, s15;
	_ =	swait.ge [sflag:s20], $0x4000  }
0x22e: {  	s10 =	sshll.u32 s10, $0xB;
	[sflag:s20] =	ssyncset.done $0x0  }
0x22f: {  	s6 =	sshllo.u32 s6, $0x2;
	s10 =	sadd.s32 s13, s10;
	[sflag:s20] =	ssyncadd.s32 $0xFFFFC000  }
0x230: {  	[hbm4b:s10+s2] =	stream.linear.scatter [tilespmem:s22], [sflag:$0x7], $0x4000, $0x38;
	[tilespmem:$0x13540] =	vst v63  }
0x231: {  	s31 =	sshll.u32 s6, $0x8;
	_ =	swait.ge [sflag:s28], $0x4000  }
0x232: {  	s10 =	sand.u32 $0x3FFFFF00, s31;
	[sflag:s28] =	ssyncset.done $0x0  }
0x233: {  	p2 =	por p1, p1;
	s10 =	sadd.s32 $0x2080, s10;
	[sflag:s28] =	ssyncadd.s32 $0xFFFFC000  }
0x234: {  	[tilespmem:s16], [sflag:$0x6] =	stream.indirect.gather [spmem:s1], $0x80, s10, s30, $0xb8;
	[tilespmem:$0x13540] =	vst v63  }
.Ltmp8:
0x235: {  	s6 =	sor.u32 s0, s6;
	_ =	swait.ge [sflag:s23], $0x4000;
	(pc) =	sbr.rel @p2 .LBB2_14-.Ltmp8, $4  }
0x236: {  	s6 =	sshll.u32 s6, $0xB;
	[sflag:s23] =	ssyncset.done $0x0  }
0x237: {  	s6 =	sadd.s32 s13, s6;
	[sflag:s23] =	ssyncadd.s32 $0xFFFFC000  }
0x238: {  	[hbm4b:s6+s2] =	stream.linear.scatter [tilespmem:s19], [sflag:$0x8], $0x4000, $0x38;
	[tilespmem:$0x13540] =	vst v63  }
0x239: {  	p1 =	por $0x0, $0x0;
	s6 =	simm.s32 $0x2  }
0x23a: {  	s9 =	sadd.s32 $0x1, s9  }
0x23b: {  	p1 =	sne.s32 s9, $0x19  }
.Ltmp9:
0x23c: {  	_ = 	snop;
	(pc) =	sbr.rel @p1 .LBB2_2-.Ltmp9, $1  }
0x23d: {  	_ =	sdelay $0x3  }
0x23e: {  	_ =	swait.ge [sflag:s25], $0x4000  }
0x23f: {  	[sflag:s25] =	ssyncset.done $0x0  }
0x240: {  	s0 =	rddreg [dreg:$0x8];
	[sflag:s25] =	ssyncadd.s32 $0xFFFFC000  }
0x241: {  	[hbm4b:s0+s2] =	stream.linear.scatter [tilespmem:s18], [sflag:$0x9], $0x4000, $0x38;
	[tilespmem:$0x13540] =	vst v63  }
0x242: {  	_ =	swait.ge [sflag:s21], $0x4000  }
0x243: {  	[sflag:s21] =	ssyncset.done $0x0  }
0x244: {  	s15 =	rddreg [dreg:$0x9];
	[sflag:s21] =	ssyncadd.s32 $0xFFFFC000  }
0x245: {  	[hbm4b:s15+s2] =	stream.linear.scatter [tilespmem:s16], [sflag:$0xA], $0x4000, $0x38;
	[tilespmem:$0x13540] =	vst v63  }
0x246: {  	_ =	swait.ge [sflag:s24], $0x4000  }
0x247: {  	[sflag:s24] =	ssyncset.done $0x0  }
0x248: {  	[sflag:s24] =	ssyncadd.s32 $0xFFFFC000  }
0x249: {  	_ =	swait.ge [sflag:s17], $0x4000  }
0x24a: {  	[sflag:s17] =	ssyncset.done $0x0  }
0x24b: {  	[sflag:s17] =	ssyncadd.s32 $0xFFFFC000  }
0x24c: {  	_ =	swait.ge [sflag:s26], $0x4000  }
0x24d: {  	[sflag:s26] =	ssyncset.done $0x0  }
0x24e: {  	[sflag:s26] =	ssyncadd.s32 $0xFFFFC000  }
0x24f: {  	_ =	swait.ge [sflag:s28], $0x4000  }
0x250: {  	s6 =	rddreg [dreg:$0x10]  }
0x251: {  	s31 =	rddreg [dreg:$0xa];
	s6 =	sadd.s32 $0x1, s6  }
0x252: {  	p1 =	sne.s32 s6, s31  }
.Ltmp10:
0x253: {  	_ = 	snop;
	(pc) =	sbr.rel @p1 .LBB2_1-.Ltmp10, $3  }
0x254: {  	_ =	sdelay $0x1  }
0x255: {  	[sflag:s28] =	ssyncset.done $0x0  }
0x256: {  	[sflag:s28] =	ssyncadd.s32 $0xFFFFC000  }
0x257: {  	_ =	sfence.sel $0x180000  }
0x258: {  	[bflag:$0x0] =	sbarrier.arrive $0xFFFF  }
0x259: {  	_ =	strace $0x90000047  }
0x25a: {  	[bflag:$0x2] =	sbarrier.arrive $0xFFFF  }
0x25b: {  	s0 =	rddreg [dreg:$0x3]  }
0x25c: {  	s0 =	sadd.s32 @!p0 $0x100000, s0  }
0x25d: {  	[sflag:s0] =	ssyncadd.tile.s32 @!p0 $0x1;
	_ =	shalt  }
.Lfunc_end2:
_tile_overlayer_lowered:
.L_overlay_start_2:
0x25e: {  	(tag) =	ssettag $0x2  }
0x25f: {  	s0 =	rddreg [dreg:$0x0];
	s2 =	stileid.u32  }
0x260: {  	s1 =	rddreg [dreg:$0x1];
	p0 =	sne.s32 s2, $0x0  }
0x261: {  	s3 =	rddreg [dreg:$0x2];
	[bflag:$0x3] =	sbarrier.arrive $0xFFFF;
	s2 =	simm.s32 @!p0 $0x1C0B  }
0x262: {  	[timem:s3], [sflag:s2] =	dma.local @!p0 [hbm:s0], s1  }
0x263: {  	s0 =	simm.s32 @!p0 $0xB  }
0x264: {  	_ =	swait.ge @!p0 [sflag:s0], s1  }
0x265: {  	s1 =	ssub.s32 @!p0 $0x0, s1;
	[sflag:s0] =	ssyncset.done @!p0 $0x0  }
0x266: {  	[sflag:s0] =	ssyncadd.s32 @!p0 s1  }
0x267: {  	[bflag:$0x3] =	sbarrier.arrive $0xFFFF  }
0x268: {  	_ =	shalt  }

</sc_bundles>
